<compile_context>
chip_gen: v7x
topology: tpu7x:2x2x1
jax: 0.10.2.dev20260603
libtpu: 0.0.44.dev20260713+nightly
codegen_flags: <defaults>
</compile_context>

<pallas_src>
import functools

import jax
import jax.numpy as jnp
from jax import lax
from jax.experimental import pallas as pl
from jax.experimental.pallas import tpu as pltpu
from jax.experimental.pallas import tpu_sc as plsc

_N = 10000
_E = 320000
_D = 128
_NC = 2
_NS = 16
_NW = _NC * _NS
_EPT = _E // _NW
_CH = 125
_EB = _E // _CH
_CPT = _EPT // _CH
_NP = 10240
_RPT = _NP // _NS

_mesh = plsc.VectorSubcoreMesh(core_axis_name="c", subcore_axis_name="s")


def _fill2d(ref, rows, val):
    v = jnp.full((16,), val, jnp.float32)

    def _o(i, _):
        def _i(j, _):
            ref[i, pl.ds(j * 16, 16)] = v
            return 0

        lax.fori_loop(0, _D // 16, _i, 0)
        return 0

    lax.fori_loop(0, rows, _o, 0)


def _zero_stripe(src_v, acc_sh, s):
    sb = s * _RPT

    def _z(k, _):
        pltpu.sync_copy(src_v.at[pl.ds(0, 80)],
                        acc_sh.at[pl.ds(sb + k * 80, 80)])
        return 0

    lax.fori_loop(0, _RPT // 80, _z, 0)


def _stripe_out(acc_sh, out_hbm, c, s):
    sb = s * _RPT
    pltpu.sync_copy(acc_sh.at[pl.ds(sb, _RPT)], out_hbm.at[c, pl.ds(sb, _RPT)])


@functools.partial(
    pl.kernel,
    out_type=jax.ShapeDtypeStruct((_NC, _NP, _D), jnp.float32),
    mesh=_mesh,
    scratch_types=[
        pltpu.VMEM((_CPT, _CH), jnp.int32),
        pltpu.VMEM((_CH, _D), jnp.float32),
        pltpu.VMEM_SHARED((_NP, _D), jnp.float32),
        pltpu.SemaphoreType.DMA,
    ],
)
def _deg_kernel(dstb_hbm, out_hbm, didx_v, ones_v, deg_sh, sem):
    c = lax.axis_index("c")
    s = lax.axis_index("s")
    wid = c * _NS + s
    rbase = wid * _CPT

    pltpu.sync_copy(dstb_hbm.at[pl.ds(rbase, _CPT)], didx_v)
    _fill2d(ones_v, _CH, 0.0)
    _zero_stripe(ones_v, deg_sh, s)
    _fill2d(ones_v, _CH, 1.0)
    plsc.subcore_barrier()

    def _fire(i, _):
        pltpu.async_copy(ones_v, deg_sh.at[didx_v.at[i]], sem, add=True)
        return 0

    lax.fori_loop(0, _CPT, _fire, 0)

    def _drain(i, _):
        pltpu.make_async_copy(ones_v, deg_sh.at[didx_v.at[0]], sem).wait()
        return 0

    lax.fori_loop(0, _CPT, _drain, 0)
    plsc.subcore_barrier()
    _stripe_out(deg_sh, out_hbm, c, s)


_NPAIR = _CPT // 16


@functools.partial(
    pl.kernel,
    out_type=jax.ShapeDtypeStruct((_NC, _NP, _D), jnp.float32),
    mesh=_mesh,
    scratch_types=[
        pltpu.VMEM((8, _CH), jnp.int32),
        pltpu.VMEM((8, _CH), jnp.int32),
        pltpu.VMEM((8, _CH), jnp.int32),
        pltpu.VMEM((8, _CH), jnp.int32),
        pltpu.VMEM((_CH, _D), jnp.float32),
        pltpu.VMEM((_CH, _D), jnp.float32),
        pltpu.VMEM_SHARED((_NP, _D), jnp.float32),
        pltpu.SemaphoreType.DMA,
        pltpu.SemaphoreType.DMA,
        pltpu.SemaphoreType.DMA,
        pltpu.SemaphoreType.DMA,
        pltpu.SemaphoreType.DMA,
        pltpu.SemaphoreType.DMA,
    ],
)
def _agg_kernel(hp_hbm, srcb_hbm, dstb_hbm, out_hbm, s0, s1, d0, d1, ra, rb,
                acc_sh, ga, gb, sa, sb, i0, i1):
    c = lax.axis_index("c")
    s = lax.axis_index("s")
    wid = c * _NS + s
    rbase = wid * _CPT

    sidx = (s0, s1)
    didx = (d0, d1)
    rows = (ra, rb)
    gsem = (ga, gb)
    ssem = (sa, sb)
    isem = (i0, i1)

    def _ldidx(o, st):
        pltpu.async_copy(srcb_hbm.at[pl.ds(rbase + o * 8, 8)], sidx[st],
                         isem[st])
        pltpu.async_copy(dstb_hbm.at[pl.ds(rbase + o * 8, 8)], didx[st],
                         isem[st])

    def _widx(st):
        pltpu.make_async_copy(srcb_hbm.at[pl.ds(rbase, 8)], sidx[st],
                              isem[st]).wait()
        pltpu.make_async_copy(dstb_hbm.at[pl.ds(rbase, 8)], didx[st],
                              isem[st]).wait()

    def _g(st, row, b):
        pltpu.async_copy(hp_hbm.at[sidx[st].at[row]], rows[b], gsem[b])

    def _wg(b):
        pltpu.make_async_copy(hp_hbm.at[sidx[0].at[0]], rows[b],
                              gsem[b]).wait()

    def _sc(st, row, b):
        pltpu.async_copy(rows[b], acc_sh.at[didx[st].at[row]], ssem[b],
                         priority=1, add=True)

    def _ws(b):
        pltpu.make_async_copy(rows[b], acc_sh.at[didx[0].at[0]],
                              ssem[b]).wait()

    _fill2d(ra, 80, 0.0)
    _zero_stripe(ra, acc_sh, s)
    plsc.subcore_barrier()

    _ldidx(0, 0)
    _widx(0)
    _g(0, 0, 0)
    _g(0, 1, 1)

    def _body(q, _):
        for jj in range(16):
            ci = 16 * q + jj
            b = jj % 2
            _wg(b)
            st, row = (0, jj) if jj < 8 else (1, jj - 8)
            _sc(st, row, b)
            if jj == 1:
                _ldidx(2 * q + 1, 1)
            if jj == 9:
                @pl.when(q < _NPAIR - 1)
                def _():
                    _ldidx(2 * q + 2, 0)
            if jj == 6:
                _widx(1)
            _ws(b)
            if jj < 6:
                gst, grow = 0, jj + 2
            elif jj < 14:
                gst, grow = 1, jj - 6
            else:
                gst, grow = 0, jj - 14
            if jj >= 14:
                @pl.when(q < _NPAIR - 1)
                def _():
                    if jj == 14:
                        _widx(0)
                    _g(gst, grow, b)
            else:
                _g(gst, grow, b)
        return 0

    lax.fori_loop(0, _NPAIR, _body, 0)
    plsc.subcore_barrier()
    _stripe_out(acc_sh, out_hbm, c, s)


_BM = 1000


def _dis(deg_ref):
    return lax.rsqrt(deg_ref[0] + deg_ref[1] + 1.0)


def _mm1_body(x_ref, w_ref, o_ref):
    o_ref[...] = jnp.dot(x_ref[...], w_ref[...],
                         preferred_element_type=jnp.float32)


def _scale_body(deg_ref, h_ref, o_ref):
    o_ref[...] = h_ref[...] * _dis(deg_ref)


def _mid_body(deg_ref, p_ref, hp_ref, b_ref, w_ref, o_ref):
    dis = _dis(deg_ref)
    z = (p_ref[0] + p_ref[1] + hp_ref[...]) * dis + b_ref[...]
    z = jnp.maximum(z, 0.0)
    o_ref[...] = jnp.dot(z, w_ref[...],
                         preferred_element_type=jnp.float32) * dis


def _fin_body(deg_ref, p_ref, hp_ref, b2_ref, wp1_ref, bp1_ref, wp2_ref,
              bp2_ref, o_ref):
    dis = _dis(deg_ref)
    z = (p_ref[0] + p_ref[1] + hp_ref[...]) * dis + b2_ref[...]
    z = jnp.maximum(z, 0.0)
    y = jnp.dot(z, wp1_ref[...], preferred_element_type=jnp.float32)
    y = y + bp1_ref[...]
    y = jnp.dot(y, wp2_ref[...], preferred_element_type=jnp.float32)
    y = y + bp2_ref[...]
    m = jnp.max(y, axis=1, keepdims=True)
    e = jnp.exp(y - m)
    o_ref[...] = y - m - jnp.log(jnp.sum(e, axis=1, keepdims=True))


_deg_spec = pl.BlockSpec((_NC, _BM, 1), lambda i: (0, i, 0))
_row_spec = pl.BlockSpec((_BM, _D), lambda i: (i, 0))
_p_spec = pl.BlockSpec((_NC, _BM, _D), lambda i: (0, i, 0))
_w_spec = pl.BlockSpec((_D, _D), lambda i: (0, 0))
_b_spec = pl.BlockSpec((1, _D), lambda i: (0, 0))
_grid = (_N // _BM,)
_row_out = jax.ShapeDtypeStruct((_N, _D), jnp.float32)

_mm1 = pl.pallas_call(
    _mm1_body, grid=_grid,
    in_specs=[_row_spec, _w_spec],
    out_specs=_row_spec, out_shape=_row_out)

_scale = pl.pallas_call(
    _scale_body, grid=_grid,
    in_specs=[_deg_spec, _row_spec],
    out_specs=_row_spec, out_shape=_row_out)

_mid = pl.pallas_call(
    _mid_body, grid=_grid,
    in_specs=[_deg_spec, _p_spec, _row_spec, _b_spec, _w_spec],
    out_specs=_row_spec, out_shape=_row_out)

_fin = pl.pallas_call(
    _fin_body, grid=_grid,
    in_specs=[_deg_spec, _p_spec, _row_spec, _b_spec, _w_spec, _b_spec,
              _w_spec, _b_spec],
    out_specs=_row_spec, out_shape=_row_out)


def kernel(x, edge_index, W1, b1, W2, b2, Wp1, bp1, Wp2, bp2):
    e3 = edge_index.reshape(2, _EB, _CH)
    srcb = e3[0]
    dstb = e3[1]
    degp = _deg_kernel(dstb)[:, :, :1]
    b1r = b1.reshape(1, _D)
    b2r = b2.reshape(1, _D)
    bp1r = bp1.reshape(1, _D)
    bp2r = bp2.reshape(1, _D)

    h1 = _mm1(x, W1)
    hp1 = _scale(degp, h1)
    p1 = _agg_kernel(hp1, srcb, dstb)
    hp2 = _mid(degp, p1, hp1, b1r, W2)
    p2 = _agg_kernel(hp2, srcb, dstb)
    return _fin(degp, p2, hp2, b2r, Wp1, bp1r, Wp2, bp2r)

# --- scband reference (transcript-rebuilt; emitter-appended) ---
"""Pipeline reference for scband-gnn-25589415149714 (READ-ONLY COPY).

The authoritative reference and input builder live on the scoring server;
editing this copy changes nothing except your own understanding.
"""

import jax, jax.numpy as jnp
import numpy as np

N = 10000
E = 320000
D = 128


def _gcn_layer(x, src, dst, W, b):
    n = x.shape[0]
    loop = jnp.arange(n, dtype=src.dtype)
    s = jnp.concatenate([src, loop])
    d = jnp.concatenate([dst, loop])
    h = x @ W
    deg = jnp.zeros((n,), h.dtype).at[d].add(1.0)
    dis = jnp.where(deg > 0, 1.0 / jnp.sqrt(deg), 0.0)
    norm = dis[s] * dis[d]
    msg = h[s] * norm[:, None]
    out = jnp.zeros((n, h.shape[1]), h.dtype).at[d].add(msg)
    return out + b


def setup_inputs(seed: int = 0) -> dict:
    key = jax.random.key(seed)
    ks = jax.random.split(key, 12)
    x = jax.random.normal(ks[0], (N, D), dtype=jnp.float32)
    edge_index = jax.random.randint(ks[1], (2, E), 0, N, dtype=jnp.int32)
    sc = 1.0 / np.sqrt(D)
    W1 = jax.random.uniform(ks[2], (D, D), jnp.float32, -sc, sc)
    b1 = jnp.zeros((D,), jnp.float32)
    W2 = jax.random.uniform(ks[3], (D, D), jnp.float32, -sc, sc)
    b2 = jnp.zeros((D,), jnp.float32)
    Wp1 = jax.random.uniform(ks[4], (D, D), jnp.float32, -sc, sc)
    bp1 = jax.random.uniform(ks[5], (D,), jnp.float32, -sc, sc)
    Wp2 = jax.random.uniform(ks[6], (D, D), jnp.float32, -sc, sc)
    bp2 = jax.random.uniform(ks[7], (D,), jnp.float32, -sc, sc)
    return {"x": x, "edge_index": edge_index, "W1": W1, "b1": b1, "W2": W2, "b2": b2, "Wp1": Wp1, "bp1": bp1, "Wp2": Wp2, "bp2": bp2}


def reference(x, edge_index, W1, b1, W2, b2, Wp1, bp1, Wp2, bp2):
    src = edge_index[0]
    dst = edge_index[1]
    h = _gcn_layer(x, src, dst, W1, b1)
    h = jax.nn.relu(h)
    # dropout p=0.2 is identity in eval mode
    h = _gcn_layer(h, src, dst, W2, b2)
    h = jax.nn.relu(h)
    h = h @ Wp1 + bp1
    h = h @ Wp2 + bp2
    return jax.nn.log_softmax(h, axis=1)

if __name__ == "__main__":
    import jax
    _d = setup_inputs()
    print(jax.jit(kernel)(*tuple(_d.values())))

</pallas_src>

<mosaic_0001>
#map = affine_map<(d0, d1) -> (0, 0)>
#map1 = affine_map<(d0, d1) -> (0, 0, 0)>
module attributes {stable_mosaic.version = 14 : i64} {
  func.func @_deg_kernel(%arg0: i32, %arg1: i32, %arg2: memref<2560x125xi32, #tpu.memory_space<hbm>>, %arg3: memref<2x10240x128xf32, #tpu.memory_space<hbm>>, %arg4: memref<80x125xi32, #tpu.memory_space<vmem>>, %arg5: memref<125x128xf32, #tpu.memory_space<vmem>>, %arg6: memref<10240x128xf32, #tpu.memory_space<vmem_shared>>, %arg7: memref<!tpu.dma_semaphore, #tpu.memory_space<semaphore_mem>>) attributes {dimension_semantics = [#tpu.dimension_semantics<core_parallel>, #tpu.dimension_semantics<subcore_parallel>], iteration_bounds = array<i64: 2, 16>, scalar_prefetch = 0 : i64, scratch_operands = 4 : i64, tpu.core_type = #tpu.core_type<sc_vector_subcore>, window_params = [{transform_indices = #map}, {transform_indices = #map1}]} {
    %mul3A = arith.constant 16 : i32
    %mul3A_0 = arith.muli %arg0, %mul3A : i32
    %add3A = arith.addi %mul3A_0, %arg1 : i32
    %mul3A_1 = arith.constant 80 : i32
    %mul3A_2 = arith.muli %add3A, %mul3A_1 : i32
    "tpu.region"() ({
      %run_scoped3A = tpu.sem_alloc : memref<!tpu.dma_semaphore, #tpu.memory_space<semaphore_mem>>
      %dma_start3A = arith.constant 0 : i32
      %dma_start3A_45 = tpu.memref_slice %arg2[%mul3A_2, %dma_start3A] : memref<2560x125xi32, #tpu.memory_space<hbm>> -> memref<80x125xi32, #tpu.memory_space<hbm>>
      %dma_start3A_46 = arith.constant 0 : i32
      %dma_start3A_47 = tpu.memref_slice %arg2[%mul3A_2, %dma_start3A_46] : memref<2560x125xi32, #tpu.memory_space<hbm>> -> memref<80x125xi32, #tpu.memory_space<hbm>>
      tpu.enqueue_dma source(%dma_start3A_47 : memref<80x125xi32, #tpu.memory_space<hbm>>) target(%arg4 : memref<80x125xi32, #tpu.memory_space<vmem>>) target_semaphore(%run_scoped3A : memref<!tpu.dma_semaphore, #tpu.memory_space<semaphore_mem>>)
      %dma_wait3A = arith.constant 0 : i32
      %dma_wait3A_48 = tpu.memref_slice %arg2[%mul3A_2, %dma_wait3A] : memref<2560x125xi32, #tpu.memory_space<hbm>> -> memref<80x125xi32, #tpu.memory_space<hbm>>
      %dma_wait3A_49 = arith.constant 0 : i32
      %dma_wait3A_50 = tpu.memref_slice %arg2[%mul3A_2, %dma_wait3A_49] : memref<2560x125xi32, #tpu.memory_space<hbm>> -> memref<80x125xi32, #tpu.memory_space<hbm>>
      tpu.wait_dma2 semaphore(%run_scoped3A : memref<!tpu.dma_semaphore, #tpu.memory_space<semaphore_mem>>) src(%dma_wait3A_50 : memref<80x125xi32, #tpu.memory_space<hbm>>) dst(%arg4 : memref<80x125xi32, #tpu.memory_space<vmem>>)
      tpu.yield
    }) : () -> ()
    %broadcast_in_dim3A = arith.constant 0.000000e+00 : f32
    %broadcast_in_dim3A_3 = vector.broadcast %broadcast_in_dim3A : f32 to vector<16xf32>
    %scan3A = arith.constant 0 : i32
    %scan3A_4 = arith.constant 0 : i32
    %scan3A_5 = arith.constant 125 : i32
    %scan3A_6 = arith.addi %scan3A_4, %scan3A_5 : i32
    %scan3A_7 = arith.constant 1 : i32
    %scan3A_8 = scf.for %scan3A_45 = %scan3A_4 to %scan3A_6 step %scan3A_7 iter_args(%scan3A_46 = %scan3A) -> (i32)  : i32 {
      %scan3A_47 = arith.constant 0 : i32
      %scan3A_48 = arith.constant 0 : i32
      %scan3A_49 = arith.constant 8 : i32
      %scan3A_50 = arith.addi %scan3A_48, %scan3A_49 : i32
      %scan3A_51 = arith.constant 1 : i32
      %scan3A_52 = scf.for %scan3A_55 = %scan3A_48 to %scan3A_50 step %scan3A_51 iter_args(%scan3A_56 = %scan3A_47) -> (i32)  : i32 {
        %mul3A_57 = arith.constant 16 : i32
        %mul3A_58 = arith.muli %scan3A_55, %mul3A_57 : i32
        %swap3A = arith.index_cast %scan3A_45 : i32 to index
        %swap3A_59 = arith.index_cast %mul3A_58 : i32 to index
        %swap3A_60 = tpu.vector_load %arg5[%swap3A, %swap3A_59] {strides = array<i32>} : memref<125x128xf32, #tpu.memory_space<vmem>>, vector<1x16xf32>,
        %swap3A_61 = vector.shape_cast %swap3A_60 : vector<1x16xf32> to vector<16xf32>
        %swap3A_62 = vector.shape_cast %broadcast_in_dim3A_3 : vector<16xf32> to vector<1x16xf32>
        tpu.vector_store %arg5[%swap3A, %swap3A_59], %swap3A_62 {strides = array<i32>} : memref<125x128xf32, #tpu.memory_space<vmem>>, vector<1x16xf32>,
        %scan3A_63 = arith.constant 0 : i32
        scf.yield %scan3A_63 : i32
      }
      %scan3A_53 = arith.constant 8 : i32
      %scan3A_54 = arith.constant 0 : i32
      scf.yield %scan3A_54 : i32
    }
    %scan3A_9 = arith.constant 125 : i32
    %mul3A_10 = arith.constant 640 : i32
    %mul3A_11 = arith.muli %arg1, %mul3A_10 : i32
    %scan3A_12 = arith.constant 0 : i32
    %scan3A_13 = arith.constant 0 : i32
    %scan3A_14 = arith.constant 8 : i32
    %scan3A_15 = arith.addi %scan3A_13, %scan3A_14 : i32
    %scan3A_16 = arith.constant 1 : i32
    %scan3A_17 = scf.for %scan3A_45 = %scan3A_13 to %scan3A_15 step %scan3A_16 iter_args(%scan3A_46 = %scan3A_12) -> (i32)  : i32 {
      %mul3A_47 = arith.constant 80 : i32
      %mul3A_48 = arith.muli %scan3A_45, %mul3A_47 : i32
      %add3A_49 = arith.addi %mul3A_11, %mul3A_48 : i32
      "tpu.region"() ({
        %run_scoped3A = tpu.sem_alloc : memref<!tpu.dma_semaphore, #tpu.memory_space<semaphore_mem>>
        %dma_start3A = arith.constant 0 : i32
        %dma_start3A_51 = arith.constant 0 : i32
        %dma_start3A_52 = tpu.memref_slice %arg5[%dma_start3A, %dma_start3A_51] : memref<125x128xf32, #tpu.memory_space<vmem>> -> memref<80x128xf32, #tpu.memory_space<vmem>>
        %dma_start3A_53 = arith.constant 0 : i32
        %dma_start3A_54 = tpu.memref_slice %arg6[%add3A_49, %dma_start3A_53] : memref<10240x128xf32, #tpu.memory_space<vmem_shared>> -> memref<80x128xf32, #tpu.memory_space<vmem_shared>>
        %dma_start3A_55 = arith.constant 0 : i32
        %dma_start3A_56 = tpu.memref_slice %arg6[%add3A_49, %dma_start3A_55] : memref<10240x128xf32, #tpu.memory_space<vmem_shared>> -> memref<80x128xf32, #tpu.memory_space<vmem_shared>>
        %dma_start3A_57 = arith.constant 0 : i32
        %dma_start3A_58 = arith.constant 0 : i32
        %dma_start3A_59 = tpu.memref_slice %arg5[%dma_start3A_57, %dma_start3A_58] : memref<125x128xf32, #tpu.memory_space<vmem>> -> memref<80x128xf32, #tpu.memory_space<vmem>>
        tpu.enqueue_dma source(%dma_start3A_59 : memref<80x128xf32, #tpu.memory_space<vmem>>) target(%dma_start3A_56 : memref<80x128xf32, #tpu.memory_space<vmem_shared>>) target_semaphore(%run_scoped3A : memref<!tpu.dma_semaphore, #tpu.memory_space<semaphore_mem>>)
        %dma_wait3A = arith.constant 0 : i32
        %dma_wait3A_60 = arith.constant 0 : i32
        %dma_wait3A_61 = tpu.memref_slice %arg5[%dma_wait3A, %dma_wait3A_60] : memref<125x128xf32, #tpu.memory_space<vmem>> -> memref<80x128xf32, #tpu.memory_space<vmem>>
        %dma_wait3A_62 = arith.constant 0 : i32
        %dma_wait3A_63 = tpu.memref_slice %arg6[%add3A_49, %dma_wait3A_62] : memref<10240x128xf32, #tpu.memory_space<vmem_shared>> -> memref<80x128xf32, #tpu.memory_space<vmem_shared>>
        %dma_wait3A_64 = arith.constant 0 : i32
        %dma_wait3A_65 = tpu.memref_slice %arg6[%add3A_49, %dma_wait3A_64] : memref<10240x128xf32, #tpu.memory_space<vmem_shared>> -> memref<80x128xf32, #tpu.memory_space<vmem_shared>>
        %dma_wait3A_66 = arith.constant 0 : i32
        %dma_wait3A_67 = arith.constant 0 : i32
        %dma_wait3A_68 = tpu.memref_slice %arg5[%dma_wait3A_66, %dma_wait3A_67] : memref<125x128xf32, #tpu.memory_space<vmem>> -> memref<80x128xf32, #tpu.memory_space<vmem>>
        tpu.wait_dma2 semaphore(%run_scoped3A : memref<!tpu.dma_semaphore, #tpu.memory_space<semaphore_mem>>) src(%dma_wait3A_68 : memref<80x128xf32, #tpu.memory_space<vmem>>) dst(%dma_wait3A_65 : memref<80x128xf32, #tpu.memory_space<vmem_shared>>)
        tpu.yield
      }) : () -> ()
      %scan3A_50 = arith.constant 0 : i32
      scf.yield %scan3A_50 : i32
    }
    %scan3A_18 = arith.constant 8 : i32
    %broadcast_in_dim3A_19 = arith.constant 1.000000e+00 : f32
    %broadcast_in_dim3A_20 = vector.broadcast %broadcast_in_dim3A_19 : f32 to vector<16xf32>
    %scan3A_21 = arith.constant 0 : i32
    %scan3A_22 = arith.constant 0 : i32
    %scan3A_23 = arith.constant 125 : i32
    %scan3A_24 = arith.addi %scan3A_22, %scan3A_23 : i32
    %scan3A_25 = arith.constant 1 : i32
    %scan3A_26 = scf.for %scan3A_45 = %scan3A_22 to %scan3A_24 step %scan3A_25 iter_args(%scan3A_46 = %scan3A_21) -> (i32)  : i32 {
      %scan3A_47 = arith.constant 0 : i32
      %scan3A_48 = arith.constant 0 : i32
      %scan3A_49 = arith.constant 8 : i32
      %scan3A_50 = arith.addi %scan3A_48, %scan3A_49 : i32
      %scan3A_51 = arith.constant 1 : i32
      %scan3A_52 = scf.for %scan3A_55 = %scan3A_48 to %scan3A_50 step %scan3A_51 iter_args(%scan3A_56 = %scan3A_47) -> (i32)  : i32 {
        %mul3A_57 = arith.constant 16 : i32
        %mul3A_58 = arith.muli %scan3A_55, %mul3A_57 : i32
        %swap3A = arith.index_cast %scan3A_45 : i32 to index
        %swap3A_59 = arith.index_cast %mul3A_58 : i32 to index
        %swap3A_60 = tpu.vector_load %arg5[%swap3A, %swap3A_59] {strides = array<i32>} : memref<125x128xf32, #tpu.memory_space<vmem>>, vector<1x16xf32>,
        %swap3A_61 = vector.shape_cast %swap3A_60 : vector<1x16xf32> to vector<16xf32>
        %swap3A_62 = vector.shape_cast %broadcast_in_dim3A_20 : vector<16xf32> to vector<1x16xf32>
        tpu.vector_store %arg5[%swap3A, %swap3A_59], %swap3A_62 {strides = array<i32>} : memref<125x128xf32, #tpu.memory_space<vmem>>, vector<1x16xf32>,
        %scan3A_63 = arith.constant 0 : i32
        scf.yield %scan3A_63 : i32
      }
      %scan3A_53 = arith.constant 8 : i32
      %scan3A_54 = arith.constant 0 : i32
      scf.yield %scan3A_54 : i32
    }
    %scan3A_27 = arith.constant 125 : i32
    %barrier3A = arith.constant 0 : index
    tpu.barrier barrier_id(%barrier3A)
    %scan3A_28 = arith.constant 0 : i32
    %scan3A_29 = arith.constant 0 : i32
    %scan3A_30 = arith.constant 80 : i32
    %scan3A_31 = arith.addi %scan3A_29, %scan3A_30 : i32
    %scan3A_32 = arith.constant 1 : i32
    %scan3A_33 = scf.for %scan3A_45 = %scan3A_29 to %scan3A_31 step %scan3A_32 iter_args(%scan3A_46 = %scan3A_28) -> (i32)  : i32 {
      %dma_start3A = arith.constant 0 : i32
      %dma_start3A_47 = tpu.memref_slice %arg4[%scan3A_45, %dma_start3A] : memref<80x125xi32, #tpu.memory_space<vmem>> -> memref<1x125xi32, #tpu.memory_space<vmem>>
      %dma_start3A_48 = tpu.memref_squeeze %dma_start3A_47 : memref<1x125xi32, #tpu.memory_space<vmem>> -> memref<125xi32, #tpu.memory_space<vmem>>
      %dma_start3A_49 = arith.constant 0 : i32
      %dma_start3A_50 = arith.constant 0 : i32
      %dma_start3A_51 = tpu.memref_slice %arg6[%dma_start3A_49, %dma_start3A_50] : memref<10240x128xf32, #tpu.memory_space<vmem_shared>> -> memref<10240x128xf32, #tpu.memory_space<vmem_shared>>
      tpu.enqueue_indirect_dma source(%arg5 : memref<125x128xf32, #tpu.memory_space<vmem>>) target(%dma_start3A_51 : memref<10240x128xf32, #tpu.memory_space<vmem_shared>>) offsets(%dma_start3A_48 : memref<125xi32, #tpu.memory_space<vmem>>) semaphore(%arg7 : memref<!tpu.dma_semaphore, #tpu.memory_space<semaphore_mem>>) {add = true}
      %scan3A_52 = arith.constant 0 : i32
      scf.yield %scan3A_52 : i32
    }
    %scan3A_34 = arith.constant 80 : i32
    %scan3A_35 = arith.constant 0 : i32
    %scan3A_36 = arith.constant 0 : i32
    %scan3A_37 = arith.constant 80 : i32
    %scan3A_38 = arith.addi %scan3A_36, %scan3A_37 : i32
    %scan3A_39 = arith.constant 1 : i32
    %scan3A_40 = scf.for %scan3A_45 = %scan3A_36 to %scan3A_38 step %scan3A_39 iter_args(%scan3A_46 = %scan3A_35) -> (i32)  : i32 {
      %dma_wait3A = arith.constant 0 : i32
      %dma_wait3A_47 = arith.constant 0 : i32
      %dma_wait3A_48 = tpu.memref_slice %arg4[%dma_wait3A, %dma_wait3A_47] : memref<80x125xi32, #tpu.memory_space<vmem>> -> memref<1x125xi32, #tpu.memory_space<vmem>>
      %dma_wait3A_49 = tpu.memref_squeeze %dma_wait3A_48 : memref<1x125xi32, #tpu.memory_space<vmem>> -> memref<125xi32, #tpu.memory_space<vmem>>
      %dma_wait3A_50 = arith.constant 0 : i32
      %dma_wait3A_51 = arith.constant 0 : i32
      %dma_wait3A_52 = tpu.memref_slice %arg6[%dma_wait3A_50, %dma_wait3A_51] : memref<10240x128xf32, #tpu.memory_space<vmem_shared>> -> memref<10240x128xf32, #tpu.memory_space<vmem_shared>>
      tpu.wait_indirect_dma semaphore(%arg7 : memref<!tpu.dma_semaphore, #tpu.memory_space<semaphore_mem>>) src(%arg5 : memref<125x128xf32, #tpu.memory_space<vmem>>) dst(%dma_wait3A_52 : memref<10240x128xf32, #tpu.memory_space<vmem_shared>>)
      %scan3A_53 = arith.constant 0 : i32
      scf.yield %scan3A_53 : i32
    }
    %scan3A_41 = arith.constant 80 : i32
    %barrier3A_42 = arith.constant 0 : index
    tpu.barrier barrier_id(%barrier3A_42)
    %mul3A_43 = arith.constant 640 : i32
    %mul3A_44 = arith.muli %arg1, %mul3A_43 : i32
    "tpu.region"() ({
      %run_scoped3A = tpu.sem_alloc : memref<!tpu.dma_semaphore, #tpu.memory_space<semaphore_mem>>
      %dma_start3A = arith.constant 0 : i32
      %dma_start3A_45 = tpu.memref_slice %arg3[%arg0, %mul3A_44, %dma_start3A] : memref<2x10240x128xf32, #tpu.memory_space<hbm>> -> memref<1x640x128xf32, #tpu.memory_space<hbm>>
      %dma_start3A_46 = tpu.memref_squeeze %dma_start3A_45 : memref<1x640x128xf32, #tpu.memory_space<hbm>> -> memref<640x128xf32, #tpu.memory_space<hbm>>
      %dma_start3A_47 = arith.constant 0 : i32
      %dma_start3A_48 = tpu.memref_slice %arg6[%mul3A_44, %dma_start3A_47] : memref<10240x128xf32, #tpu.memory_space<vmem_shared>> -> memref<640x128xf32, #tpu.memory_space<vmem_shared>>
      tpu.enqueue_dma source(%dma_start3A_48 : memref<640x128xf32, #tpu.memory_space<vmem_shared>>) target(%dma_start3A_46 : memref<640x128xf32, #tpu.memory_space<hbm>>) target_semaphore(%run_scoped3A : memref<!tpu.dma_semaphore, #tpu.memory_space<semaphore_mem>>)
      %dma_wait3A = arith.constant 0 : i32
      %dma_wait3A_49 = tpu.memref_slice %arg3[%arg0, %mul3A_44, %dma_wait3A] : memref<2x10240x128xf32, #tpu.memory_space<hbm>> -> memref<1x640x128xf32, #tpu.memory_space<hbm>>
      %dma_wait3A_50 = tpu.memref_squeeze %dma_wait3A_49 : memref<1x640x128xf32, #tpu.memory_space<hbm>> -> memref<640x128xf32, #tpu.memory_space<hbm>>
      %dma_wait3A_51 = arith.constant 0 : i32
      %dma_wait3A_52 = tpu.memref_slice %arg6[%mul3A_44, %dma_wait3A_51] : memref<10240x128xf32, #tpu.memory_space<vmem_shared>> -> memref<640x128xf32, #tpu.memory_space<vmem_shared>>
      tpu.wait_dma2 semaphore(%run_scoped3A : memref<!tpu.dma_semaphore, #tpu.memory_space<semaphore_mem>>) src(%dma_wait3A_52 : memref<640x128xf32, #tpu.memory_space<vmem_shared>>) dst(%dma_wait3A_50 : memref<640x128xf32, #tpu.memory_space<hbm>>)
      tpu.yield
    }) : () -> ()
    return
  }
}

#map = affine_map<(d0, d1) -> (0, 0)>
#map1 = affine_map<(d0, d1) -> (0, 0, 0)>
module attributes {stable_mosaic.version = 14 : i64} {
  func.func @_agg_kernel(%arg0: i32, %arg1: i32, %arg2: memref<10000x128xf32, #tpu.memory_space<hbm>>, %arg3: memref<2560x125xi32, #tpu.memory_space<hbm>>, %arg4: memref<2560x125xi32, #tpu.memory_space<hbm>>, %arg5: memref<2x10240x128xf32, #tpu.memory_space<hbm>>, %arg6: memref<8x125xi32, #tpu.memory_space<vmem>>, %arg7: memref<8x125xi32, #tpu.memory_space<vmem>>, %arg8: memref<8x125xi32, #tpu.memory_space<vmem>>, %arg9: memref<8x125xi32, #tpu.memory_space<vmem>>, %arg10: memref<125x128xf32, #tpu.memory_space<vmem>>, %arg11: memref<125x128xf32, #tpu.memory_space<vmem>>, %arg12: memref<10240x128xf32, #tpu.memory_space<vmem_shared>>, %arg13: memref<!tpu.dma_semaphore, #tpu.memory_space<semaphore_mem>>, %arg14: memref<!tpu.dma_semaphore, #tpu.memory_space<semaphore_mem>>, %arg15: memref<!tpu.dma_semaphore, #tpu.memory_space<semaphore_mem>>, %arg16: memref<!tpu.dma_semaphore, #tpu.memory_space<semaphore_mem>>, %arg17: memref<!tpu.dma_semaphore, #tpu.memory_space<semaphore_mem>>, %arg18: memref<!tpu.dma_semaphore, #tpu.memory_space<semaphore_mem>>) attributes {dimension_semantics = [#tpu.dimension_semantics<core_parallel>, #tpu.dimension_semantics<subcore_parallel>], iteration_bounds = array<i64: 2, 16>, scalar_prefetch = 0 : i64, scratch_operands = 13 : i64, tpu.core_type = #tpu.core_type<sc_vector_subcore>, window_params = [{transform_indices = #map}, {transform_indices = #map}, {transform_indices = #map}, {transform_indices = #map1}]} {
    %mul3A = arith.constant 16 : i32
    %mul3A_0 = arith.muli %arg0, %mul3A : i32
    %add3A = arith.addi %mul3A_0, %arg1 : i32
    %mul3A_1 = arith.constant 80 : i32
    %mul3A_2 = arith.muli %add3A, %mul3A_1 : i32
    %broadcast_in_dim3A = arith.constant 0.000000e+00 : f32
    %broadcast_in_dim3A_3 = vector.broadcast %broadcast_in_dim3A : f32 to vector<16xf32>
    %scan3A = arith.constant 0 : i32
    %scan3A_4 = arith.constant 0 : i32
    %scan3A_5 = arith.constant 80 : i32
    %scan3A_6 = arith.addi %scan3A_4, %scan3A_5 : i32
    %scan3A_7 = arith.constant 1 : i32
    %scan3A_8 = scf.for %scan3A_61 = %scan3A_4 to %scan3A_6 step %scan3A_7 iter_args(%scan3A_62 = %scan3A) -> (i32)  : i32 {
      %scan3A_63 = arith.constant 0 : i32
      %scan3A_64 = arith.constant 0 : i32
      %scan3A_65 = arith.constant 8 : i32
      %scan3A_66 = arith.addi %scan3A_64, %scan3A_65 : i32
      %scan3A_67 = arith.constant 1 : i32
      %scan3A_68 = scf.for %scan3A_71 = %scan3A_64 to %scan3A_66 step %scan3A_67 iter_args(%scan3A_72 = %scan3A_63) -> (i32)  : i32 {
        %mul3A_73 = arith.constant 16 : i32
        %mul3A_74 = arith.muli %scan3A_71, %mul3A_73 : i32
        %swap3A = arith.index_cast %scan3A_61 : i32 to index
        %swap3A_75 = arith.index_cast %mul3A_74 : i32 to index
        %swap3A_76 = tpu.vector_load %arg10[%swap3A, %swap3A_75] {strides = array<i32>} : memref<125x128xf32, #tpu.memory_space<vmem>>, vector<1x16xf32>,
        %swap3A_77 = vector.shape_cast %swap3A_76 : vector<1x16xf32> to vector<16xf32>
        %swap3A_78 = vector.shape_cast %broadcast_in_dim3A_3 : vector<16xf32> to vector<1x16xf32>
        tpu.vector_store %arg10[%swap3A, %swap3A_75], %swap3A_78 {strides = array<i32>} : memref<125x128xf32, #tpu.memory_space<vmem>>, vector<1x16xf32>,
        %scan3A_79 = arith.constant 0 : i32
        scf.yield %scan3A_79 : i32
      }
      %scan3A_69 = arith.constant 8 : i32
      %scan3A_70 = arith.constant 0 : i32
      scf.yield %scan3A_70 : i32
    }
    %scan3A_9 = arith.constant 80 : i32
    %mul3A_10 = arith.constant 640 : i32
    %mul3A_11 = arith.muli %arg1, %mul3A_10 : i32
    %scan3A_12 = arith.constant 0 : i32
    %scan3A_13 = arith.constant 0 : i32
    %scan3A_14 = arith.constant 8 : i32
    %scan3A_15 = arith.addi %scan3A_13, %scan3A_14 : i32
    %scan3A_16 = arith.constant 1 : i32
    %scan3A_17 = scf.for %scan3A_61 = %scan3A_13 to %scan3A_15 step %scan3A_16 iter_args(%scan3A_62 = %scan3A_12) -> (i32)  : i32 {
      %mul3A_63 = arith.constant 80 : i32
      %mul3A_64 = arith.muli %scan3A_61, %mul3A_63 : i32
      %add3A_65 = arith.addi %mul3A_11, %mul3A_64 : i32
      "tpu.region"() ({
        %run_scoped3A = tpu.sem_alloc : memref<!tpu.dma_semaphore, #tpu.memory_space<semaphore_mem>>
        %dma_start3A_67 = arith.constant 0 : i32
        %dma_start3A_68 = arith.constant 0 : i32
        %dma_start3A_69 = tpu.memref_slice %arg10[%dma_start3A_67, %dma_start3A_68] : memref<125x128xf32, #tpu.memory_space<vmem>> -> memref<80x128xf32, #tpu.memory_space<vmem>>
        %dma_start3A_70 = arith.constant 0 : i32
        %dma_start3A_71 = tpu.memref_slice %arg12[%add3A_65, %dma_start3A_70] : memref<10240x128xf32, #tpu.memory_space<vmem_shared>> -> memref<80x128xf32, #tpu.memory_space<vmem_shared>>
        %dma_start3A_72 = arith.constant 0 : i32
        %dma_start3A_73 = tpu.memref_slice %arg12[%add3A_65, %dma_start3A_72] : memref<10240x128xf32, #tpu.memory_space<vmem_shared>> -> memref<80x128xf32, #tpu.memory_space<vmem_shared>>
        %dma_start3A_74 = arith.constant 0 : i32
        %dma_start3A_75 = arith.constant 0 : i32
        %dma_start3A_76 = tpu.memref_slice %arg10[%dma_start3A_74, %dma_start3A_75] : memref<125x128xf32, #tpu.memory_space<vmem>> -> memref<80x128xf32, #tpu.memory_space<vmem>>
        tpu.enqueue_dma source(%dma_start3A_76 : memref<80x128xf32, #tpu.memory_space<vmem>>) target(%dma_start3A_73 : memref<80x128xf32, #tpu.memory_space<vmem_shared>>) target_semaphore(%run_scoped3A : memref<!tpu.dma_semaphore, #tpu.memory_space<semaphore_mem>>)
        %dma_wait3A_77 = arith.constant 0 : i32
        %dma_wait3A_78 = arith.constant 0 : i32
        %dma_wait3A_79 = tpu.memref_slice %arg10[%dma_wait3A_77, %dma_wait3A_78] : memref<125x128xf32, #tpu.memory_space<vmem>> -> memref<80x128xf32, #tpu.memory_space<vmem>>
        %dma_wait3A_80 = arith.constant 0 : i32
        %dma_wait3A_81 = tpu.memref_slice %arg12[%add3A_65, %dma_wait3A_80] : memref<10240x128xf32, #tpu.memory_space<vmem_shared>> -> memref<80x128xf32, #tpu.memory_space<vmem_shared>>
        %dma_wait3A_82 = arith.constant 0 : i32
        %dma_wait3A_83 = tpu.memref_slice %arg12[%add3A_65, %dma_wait3A_82] : memref<10240x128xf32, #tpu.memory_space<vmem_shared>> -> memref<80x128xf32, #tpu.memory_space<vmem_shared>>
        %dma_wait3A_84 = arith.constant 0 : i32
        %dma_wait3A_85 = arith.constant 0 : i32
        %dma_wait3A_86 = tpu.memref_slice %arg10[%dma_wait3A_84, %dma_wait3A_85] : memref<125x128xf32, #tpu.memory_space<vmem>> -> memref<80x128xf32, #tpu.memory_space<vmem>>
        tpu.wait_dma2 semaphore(%run_scoped3A : memref<!tpu.dma_semaphore, #tpu.memory_space<semaphore_mem>>) src(%dma_wait3A_86 : memref<80x128xf32, #tpu.memory_space<vmem>>) dst(%dma_wait3A_83 : memref<80x128xf32, #tpu.memory_space<vmem_shared>>)
        tpu.yield
      }) : () -> ()
      %scan3A_66 = arith.constant 0 : i32
      scf.yield %scan3A_66 : i32
    }
    %scan3A_18 = arith.constant 8 : i32
    %barrier3A = arith.constant 0 : index
    tpu.barrier barrier_id(%barrier3A)
    %add3A_19 = arith.constant 0 : i32
    %add3A_20 = arith.addi %mul3A_2, %add3A_19 : i32
    %dma_start3A = arith.constant 0 : i32
    %dma_start3A_21 = tpu.memref_slice %arg3[%add3A_20, %dma_start3A] : memref<2560x125xi32, #tpu.memory_space<hbm>> -> memref<8x125xi32, #tpu.memory_space<hbm>>
    %dma_start3A_22 = arith.constant 0 : i32
    %dma_start3A_23 = tpu.memref_slice %arg3[%add3A_20, %dma_start3A_22] : memref<2560x125xi32, #tpu.memory_space<hbm>> -> memref<8x125xi32, #tpu.memory_space<hbm>>
    tpu.enqueue_dma source(%dma_start3A_23 : memref<8x125xi32, #tpu.memory_space<hbm>>) target(%arg6 : memref<8x125xi32, #tpu.memory_space<vmem>>) target_semaphore(%arg17 : memref<!tpu.dma_semaphore, #tpu.memory_space<semaphore_mem>>)
    %add3A_24 = arith.constant 0 : i32
    %add3A_25 = arith.addi %mul3A_2, %add3A_24 : i32
    %dma_start3A_26 = arith.constant 0 : i32
    %dma_start3A_27 = tpu.memref_slice %arg4[%add3A_25, %dma_start3A_26] : memref<2560x125xi32, #tpu.memory_space<hbm>> -> memref<8x125xi32, #tpu.memory_space<hbm>>
    %dma_start3A_28 = arith.constant 0 : i32
    %dma_start3A_29 = tpu.memref_slice %arg4[%add3A_25, %dma_start3A_28] : memref<2560x125xi32, #tpu.memory_space<hbm>> -> memref<8x125xi32, #tpu.memory_space<hbm>>
    tpu.enqueue_dma source(%dma_start3A_29 : memref<8x125xi32, #tpu.memory_space<hbm>>) target(%arg8 : memref<8x125xi32, #tpu.memory_space<vmem>>) target_semaphore(%arg17 : memref<!tpu.dma_semaphore, #tpu.memory_space<semaphore_mem>>)
    %dma_wait3A = arith.constant 0 : i32
    %dma_wait3A_30 = tpu.memref_slice %arg3[%mul3A_2, %dma_wait3A] : memref<2560x125xi32, #tpu.memory_space<hbm>> -> memref<8x125xi32, #tpu.memory_space<hbm>>
    %dma_wait3A_31 = arith.constant 0 : i32
    %dma_wait3A_32 = tpu.memref_slice %arg3[%mul3A_2, %dma_wait3A_31] : memref<2560x125xi32, #tpu.memory_space<hbm>> -> memref<8x125xi32, #tpu.memory_space<hbm>>
    tpu.wait_dma2 semaphore(%arg17 : memref<!tpu.dma_semaphore, #tpu.memory_space<semaphore_mem>>) src(%dma_wait3A_32 : memref<8x125xi32, #tpu.memory_space<hbm>>) dst(%arg6 : memref<8x125xi32, #tpu.memory_space<vmem>>)
    %dma_wait3A_33 = arith.constant 0 : i32
    %dma_wait3A_34 = tpu.memref_slice %arg4[%mul3A_2, %dma_wait3A_33] : memref<2560x125xi32, #tpu.memory_space<hbm>> -> memref<8x125xi32, #tpu.memory_space<hbm>>
    %dma_wait3A_35 = arith.constant 0 : i32
    %dma_wait3A_36 = tpu.memref_slice %arg4[%mul3A_2, %dma_wait3A_35] : memref<2560x125xi32, #tpu.memory_space<hbm>> -> memref<8x125xi32, #tpu.memory_space<hbm>>
    tpu.wait_dma2 semaphore(%arg17 : memref<!tpu.dma_semaphore, #tpu.memory_space<semaphore_mem>>) src(%dma_wait3A_36 : memref<8x125xi32, #tpu.memory_space<hbm>>) dst(%arg8 : memref<8x125xi32, #tpu.memory_space<vmem>>)
    %dma_start3A_37 = arith.constant 0 : i32
    %dma_start3A_38 = arith.constant 0 : i32
    %dma_start3A_39 = tpu.memref_slice %arg6[%dma_start3A_37, %dma_start3A_38] : memref<8x125xi32, #tpu.memory_space<vmem>> -> memref<1x125xi32, #tpu.memory_space<vmem>>
    %dma_start3A_40 = tpu.memref_squeeze %dma_start3A_39 : memref<1x125xi32, #tpu.memory_space<vmem>> -> memref<125xi32, #tpu.memory_space<vmem>>
    %dma_start3A_41 = arith.constant 0 : i32
    %dma_start3A_42 = arith.constant 0 : i32
    %dma_start3A_43 = tpu.memref_slice %arg2[%dma_start3A_41, %dma_start3A_42] : memref<10000x128xf32, #tpu.memory_space<hbm>> -> memref<10000x128xf32, #tpu.memory_space<hbm>>
    tpu.enqueue_indirect_dma source(%dma_start3A_43 : memref<10000x128xf32, #tpu.memory_space<hbm>>) target(%arg10 : memref<125x128xf32, #tpu.memory_space<vmem>>) offsets(%dma_start3A_40 : memref<125xi32, #tpu.memory_space<vmem>>) semaphore(%arg13 : memref<!tpu.dma_semaphore, #tpu.memory_space<semaphore_mem>>)
    %dma_start3A_44 = arith.constant 1 : i32
    %dma_start3A_45 = arith.constant 0 : i32
    %dma_start3A_46 = tpu.memref_slice %arg6[%dma_start3A_44, %dma_start3A_45] : memref<8x125xi32, #tpu.memory_space<vmem>> -> memref<1x125xi32, #tpu.memory_space<vmem>>
    %dma_start3A_47 = tpu.memref_squeeze %dma_start3A_46 : memref<1x125xi32, #tpu.memory_space<vmem>> -> memref<125xi32, #tpu.memory_space<vmem>>
    %dma_start3A_48 = arith.constant 0 : i32
    %dma_start3A_49 = arith.constant 0 : i32
    %dma_start3A_50 = tpu.memref_slice %arg2[%dma_start3A_48, %dma_start3A_49] : memref<10000x128xf32, #tpu.memory_space<hbm>> -> memref<10000x128xf32, #tpu.memory_space<hbm>>
    tpu.enqueue_indirect_dma source(%dma_start3A_50 : memref<10000x128xf32, #tpu.memory_space<hbm>>) target(%arg11 : memref<125x128xf32, #tpu.memory_space<vmem>>) offsets(%dma_start3A_47 : memref<125xi32, #tpu.memory_space<vmem>>) semaphore(%arg14 : memref<!tpu.dma_semaphore, #tpu.memory_space<semaphore_mem>>)
    %scan3A_51 = arith.constant 0 : i32
    %scan3A_52 = arith.constant 0 : i32
    %scan3A_53 = arith.constant 5 : i32
    %scan3A_54 = arith.addi %scan3A_52, %scan3A_53 : i32
    %scan3A_55 = arith.constant 1 : i32
    %scan3A_56 = scf.for %scan3A_61 = %scan3A_52 to %scan3A_54 step %scan3A_55 iter_args(%scan3A_62 = %scan3A_51) -> (i32)  : i32 {
      %mul3A_63 = arith.constant 16 : i32
      %mul3A_64 = arith.muli %mul3A_63, %scan3A_61 : i32
      %add3A_65 = arith.constant 0 : i32
      %add3A_66 = arith.addi %mul3A_64, %add3A_65 : i32
      %dma_wait3A_67 = arith.constant 0 : i32
      %dma_wait3A_68 = arith.constant 0 : i32
      %dma_wait3A_69 = tpu.memref_slice %arg6[%dma_wait3A_67, %dma_wait3A_68] : memref<8x125xi32, #tpu.memory_space<vmem>> -> memref<1x125xi32, #tpu.memory_space<vmem>>
      %dma_wait3A_70 = tpu.memref_squeeze %dma_wait3A_69 : memref<1x125xi32, #tpu.memory_space<vmem>> -> memref<125xi32, #tpu.memory_space<vmem>>
      %dma_wait3A_71 = arith.constant 0 : i32
      %dma_wait3A_72 = arith.constant 0 : i32
      %dma_wait3A_73 = tpu.memref_slice %arg2[%dma_wait3A_71, %dma_wait3A_72] : memref<10000x128xf32, #tpu.memory_space<hbm>> -> memref<10000x128xf32, #tpu.memory_space<hbm>>
      tpu.wait_indirect_dma semaphore(%arg13 : memref<!tpu.dma_semaphore, #tpu.memory_space<semaphore_mem>>) src(%dma_wait3A_73 : memref<10000x128xf32, #tpu.memory_space<hbm>>) dst(%arg10 : memref<125x128xf32, #tpu.memory_space<vmem>>)
      %dma_start3A_74 = arith.constant 0 : i32
      %dma_start3A_75 = arith.constant 0 : i32
      %dma_start3A_76 = tpu.memref_slice %arg8[%dma_start3A_74, %dma_start3A_75] : memref<8x125xi32, #tpu.memory_space<vmem>> -> memref<1x125xi32, #tpu.memory_space<vmem>>
      %dma_start3A_77 = tpu.memref_squeeze %dma_start3A_76 : memref<1x125xi32, #tpu.memory_space<vmem>> -> memref<125xi32, #tpu.memory_space<vmem>>
      %dma_start3A_78 = arith.constant 0 : i32
      %dma_start3A_79 = arith.constant 0 : i32
      %dma_start3A_80 = tpu.memref_slice %arg12[%dma_start3A_78, %dma_start3A_79] : memref<10240x128xf32, #tpu.memory_space<vmem_shared>> -> memref<10240x128xf32, #tpu.memory_space<vmem_shared>>
      tpu.enqueue_indirect_dma source(%arg10 : memref<125x128xf32, #tpu.memory_space<vmem>>) target(%dma_start3A_80 : memref<10240x128xf32, #tpu.memory_space<vmem_shared>>) offsets(%dma_start3A_77 : memref<125xi32, #tpu.memory_space<vmem>>) semaphore(%arg15 : memref<!tpu.dma_semaphore, #tpu.memory_space<semaphore_mem>>) {add = true}
      %dma_wait3A_81 = arith.constant 0 : i32
      %dma_wait3A_82 = arith.constant 0 : i32
      %dma_wait3A_83 = tpu.memref_slice %arg8[%dma_wait3A_81, %dma_wait3A_82] : memref<8x125xi32, #tpu.memory_space<vmem>> -> memref<1x125xi32, #tpu.memory_space<vmem>>
      %dma_wait3A_84 = tpu.memref_squeeze %dma_wait3A_83 : memref<1x125xi32, #tpu.memory_space<vmem>> -> memref<125xi32, #tpu.memory_space<vmem>>
      %dma_wait3A_85 = arith.constant 0 : i32
      %dma_wait3A_86 = arith.constant 0 : i32
      %dma_wait3A_87 = tpu.memref_slice %arg12[%dma_wait3A_85, %dma_wait3A_86] : memref<10240x128xf32, #tpu.memory_space<vmem_shared>> -> memref<10240x128xf32, #tpu.memory_space<vmem_shared>>
      tpu.wait_indirect_dma semaphore(%arg15 : memref<!tpu.dma_semaphore, #tpu.memory_space<semaphore_mem>>) src(%arg10 : memref<125x128xf32, #tpu.memory_space<vmem>>) dst(%dma_wait3A_87 : memref<10240x128xf32, #tpu.memory_space<vmem_shared>>)
      %dma_start3A_88 = arith.constant 2 : i32
      %dma_start3A_89 = arith.constant 0 : i32
      %dma_start3A_90 = tpu.memref_slice %arg6[%dma_start3A_88, %dma_start3A_89] : memref<8x125xi32, #tpu.memory_space<vmem>> -> memref<1x125xi32, #tpu.memory_space<vmem>>
      %dma_start3A_91 = tpu.memref_squeeze %dma_start3A_90 : memref<1x125xi32, #tpu.memory_space<vmem>> -> memref<125xi32, #tpu.memory_space<vmem>>
      %dma_start3A_92 = arith.constant 0 : i32
      %dma_start3A_93 = arith.constant 0 : i32
      %dma_start3A_94 = tpu.memref_slice %arg2[%dma_start3A_92, %dma_start3A_93] : memref<10000x128xf32, #tpu.memory_space<hbm>> -> memref<10000x128xf32, #tpu.memory_space<hbm>>
      tpu.enqueue_indirect_dma source(%dma_start3A_94 : memref<10000x128xf32, #tpu.memory_space<hbm>>) target(%arg10 : memref<125x128xf32, #tpu.memory_space<vmem>>) offsets(%dma_start3A_91 : memref<125xi32, #tpu.memory_space<vmem>>) semaphore(%arg13 : memref<!tpu.dma_semaphore, #tpu.memory_space<semaphore_mem>>)
      %mul3A_95 = arith.constant 16 : i32
      %mul3A_96 = arith.muli %mul3A_95, %scan3A_61 : i32
      %add3A_97 = arith.constant 1 : i32
      %add3A_98 = arith.addi %mul3A_96, %add3A_97 : i32
      %dma_wait3A_99 = arith.constant 0 : i32
      %dma_wait3A_100 = arith.constant 0 : i32
      %dma_wait3A_101 = tpu.memref_slice %arg6[%dma_wait3A_99, %dma_wait3A_100] : memref<8x125xi32, #tpu.memory_space<vmem>> -> memref<1x125xi32, #tpu.memory_space<vmem>>
      %dma_wait3A_102 = tpu.memref_squeeze %dma_wait3A_101 : memref<1x125xi32, #tpu.memory_space<vmem>> -> memref<125xi32, #tpu.memory_space<vmem>>
      %dma_wait3A_103 = arith.constant 0 : i32
      %dma_wait3A_104 = arith.constant 0 : i32
      %dma_wait3A_105 = tpu.memref_slice %arg2[%dma_wait3A_103, %dma_wait3A_104] : memref<10000x128xf32, #tpu.memory_space<hbm>> -> memref<10000x128xf32, #tpu.memory_space<hbm>>
      tpu.wait_indirect_dma semaphore(%arg14 : memref<!tpu.dma_semaphore, #tpu.memory_space<semaphore_mem>>) src(%dma_wait3A_105 : memref<10000x128xf32, #tpu.memory_space<hbm>>) dst(%arg11 : memref<125x128xf32, #tpu.memory_space<vmem>>)
      %dma_start3A_106 = arith.constant 1 : i32
      %dma_start3A_107 = arith.constant 0 : i32
      %dma_start3A_108 = tpu.memref_slice %arg8[%dma_start3A_106, %dma_start3A_107] : memref<8x125xi32, #tpu.memory_space<vmem>> -> memref<1x125xi32, #tpu.memory_space<vmem>>
      %dma_start3A_109 = tpu.memref_squeeze %dma_start3A_108 : memref<1x125xi32, #tpu.memory_space<vmem>> -> memref<125xi32, #tpu.memory_space<vmem>>
      %dma_start3A_110 = arith.constant 0 : i32
      %dma_start3A_111 = arith.constant 0 : i32
      %dma_start3A_112 = tpu.memref_slice %arg12[%dma_start3A_110, %dma_start3A_111] : memref<10240x128xf32, #tpu.memory_space<vmem_shared>> -> memref<10240x128xf32, #tpu.memory_space<vmem_shared>>
      tpu.enqueue_indirect_dma source(%arg11 : memref<125x128xf32, #tpu.memory_space<vmem>>) target(%dma_start3A_112 : memref<10240x128xf32, #tpu.memory_space<vmem_shared>>) offsets(%dma_start3A_109 : memref<125xi32, #tpu.memory_space<vmem>>) semaphore(%arg16 : memref<!tpu.dma_semaphore, #tpu.memory_space<semaphore_mem>>) {add = true}
      %mul3A_113 = arith.constant 2 : i32
      %mul3A_114 = arith.muli %mul3A_113, %scan3A_61 : i32
      %add3A_115 = arith.constant 1 : i32
      %add3A_116 = arith.addi %mul3A_114, %add3A_115 : i32
      %mul3A_117 = arith.constant 8 : i32
      %mul3A_118 = arith.muli %add3A_116, %mul3A_117 : i32
      %add3A_119 = arith.addi %mul3A_2, %mul3A_118 : i32
      %dma_start3A_120 = arith.constant 0 : i32
      %dma_start3A_121 = tpu.memref_slice %arg3[%add3A_119, %dma_start3A_120] : memref<2560x125xi32, #tpu.memory_space<hbm>> -> memref<8x125xi32, #tpu.memory_space<hbm>>
      %dma_start3A_122 = arith.constant 0 : i32
      %dma_start3A_123 = tpu.memref_slice %arg3[%add3A_119, %dma_start3A_122] : memref<2560x125xi32, #tpu.memory_space<hbm>> -> memref<8x125xi32, #tpu.memory_space<hbm>>
      tpu.enqueue_dma source(%dma_start3A_123 : memref<8x125xi32, #tpu.memory_space<hbm>>) target(%arg7 : memref<8x125xi32, #tpu.memory_space<vmem>>) target_semaphore(%arg18 : memref<!tpu.dma_semaphore, #tpu.memory_space<semaphore_mem>>)
      %mul3A_124 = arith.constant 8 : i32
      %mul3A_125 = arith.muli %add3A_116, %mul3A_124 : i32
      %add3A_126 = arith.addi %mul3A_2, %mul3A_125 : i32
      %dma_start3A_127 = arith.constant 0 : i32
      %dma_start3A_128 = tpu.memref_slice %arg4[%add3A_126, %dma_start3A_127] : memref<2560x125xi32, #tpu.memory_space<hbm>> -> memref<8x125xi32, #tpu.memory_space<hbm>>
      %dma_start3A_129 = arith.constant 0 : i32
      %dma_start3A_130 = tpu.memref_slice %arg4[%add3A_126, %dma_start3A_129] : memref<2560x125xi32, #tpu.memory_space<hbm>> -> memref<8x125xi32, #tpu.memory_space<hbm>>
      tpu.enqueue_dma source(%dma_start3A_130 : memref<8x125xi32, #tpu.memory_space<hbm>>) target(%arg9 : memref<8x125xi32, #tpu.memory_space<vmem>>) target_semaphore(%arg18 : memref<!tpu.dma_semaphore, #tpu.memory_space<semaphore_mem>>)
      %dma_wait3A_131 = arith.constant 0 : i32
      %dma_wait3A_132 = arith.constant 0 : i32
      %dma_wait3A_133 = tpu.memref_slice %arg8[%dma_wait3A_131, %dma_wait3A_132] : memref<8x125xi32, #tpu.memory_space<vmem>> -> memref<1x125xi32, #tpu.memory_space<vmem>>
      %dma_wait3A_134 = tpu.memref_squeeze %dma_wait3A_133 : memref<1x125xi32, #tpu.memory_space<vmem>> -> memref<125xi32, #tpu.memory_space<vmem>>
      %dma_wait3A_135 = arith.constant 0 : i32
      %dma_wait3A_136 = arith.constant 0 : i32
      %dma_wait3A_137 = tpu.memref_slice %arg12[%dma_wait3A_135, %dma_wait3A_136] : memref<10240x128xf32, #tpu.memory_space<vmem_shared>> -> memref<10240x128xf32, #tpu.memory_space<vmem_shared>>
      tpu.wait_indirect_dma semaphore(%arg16 : memref<!tpu.dma_semaphore, #tpu.memory_space<semaphore_mem>>) src(%arg11 : memref<125x128xf32, #tpu.memory_space<vmem>>) dst(%dma_wait3A_137 : memref<10240x128xf32, #tpu.memory_space<vmem_shared>>)
      %dma_start3A_138 = arith.constant 3 : i32
      %dma_start3A_139 = arith.constant 0 : i32
      %dma_start3A_140 = tpu.memref_slice %arg6[%dma_start3A_138, %dma_start3A_139] : memref<8x125xi32, #tpu.memory_space<vmem>> -> memref<1x125xi32, #tpu.memory_space<vmem>>
      %dma_start3A_141 = tpu.memref_squeeze %dma_start3A_140 : memref<1x125xi32, #tpu.memory_space<vmem>> -> memref<125xi32, #tpu.memory_space<vmem>>
      %dma_start3A_142 = arith.constant 0 : i32
      %dma_start3A_143 = arith.constant 0 : i32
      %dma_start3A_144 = tpu.memref_slice %arg2[%dma_start3A_142, %dma_start3A_143] : memref<10000x128xf32, #tpu.memory_space<hbm>> -> memref<10000x128xf32, #tpu.memory_space<hbm>>
      tpu.enqueue_indirect_dma source(%dma_start3A_144 : memref<10000x128xf32, #tpu.memory_space<hbm>>) target(%arg11 : memref<125x128xf32, #tpu.memory_space<vmem>>) offsets(%dma_start3A_141 : memref<125xi32, #tpu.memory_space<vmem>>) semaphore(%arg14 : memref<!tpu.dma_semaphore, #tpu.memory_space<semaphore_mem>>)
      %mul3A_145 = arith.constant 16 : i32
      %mul3A_146 = arith.muli %mul3A_145, %scan3A_61 : i32
      %add3A_147 = arith.constant 2 : i32
      %add3A_148 = arith.addi %mul3A_146, %add3A_147 : i32
      %dma_wait3A_149 = arith.constant 0 : i32
      %dma_wait3A_150 = arith.constant 0 : i32
      %dma_wait3A_151 = tpu.memref_slice %arg6[%dma_wait3A_149, %dma_wait3A_150] : memref<8x125xi32, #tpu.memory_space<vmem>> -> memref<1x125xi32, #tpu.memory_space<vmem>>
      %dma_wait3A_152 = tpu.memref_squeeze %dma_wait3A_151 : memref<1x125xi32, #tpu.memory_space<vmem>> -> memref<125xi32, #tpu.memory_space<vmem>>
      %dma_wait3A_153 = arith.constant 0 : i32
      %dma_wait3A_154 = arith.constant 0 : i32
      %dma_wait3A_155 = tpu.memref_slice %arg2[%dma_wait3A_153, %dma_wait3A_154] : memref<10000x128xf32, #tpu.memory_space<hbm>> -> memref<10000x128xf32, #tpu.memory_space<hbm>>
      tpu.wait_indirect_dma semaphore(%arg13 : memref<!tpu.dma_semaphore, #tpu.memory_space<semaphore_mem>>) src(%dma_wait3A_155 : memref<10000x128xf32, #tpu.memory_space<hbm>>) dst(%arg10 : memref<125x128xf32, #tpu.memory_space<vmem>>)
      %dma_start3A_156 = arith.constant 2 : i32
      %dma_start3A_157 = arith.constant 0 : i32
      %dma_start3A_158 = tpu.memref_slice %arg8[%dma_start3A_156, %dma_start3A_157] : memref<8x125xi32, #tpu.memory_space<vmem>> -> memref<1x125xi32, #tpu.memory_space<vmem>>
      %dma_start3A_159 = tpu.memref_squeeze %dma_start3A_158 : memref<1x125xi32, #tpu.memory_space<vmem>> -> memref<125xi32, #tpu.memory_space<vmem>>
      %dma_start3A_160 = arith.constant 0 : i32
      %dma_start3A_161 = arith.constant 0 : i32
      %dma_start3A_162 = tpu.memref_slice %arg12[%dma_start3A_160, %dma_start3A_161] : memref<10240x128xf32, #tpu.memory_space<vmem_shared>> -> memref<10240x128xf32, #tpu.memory_space<vmem_shared>>
      tpu.enqueue_indirect_dma source(%arg10 : memref<125x128xf32, #tpu.memory_space<vmem>>) target(%dma_start3A_162 : memref<10240x128xf32, #tpu.memory_space<vmem_shared>>) offsets(%dma_start3A_159 : memref<125xi32, #tpu.memory_space<vmem>>) semaphore(%arg15 : memref<!tpu.dma_semaphore, #tpu.memory_space<semaphore_mem>>) {add = true}
      %dma_wait3A_163 = arith.constant 0 : i32
      %dma_wait3A_164 = arith.constant 0 : i32
      %dma_wait3A_165 = tpu.memref_slice %arg8[%dma_wait3A_163, %dma_wait3A_164] : memref<8x125xi32, #tpu.memory_space<vmem>> -> memref<1x125xi32, #tpu.memory_space<vmem>>
      %dma_wait3A_166 = tpu.memref_squeeze %dma_wait3A_165 : memref<1x125xi32, #tpu.memory_space<vmem>> -> memref<125xi32, #tpu.memory_space<vmem>>
      %dma_wait3A_167 = arith.constant 0 : i32
      %dma_wait3A_168 = arith.constant 0 : i32
      %dma_wait3A_169 = tpu.memref_slice %arg12[%dma_wait3A_167, %dma_wait3A_168] : memref<10240x128xf32, #tpu.memory_space<vmem_shared>> -> memref<10240x128xf32, #tpu.memory_space<vmem_shared>>
      tpu.wait_indirect_dma semaphore(%arg15 : memref<!tpu.dma_semaphore, #tpu.memory_space<semaphore_mem>>) src(%arg10 : memref<125x128xf32, #tpu.memory_space<vmem>>) dst(%dma_wait3A_169 : memref<10240x128xf32, #tpu.memory_space<vmem_shared>>)
      %dma_start3A_170 = arith.constant 4 : i32
      %dma_start3A_171 = arith.constant 0 : i32
      %dma_start3A_172 = tpu.memref_slice %arg6[%dma_start3A_170, %dma_start3A_171] : memref<8x125xi32, #tpu.memory_space<vmem>> -> memref<1x125xi32, #tpu.memory_space<vmem>>
      %dma_start3A_173 = tpu.memref_squeeze %dma_start3A_172 : memref<1x125xi32, #tpu.memory_space<vmem>> -> memref<125xi32, #tpu.memory_space<vmem>>
      %dma_start3A_174 = arith.constant 0 : i32
      %dma_start3A_175 = arith.constant 0 : i32
      %dma_start3A_176 = tpu.memref_slice %arg2[%dma_start3A_174, %dma_start3A_175] : memref<10000x128xf32, #tpu.memory_space<hbm>> -> memref<10000x128xf32, #tpu.memory_space<hbm>>
      tpu.enqueue_indirect_dma source(%dma_start3A_176 : memref<10000x128xf32, #tpu.memory_space<hbm>>) target(%arg10 : memref<125x128xf32, #tpu.memory_space<vmem>>) offsets(%dma_start3A_173 : memref<125xi32, #tpu.memory_space<vmem>>) semaphore(%arg13 : memref<!tpu.dma_semaphore, #tpu.memory_space<semaphore_mem>>)
      %mul3A_177 = arith.constant 16 : i32
      %mul3A_178 = arith.muli %mul3A_177, %scan3A_61 : i32
      %add3A_179 = arith.constant 3 : i32
      %add3A_180 = arith.addi %mul3A_178, %add3A_179 : i32
      %dma_wait3A_181 = arith.constant 0 : i32
      %dma_wait3A_182 = arith.constant 0 : i32
      %dma_wait3A_183 = tpu.memref_slice %arg6[%dma_wait3A_181, %dma_wait3A_182] : memref<8x125xi32, #tpu.memory_space<vmem>> -> memref<1x125xi32, #tpu.memory_space<vmem>>
      %dma_wait3A_184 = tpu.memref_squeeze %dma_wait3A_183 : memref<1x125xi32, #tpu.memory_space<vmem>> -> memref<125xi32, #tpu.memory_space<vmem>>
      %dma_wait3A_185 = arith.constant 0 : i32
      %dma_wait3A_186 = arith.constant 0 : i32
      %dma_wait3A_187 = tpu.memref_slice %arg2[%dma_wait3A_185, %dma_wait3A_186] : memref<10000x128xf32, #tpu.memory_space<hbm>> -> memref<10000x128xf32, #tpu.memory_space<hbm>>
      tpu.wait_indirect_dma semaphore(%arg14 : memref<!tpu.dma_semaphore, #tpu.memory_space<semaphore_mem>>) src(%dma_wait3A_187 : memref<10000x128xf32, #tpu.memory_space<hbm>>) dst(%arg11 : memref<125x128xf32, #tpu.memory_space<vmem>>)
      %dma_start3A_188 = arith.constant 3 : i32
      %dma_start3A_189 = arith.constant 0 : i32
      %dma_start3A_190 = tpu.memref_slice %arg8[%dma_start3A_188, %dma_start3A_189] : memref<8x125xi32, #tpu.memory_space<vmem>> -> memref<1x125xi32, #tpu.memory_space<vmem>>
      %dma_start3A_191 = tpu.memref_squeeze %dma_start3A_190 : memref<1x125xi32, #tpu.memory_space<vmem>> -> memref<125xi32, #tpu.memory_space<vmem>>
      %dma_start3A_192 = arith.constant 0 : i32
      %dma_start3A_193 = arith.constant 0 : i32
      %dma_start3A_194 = tpu.memref_slice %arg12[%dma_start3A_192, %dma_start3A_193] : memref<10240x128xf32, #tpu.memory_space<vmem_shared>> -> memref<10240x128xf32, #tpu.memory_space<vmem_shared>>
      tpu.enqueue_indirect_dma source(%arg11 : memref<125x128xf32, #tpu.memory_space<vmem>>) target(%dma_start3A_194 : memref<10240x128xf32, #tpu.memory_space<vmem_shared>>) offsets(%dma_start3A_191 : memref<125xi32, #tpu.memory_space<vmem>>) semaphore(%arg16 : memref<!tpu.dma_semaphore, #tpu.memory_space<semaphore_mem>>) {add = true}
      %dma_wait3A_195 = arith.constant 0 : i32
      %dma_wait3A_196 = arith.constant 0 : i32
      %dma_wait3A_197 = tpu.memref_slice %arg8[%dma_wait3A_195, %dma_wait3A_196] : memref<8x125xi32, #tpu.memory_space<vmem>> -> memref<1x125xi32, #tpu.memory_space<vmem>>
      %dma_wait3A_198 = tpu.memref_squeeze %dma_wait3A_197 : memref<1x125xi32, #tpu.memory_space<vmem>> -> memref<125xi32, #tpu.memory_space<vmem>>
      %dma_wait3A_199 = arith.constant 0 : i32
      %dma_wait3A_200 = arith.constant 0 : i32
      %dma_wait3A_201 = tpu.memref_slice %arg12[%dma_wait3A_199, %dma_wait3A_200] : memref<10240x128xf32, #tpu.memory_space<vmem_shared>> -> memref<10240x128xf32, #tpu.memory_space<vmem_shared>>
      tpu.wait_indirect_dma semaphore(%arg16 : memref<!tpu.dma_semaphore, #tpu.memory_space<semaphore_mem>>) src(%arg11 : memref<125x128xf32, #tpu.memory_space<vmem>>) dst(%dma_wait3A_201 : memref<10240x128xf32, #tpu.memory_space<vmem_shared>>)
      %dma_start3A_202 = arith.constant 5 : i32
      %dma_start3A_203 = arith.constant 0 : i32
      %dma_start3A_204 = tpu.memref_slice %arg6[%dma_start3A_202, %dma_start3A_203] : memref<8x125xi32, #tpu.memory_space<vmem>> -> memref<1x125xi32, #tpu.memory_space<vmem>>
      %dma_start3A_205 = tpu.memref_squeeze %dma_start3A_204 : memref<1x125xi32, #tpu.memory_space<vmem>> -> memref<125xi32, #tpu.memory_space<vmem>>
      %dma_start3A_206 = arith.constant 0 : i32
      %dma_start3A_207 = arith.constant 0 : i32
      %dma_start3A_208 = tpu.memref_slice %arg2[%dma_start3A_206, %dma_start3A_207] : memref<10000x128xf32, #tpu.memory_space<hbm>> -> memref<10000x128xf32, #tpu.memory_space<hbm>>
      tpu.enqueue_indirect_dma source(%dma_start3A_208 : memref<10000x128xf32, #tpu.memory_space<hbm>>) target(%arg11 : memref<125x128xf32, #tpu.memory_space<vmem>>) offsets(%dma_start3A_205 : memref<125xi32, #tpu.memory_space<vmem>>) semaphore(%arg14 : memref<!tpu.dma_semaphore, #tpu.memory_space<semaphore_mem>>)
      %mul3A_209 = arith.constant 16 : i32
      %mul3A_210 = arith.muli %mul3A_209, %scan3A_61 : i32
      %add3A_211 = arith.constant 4 : i32
      %add3A_212 = arith.addi %mul3A_210, %add3A_211 : i32
      %dma_wait3A_213 = arith.constant 0 : i32
      %dma_wait3A_214 = arith.constant 0 : i32
      %dma_wait3A_215 = tpu.memref_slice %arg6[%dma_wait3A_213, %dma_wait3A_214] : memref<8x125xi32, #tpu.memory_space<vmem>> -> memref<1x125xi32, #tpu.memory_space<vmem>>
      %dma_wait3A_216 = tpu.memref_squeeze %dma_wait3A_215 : memref<1x125xi32, #tpu.memory_space<vmem>> -> memref<125xi32, #tpu.memory_space<vmem>>
      %dma_wait3A_217 = arith.constant 0 : i32
      %dma_wait3A_218 = arith.constant 0 : i32
      %dma_wait3A_219 = tpu.memref_slice %arg2[%dma_wait3A_217, %dma_wait3A_218] : memref<10000x128xf32, #tpu.memory_space<hbm>> -> memref<10000x128xf32, #tpu.memory_space<hbm>>
      tpu.wait_indirect_dma semaphore(%arg13 : memref<!tpu.dma_semaphore, #tpu.memory_space<semaphore_mem>>) src(%dma_wait3A_219 : memref<10000x128xf32, #tpu.memory_space<hbm>>) dst(%arg10 : memref<125x128xf32, #tpu.memory_space<vmem>>)
      %dma_start3A_220 = arith.constant 4 : i32
      %dma_start3A_221 = arith.constant 0 : i32
      %dma_start3A_222 = tpu.memref_slice %arg8[%dma_start3A_220, %dma_start3A_221] : memref<8x125xi32, #tpu.memory_space<vmem>> -> memref<1x125xi32, #tpu.memory_space<vmem>>
      %dma_start3A_223 = tpu.memref_squeeze %dma_start3A_222 : memref<1x125xi32, #tpu.memory_space<vmem>> -> memref<125xi32, #tpu.memory_space<vmem>>
      %dma_start3A_224 = arith.constant 0 : i32
      %dma_start3A_225 = arith.constant 0 : i32
      %dma_start3A_226 = tpu.memref_slice %arg12[%dma_start3A_224, %dma_start3A_225] : memref<10240x128xf32, #tpu.memory_space<vmem_shared>> -> memref<10240x128xf32, #tpu.memory_space<vmem_shared>>
      tpu.enqueue_indirect_dma source(%arg10 : memref<125x128xf32, #tpu.memory_space<vmem>>) target(%dma_start3A_226 : memref<10240x128xf32, #tpu.memory_space<vmem_shared>>) offsets(%dma_start3A_223 : memref<125xi32, #tpu.memory_space<vmem>>) semaphore(%arg15 : memref<!tpu.dma_semaphore, #tpu.memory_space<semaphore_mem>>) {add = true}
      %dma_wait3A_227 = arith.constant 0 : i32
      %dma_wait3A_228 = arith.constant 0 : i32
      %dma_wait3A_229 = tpu.memref_slice %arg8[%dma_wait3A_227, %dma_wait3A_228] : memref<8x125xi32, #tpu.memory_space<vmem>> -> memref<1x125xi32, #tpu.memory_space<vmem>>
      %dma_wait3A_230 = tpu.memref_squeeze %dma_wait3A_229 : memref<1x125xi32, #tpu.memory_space<vmem>> -> memref<125xi32, #tpu.memory_space<vmem>>
      %dma_wait3A_231 = arith.constant 0 : i32
      %dma_wait3A_232 = arith.constant 0 : i32
      %dma_wait3A_233 = tpu.memref_slice %arg12[%dma_wait3A_231, %dma_wait3A_232] : memref<10240x128xf32, #tpu.memory_space<vmem_shared>> -> memref<10240x128xf32, #tpu.memory_space<vmem_shared>>
      tpu.wait_indirect_dma semaphore(%arg15 : memref<!tpu.dma_semaphore, #tpu.memory_space<semaphore_mem>>) src(%arg10 : memref<125x128xf32, #tpu.memory_space<vmem>>) dst(%dma_wait3A_233 : memref<10240x128xf32, #tpu.memory_space<vmem_shared>>)
      %dma_start3A_234 = arith.constant 6 : i32
      %dma_start3A_235 = arith.constant 0 : i32
      %dma_start3A_236 = tpu.memref_slice %arg6[%dma_start3A_234, %dma_start3A_235] : memref<8x125xi32, #tpu.memory_space<vmem>> -> memref<1x125xi32, #tpu.memory_space<vmem>>
      %dma_start3A_237 = tpu.memref_squeeze %dma_start3A_236 : memref<1x125xi32, #tpu.memory_space<vmem>> -> memref<125xi32, #tpu.memory_space<vmem>>
      %dma_start3A_238 = arith.constant 0 : i32
      %dma_start3A_239 = arith.constant 0 : i32
      %dma_start3A_240 = tpu.memref_slice %arg2[%dma_start3A_238, %dma_start3A_239] : memref<10000x128xf32, #tpu.memory_space<hbm>> -> memref<10000x128xf32, #tpu.memory_space<hbm>>
      tpu.enqueue_indirect_dma source(%dma_start3A_240 : memref<10000x128xf32, #tpu.memory_space<hbm>>) target(%arg10 : memref<125x128xf32, #tpu.memory_space<vmem>>) offsets(%dma_start3A_237 : memref<125xi32, #tpu.memory_space<vmem>>) semaphore(%arg13 : memref<!tpu.dma_semaphore, #tpu.memory_space<semaphore_mem>>)
      %mul3A_241 = arith.constant 16 : i32
      %mul3A_242 = arith.muli %mul3A_241, %scan3A_61 : i32
      %add3A_243 = arith.constant 5 : i32
      %add3A_244 = arith.addi %mul3A_242, %add3A_243 : i32
      %dma_wait3A_245 = arith.constant 0 : i32
      %dma_wait3A_246 = arith.constant 0 : i32
      %dma_wait3A_247 = tpu.memref_slice %arg6[%dma_wait3A_245, %dma_wait3A_246] : memref<8x125xi32, #tpu.memory_space<vmem>> -> memref<1x125xi32, #tpu.memory_space<vmem>>
      %dma_wait3A_248 = tpu.memref_squeeze %dma_wait3A_247 : memref<1x125xi32, #tpu.memory_space<vmem>> -> memref<125xi32, #tpu.memory_space<vmem>>
      %dma_wait3A_249 = arith.constant 0 : i32
      %dma_wait3A_250 = arith.constant 0 : i32
      %dma_wait3A_251 = tpu.memref_slice %arg2[%dma_wait3A_249, %dma_wait3A_250] : memref<10000x128xf32, #tpu.memory_space<hbm>> -> memref<10000x128xf32, #tpu.memory_space<hbm>>
      tpu.wait_indirect_dma semaphore(%arg14 : memref<!tpu.dma_semaphore, #tpu.memory_space<semaphore_mem>>) src(%dma_wait3A_251 : memref<10000x128xf32, #tpu.memory_space<hbm>>) dst(%arg11 : memref<125x128xf32, #tpu.memory_space<vmem>>)
      %dma_start3A_252 = arith.constant 5 : i32
      %dma_start3A_253 = arith.constant 0 : i32
      %dma_start3A_254 = tpu.memref_slice %arg8[%dma_start3A_252, %dma_start3A_253] : memref<8x125xi32, #tpu.memory_space<vmem>> -> memref<1x125xi32, #tpu.memory_space<vmem>>
      %dma_start3A_255 = tpu.memref_squeeze %dma_start3A_254 : memref<1x125xi32, #tpu.memory_space<vmem>> -> memref<125xi32, #tpu.memory_space<vmem>>
      %dma_start3A_256 = arith.constant 0 : i32
      %dma_start3A_257 = arith.constant 0 : i32
      %dma_start3A_258 = tpu.memref_slice %arg12[%dma_start3A_256, %dma_start3A_257] : memref<10240x128xf32, #tpu.memory_space<vmem_shared>> -> memref<10240x128xf32, #tpu.memory_space<vmem_shared>>
      tpu.enqueue_indirect_dma source(%arg11 : memref<125x128xf32, #tpu.memory_space<vmem>>) target(%dma_start3A_258 : memref<10240x128xf32, #tpu.memory_space<vmem_shared>>) offsets(%dma_start3A_255 : memref<125xi32, #tpu.memory_space<vmem>>) semaphore(%arg16 : memref<!tpu.dma_semaphore, #tpu.memory_space<semaphore_mem>>) {add = true}
      %dma_wait3A_259 = arith.constant 0 : i32
      %dma_wait3A_260 = arith.constant 0 : i32
      %dma_wait3A_261 = tpu.memref_slice %arg8[%dma_wait3A_259, %dma_wait3A_260] : memref<8x125xi32, #tpu.memory_space<vmem>> -> memref<1x125xi32, #tpu.memory_space<vmem>>
      %dma_wait3A_262 = tpu.memref_squeeze %dma_wait3A_261 : memref<1x125xi32, #tpu.memory_space<vmem>> -> memref<125xi32, #tpu.memory_space<vmem>>
      %dma_wait3A_263 = arith.constant 0 : i32
      %dma_wait3A_264 = arith.constant 0 : i32
      %dma_wait3A_265 = tpu.memref_slice %arg12[%dma_wait3A_263, %dma_wait3A_264] : memref<10240x128xf32, #tpu.memory_space<vmem_shared>> -> memref<10240x128xf32, #tpu.memory_space<vmem_shared>>
      tpu.wait_indirect_dma semaphore(%arg16 : memref<!tpu.dma_semaphore, #tpu.memory_space<semaphore_mem>>) src(%arg11 : memref<125x128xf32, #tpu.memory_space<vmem>>) dst(%dma_wait3A_265 : memref<10240x128xf32, #tpu.memory_space<vmem_shared>>)
      %dma_start3A_266 = arith.constant 7 : i32
      %dma_start3A_267 = arith.constant 0 : i32
      %dma_start3A_268 = tpu.memref_slice %arg6[%dma_start3A_266, %dma_start3A_267] : memref<8x125xi32, #tpu.memory_space<vmem>> -> memref<1x125xi32, #tpu.memory_space<vmem>>
      %dma_start3A_269 = tpu.memref_squeeze %dma_start3A_268 : memref<1x125xi32, #tpu.memory_space<vmem>> -> memref<125xi32, #tpu.memory_space<vmem>>
      %dma_start3A_270 = arith.constant 0 : i32
      %dma_start3A_271 = arith.constant 0 : i32
      %dma_start3A_272 = tpu.memref_slice %arg2[%dma_start3A_270, %dma_start3A_271] : memref<10000x128xf32, #tpu.memory_space<hbm>> -> memref<10000x128xf32, #tpu.memory_space<hbm>>
      tpu.enqueue_indirect_dma source(%dma_start3A_272 : memref<10000x128xf32, #tpu.memory_space<hbm>>) target(%arg11 : memref<125x128xf32, #tpu.memory_space<vmem>>) offsets(%dma_start3A_269 : memref<125xi32, #tpu.memory_space<vmem>>) semaphore(%arg14 : memref<!tpu.dma_semaphore, #tpu.memory_space<semaphore_mem>>)
      %mul3A_273 = arith.constant 16 : i32
      %mul3A_274 = arith.muli %mul3A_273, %scan3A_61 : i32
      %add3A_275 = arith.constant 6 : i32
      %add3A_276 = arith.addi %mul3A_274, %add3A_275 : i32
      %dma_wait3A_277 = arith.constant 0 : i32
      %dma_wait3A_278 = arith.constant 0 : i32
      %dma_wait3A_279 = tpu.memref_slice %arg6[%dma_wait3A_277, %dma_wait3A_278] : memref<8x125xi32, #tpu.memory_space<vmem>> -> memref<1x125xi32, #tpu.memory_space<vmem>>
      %dma_wait3A_280 = tpu.memref_squeeze %dma_wait3A_279 : memref<1x125xi32, #tpu.memory_space<vmem>> -> memref<125xi32, #tpu.memory_space<vmem>>
      %dma_wait3A_281 = arith.constant 0 : i32
      %dma_wait3A_282 = arith.constant 0 : i32
      %dma_wait3A_283 = tpu.memref_slice %arg2[%dma_wait3A_281, %dma_wait3A_282] : memref<10000x128xf32, #tpu.memory_space<hbm>> -> memref<10000x128xf32, #tpu.memory_space<hbm>>
      tpu.wait_indirect_dma semaphore(%arg13 : memref<!tpu.dma_semaphore, #tpu.memory_space<semaphore_mem>>) src(%dma_wait3A_283 : memref<10000x128xf32, #tpu.memory_space<hbm>>) dst(%arg10 : memref<125x128xf32, #tpu.memory_space<vmem>>)
      %dma_start3A_284 = arith.constant 6 : i32
      %dma_start3A_285 = arith.constant 0 : i32
      %dma_start3A_286 = tpu.memref_slice %arg8[%dma_start3A_284, %dma_start3A_285] : memref<8x125xi32, #tpu.memory_space<vmem>> -> memref<1x125xi32, #tpu.memory_space<vmem>>
      %dma_start3A_287 = tpu.memref_squeeze %dma_start3A_286 : memref<1x125xi32, #tpu.memory_space<vmem>> -> memref<125xi32, #tpu.memory_space<vmem>>
      %dma_start3A_288 = arith.constant 0 : i32
      %dma_start3A_289 = arith.constant 0 : i32
      %dma_start3A_290 = tpu.memref_slice %arg12[%dma_start3A_288, %dma_start3A_289] : memref<10240x128xf32, #tpu.memory_space<vmem_shared>> -> memref<10240x128xf32, #tpu.memory_space<vmem_shared>>
      tpu.enqueue_indirect_dma source(%arg10 : memref<125x128xf32, #tpu.memory_space<vmem>>) target(%dma_start3A_290 : memref<10240x128xf32, #tpu.memory_space<vmem_shared>>) offsets(%dma_start3A_287 : memref<125xi32, #tpu.memory_space<vmem>>) semaphore(%arg15 : memref<!tpu.dma_semaphore, #tpu.memory_space<semaphore_mem>>) {add = true}
      %dma_wait3A_291 = arith.constant 0 : i32
      %dma_wait3A_292 = tpu.memref_slice %arg3[%mul3A_2, %dma_wait3A_291] : memref<2560x125xi32, #tpu.memory_space<hbm>> -> memref<8x125xi32, #tpu.memory_space<hbm>>
      %dma_wait3A_293 = arith.constant 0 : i32
      %dma_wait3A_294 = tpu.memref_slice %arg3[%mul3A_2, %dma_wait3A_293] : memref<2560x125xi32, #tpu.memory_space<hbm>> -> memref<8x125xi32, #tpu.memory_space<hbm>>
      tpu.wait_dma2 semaphore(%arg18 : memref<!tpu.dma_semaphore, #tpu.memory_space<semaphore_mem>>) src(%dma_wait3A_294 : memref<8x125xi32, #tpu.memory_space<hbm>>) dst(%arg7 : memref<8x125xi32, #tpu.memory_space<vmem>>)
      %dma_wait3A_295 = arith.constant 0 : i32
      %dma_wait3A_296 = tpu.memref_slice %arg4[%mul3A_2, %dma_wait3A_295] : memref<2560x125xi32, #tpu.memory_space<hbm>> -> memref<8x125xi32, #tpu.memory_space<hbm>>
      %dma_wait3A_297 = arith.constant 0 : i32
      %dma_wait3A_298 = tpu.memref_slice %arg4[%mul3A_2, %dma_wait3A_297] : memref<2560x125xi32, #tpu.memory_space<hbm>> -> memref<8x125xi32, #tpu.memory_space<hbm>>
      tpu.wait_dma2 semaphore(%arg18 : memref<!tpu.dma_semaphore, #tpu.memory_space<semaphore_mem>>) src(%dma_wait3A_298 : memref<8x125xi32, #tpu.memory_space<hbm>>) dst(%arg9 : memref<8x125xi32, #tpu.memory_space<vmem>>)
      %dma_wait3A_299 = arith.constant 0 : i32
      %dma_wait3A_300 = arith.constant 0 : i32
      %dma_wait3A_301 = tpu.memref_slice %arg8[%dma_wait3A_299, %dma_wait3A_300] : memref<8x125xi32, #tpu.memory_space<vmem>> -> memref<1x125xi32, #tpu.memory_space<vmem>>
      %dma_wait3A_302 = tpu.memref_squeeze %dma_wait3A_301 : memref<1x125xi32, #tpu.memory_space<vmem>> -> memref<125xi32, #tpu.memory_space<vmem>>
      %dma_wait3A_303 = arith.constant 0 : i32
      %dma_wait3A_304 = arith.constant 0 : i32
      %dma_wait3A_305 = tpu.memref_slice %arg12[%dma_wait3A_303, %dma_wait3A_304] : memref<10240x128xf32, #tpu.memory_space<vmem_shared>> -> memref<10240x128xf32, #tpu.memory_space<vmem_shared>>
      tpu.wait_indirect_dma semaphore(%arg15 : memref<!tpu.dma_semaphore, #tpu.memory_space<semaphore_mem>>) src(%arg10 : memref<125x128xf32, #tpu.memory_space<vmem>>) dst(%dma_wait3A_305 : memref<10240x128xf32, #tpu.memory_space<vmem_shared>>)
      %dma_start3A_306 = arith.constant 0 : i32
      %dma_start3A_307 = arith.constant 0 : i32
      %dma_start3A_308 = tpu.memref_slice %arg7[%dma_start3A_306, %dma_start3A_307] : memref<8x125xi32, #tpu.memory_space<vmem>> -> memref<1x125xi32, #tpu.memory_space<vmem>>
      %dma_start3A_309 = tpu.memref_squeeze %dma_start3A_308 : memref<1x125xi32, #tpu.memory_space<vmem>> -> memref<125xi32, #tpu.memory_space<vmem>>
      %dma_start3A_310 = arith.constant 0 : i32
      %dma_start3A_311 = arith.constant 0 : i32
      %dma_start3A_312 = tpu.memref_slice %arg2[%dma_start3A_310, %dma_start3A_311] : memref<10000x128xf32, #tpu.memory_space<hbm>> -> memref<10000x128xf32, #tpu.memory_space<hbm>>
      tpu.enqueue_indirect_dma source(%dma_start3A_312 : memref<10000x128xf32, #tpu.memory_space<hbm>>) target(%arg10 : memref<125x128xf32, #tpu.memory_space<vmem>>) offsets(%dma_start3A_309 : memref<125xi32, #tpu.memory_space<vmem>>) semaphore(%arg13 : memref<!tpu.dma_semaphore, #tpu.memory_space<semaphore_mem>>)
      %mul3A_313 = arith.constant 16 : i32
      %mul3A_314 = arith.muli %mul3A_313, %scan3A_61 : i32
      %add3A_315 = arith.constant 7 : i32
      %add3A_316 = arith.addi %mul3A_314, %add3A_315 : i32
      %dma_wait3A_317 = arith.constant 0 : i32
      %dma_wait3A_318 = arith.constant 0 : i32
      %dma_wait3A_319 = tpu.memref_slice %arg6[%dma_wait3A_317, %dma_wait3A_318] : memref<8x125xi32, #tpu.memory_space<vmem>> -> memref<1x125xi32, #tpu.memory_space<vmem>>
      %dma_wait3A_320 = tpu.memref_squeeze %dma_wait3A_319 : memref<1x125xi32, #tpu.memory_space<vmem>> -> memref<125xi32, #tpu.memory_space<vmem>>
      %dma_wait3A_321 = arith.constant 0 : i32
      %dma_wait3A_322 = arith.constant 0 : i32
      %dma_wait3A_323 = tpu.memref_slice %arg2[%dma_wait3A_321, %dma_wait3A_322] : memref<10000x128xf32, #tpu.memory_space<hbm>> -> memref<10000x128xf32, #tpu.memory_space<hbm>>
      tpu.wait_indirect_dma semaphore(%arg14 : memref<!tpu.dma_semaphore, #tpu.memory_space<semaphore_mem>>) src(%dma_wait3A_323 : memref<10000x128xf32, #tpu.memory_space<hbm>>) dst(%arg11 : memref<125x128xf32, #tpu.memory_space<vmem>>)
      %dma_start3A_324 = arith.constant 7 : i32
      %dma_start3A_325 = arith.constant 0 : i32
      %dma_start3A_326 = tpu.memref_slice %arg8[%dma_start3A_324, %dma_start3A_325] : memref<8x125xi32, #tpu.memory_space<vmem>> -> memref<1x125xi32, #tpu.memory_space<vmem>>
      %dma_start3A_327 = tpu.memref_squeeze %dma_start3A_326 : memref<1x125xi32, #tpu.memory_space<vmem>> -> memref<125xi32, #tpu.memory_space<vmem>>
      %dma_start3A_328 = arith.constant 0 : i32
      %dma_start3A_329 = arith.constant 0 : i32
      %dma_start3A_330 = tpu.memref_slice %arg12[%dma_start3A_328, %dma_start3A_329] : memref<10240x128xf32, #tpu.memory_space<vmem_shared>> -> memref<10240x128xf32, #tpu.memory_space<vmem_shared>>
      tpu.enqueue_indirect_dma source(%arg11 : memref<125x128xf32, #tpu.memory_space<vmem>>) target(%dma_start3A_330 : memref<10240x128xf32, #tpu.memory_space<vmem_shared>>) offsets(%dma_start3A_327 : memref<125xi32, #tpu.memory_space<vmem>>) semaphore(%arg16 : memref<!tpu.dma_semaphore, #tpu.memory_space<semaphore_mem>>) {add = true}
      %dma_wait3A_331 = arith.constant 0 : i32
      %dma_wait3A_332 = arith.constant 0 : i32
      %dma_wait3A_333 = tpu.memref_slice %arg8[%dma_wait3A_331, %dma_wait3A_332] : memref<8x125xi32, #tpu.memory_space<vmem>> -> memref<1x125xi32, #tpu.memory_space<vmem>>
      %dma_wait3A_334 = tpu.memref_squeeze %dma_wait3A_333 : memref<1x125xi32, #tpu.memory_space<vmem>> -> memref<125xi32, #tpu.memory_space<vmem>>
      %dma_wait3A_335 = arith.constant 0 : i32
      %dma_wait3A_336 = arith.constant 0 : i32
      %dma_wait3A_337 = tpu.memref_slice %arg12[%dma_wait3A_335, %dma_wait3A_336] : memref<10240x128xf32, #tpu.memory_space<vmem_shared>> -> memref<10240x128xf32, #tpu.memory_space<vmem_shared>>
      tpu.wait_indirect_dma semaphore(%arg16 : memref<!tpu.dma_semaphore, #tpu.memory_space<semaphore_mem>>) src(%arg11 : memref<125x128xf32, #tpu.memory_space<vmem>>) dst(%dma_wait3A_337 : memref<10240x128xf32, #tpu.memory_space<vmem_shared>>)
      %dma_start3A_338 = arith.constant 1 : i32
      %dma_start3A_339 = arith.constant 0 : i32
      %dma_start3A_340 = tpu.memref_slice %arg7[%dma_start3A_338, %dma_start3A_339] : memref<8x125xi32, #tpu.memory_space<vmem>> -> memref<1x125xi32, #tpu.memory_space<vmem>>
      %dma_start3A_341 = tpu.memref_squeeze %dma_start3A_340 : memref<1x125xi32, #tpu.memory_space<vmem>> -> memref<125xi32, #tpu.memory_space<vmem>>
      %dma_start3A_342 = arith.constant 0 : i32
      %dma_start3A_343 = arith.constant 0 : i32
      %dma_start3A_344 = tpu.memref_slice %arg2[%dma_start3A_342, %dma_start3A_343] : memref<10000x128xf32, #tpu.memory_space<hbm>> -> memref<10000x128xf32, #tpu.memory_space<hbm>>
      tpu.enqueue_indirect_dma source(%dma_start3A_344 : memref<10000x128xf32, #tpu.memory_space<hbm>>) target(%arg11 : memref<125x128xf32, #tpu.memory_space<vmem>>) offsets(%dma_start3A_341 : memref<125xi32, #tpu.memory_space<vmem>>) semaphore(%arg14 : memref<!tpu.dma_semaphore, #tpu.memory_space<semaphore_mem>>)
      %mul3A_345 = arith.constant 16 : i32
      %mul3A_346 = arith.muli %mul3A_345, %scan3A_61 : i32
      %add3A_347 = arith.constant 8 : i32
      %add3A_348 = arith.addi %mul3A_346, %add3A_347 : i32
      %dma_wait3A_349 = arith.constant 0 : i32
      %dma_wait3A_350 = arith.constant 0 : i32
      %dma_wait3A_351 = tpu.memref_slice %arg6[%dma_wait3A_349, %dma_wait3A_350] : memref<8x125xi32, #tpu.memory_space<vmem>> -> memref<1x125xi32, #tpu.memory_space<vmem>>
      %dma_wait3A_352 = tpu.memref_squeeze %dma_wait3A_351 : memref<1x125xi32, #tpu.memory_space<vmem>> -> memref<125xi32, #tpu.memory_space<vmem>>
      %dma_wait3A_353 = arith.constant 0 : i32
      %dma_wait3A_354 = arith.constant 0 : i32
      %dma_wait3A_355 = tpu.memref_slice %arg2[%dma_wait3A_353, %dma_wait3A_354] : memref<10000x128xf32, #tpu.memory_space<hbm>> -> memref<10000x128xf32, #tpu.memory_space<hbm>>
      tpu.wait_indirect_dma semaphore(%arg13 : memref<!tpu.dma_semaphore, #tpu.memory_space<semaphore_mem>>) src(%dma_wait3A_355 : memref<10000x128xf32, #tpu.memory_space<hbm>>) dst(%arg10 : memref<125x128xf32, #tpu.memory_space<vmem>>)
      %dma_start3A_356 = arith.constant 0 : i32
      %dma_start3A_357 = arith.constant 0 : i32
      %dma_start3A_358 = tpu.memref_slice %arg9[%dma_start3A_356, %dma_start3A_357] : memref<8x125xi32, #tpu.memory_space<vmem>> -> memref<1x125xi32, #tpu.memory_space<vmem>>
      %dma_start3A_359 = tpu.memref_squeeze %dma_start3A_358 : memref<1x125xi32, #tpu.memory_space<vmem>> -> memref<125xi32, #tpu.memory_space<vmem>>
      %dma_start3A_360 = arith.constant 0 : i32
      %dma_start3A_361 = arith.constant 0 : i32
      %dma_start3A_362 = tpu.memref_slice %arg12[%dma_start3A_360, %dma_start3A_361] : memref<10240x128xf32, #tpu.memory_space<vmem_shared>> -> memref<10240x128xf32, #tpu.memory_space<vmem_shared>>
      tpu.enqueue_indirect_dma source(%arg10 : memref<125x128xf32, #tpu.memory_space<vmem>>) target(%dma_start3A_362 : memref<10240x128xf32, #tpu.memory_space<vmem_shared>>) offsets(%dma_start3A_359 : memref<125xi32, #tpu.memory_space<vmem>>) semaphore(%arg15 : memref<!tpu.dma_semaphore, #tpu.memory_space<semaphore_mem>>) {add = true}
      %dma_wait3A_363 = arith.constant 0 : i32
      %dma_wait3A_364 = arith.constant 0 : i32
      %dma_wait3A_365 = tpu.memref_slice %arg8[%dma_wait3A_363, %dma_wait3A_364] : memref<8x125xi32, #tpu.memory_space<vmem>> -> memref<1x125xi32, #tpu.memory_space<vmem>>
      %dma_wait3A_366 = tpu.memref_squeeze %dma_wait3A_365 : memref<1x125xi32, #tpu.memory_space<vmem>> -> memref<125xi32, #tpu.memory_space<vmem>>
      %dma_wait3A_367 = arith.constant 0 : i32
      %dma_wait3A_368 = arith.constant 0 : i32
      %dma_wait3A_369 = tpu.memref_slice %arg12[%dma_wait3A_367, %dma_wait3A_368] : memref<10240x128xf32, #tpu.memory_space<vmem_shared>> -> memref<10240x128xf32, #tpu.memory_space<vmem_shared>>
      tpu.wait_indirect_dma semaphore(%arg15 : memref<!tpu.dma_semaphore, #tpu.memory_space<semaphore_mem>>) src(%arg10 : memref<125x128xf32, #tpu.memory_space<vmem>>) dst(%dma_wait3A_369 : memref<10240x128xf32, #tpu.memory_space<vmem_shared>>)
      %dma_start3A_370 = arith.constant 2 : i32
      %dma_start3A_371 = arith.constant 0 : i32
      %dma_start3A_372 = tpu.memref_slice %arg7[%dma_start3A_370, %dma_start3A_371] : memref<8x125xi32, #tpu.memory_space<vmem>> -> memref<1x125xi32, #tpu.memory_space<vmem>>
      %dma_start3A_373 = tpu.memref_squeeze %dma_start3A_372 : memref<1x125xi32, #tpu.memory_space<vmem>> -> memref<125xi32, #tpu.memory_space<vmem>>
      %dma_start3A_374 = arith.constant 0 : i32
      %dma_start3A_375 = arith.constant 0 : i32
      %dma_start3A_376 = tpu.memref_slice %arg2[%dma_start3A_374, %dma_start3A_375] : memref<10000x128xf32, #tpu.memory_space<hbm>> -> memref<10000x128xf32, #tpu.memory_space<hbm>>
      tpu.enqueue_indirect_dma source(%dma_start3A_376 : memref<10000x128xf32, #tpu.memory_space<hbm>>) target(%arg10 : memref<125x128xf32, #tpu.memory_space<vmem>>) offsets(%dma_start3A_373 : memref<125xi32, #tpu.memory_space<vmem>>) semaphore(%arg13 : memref<!tpu.dma_semaphore, #tpu.memory_space<semaphore_mem>>)
      %mul3A_377 = arith.constant 16 : i32
      %mul3A_378 = arith.muli %mul3A_377, %scan3A_61 : i32
      %add3A_379 = arith.constant 9 : i32
      %add3A_380 = arith.addi %mul3A_378, %add3A_379 : i32
      %dma_wait3A_381 = arith.constant 0 : i32
      %dma_wait3A_382 = arith.constant 0 : i32
      %dma_wait3A_383 = tpu.memref_slice %arg6[%dma_wait3A_381, %dma_wait3A_382] : memref<8x125xi32, #tpu.memory_space<vmem>> -> memref<1x125xi32, #tpu.memory_space<vmem>>
      %dma_wait3A_384 = tpu.memref_squeeze %dma_wait3A_383 : memref<1x125xi32, #tpu.memory_space<vmem>> -> memref<125xi32, #tpu.memory_space<vmem>>
      %dma_wait3A_385 = arith.constant 0 : i32
      %dma_wait3A_386 = arith.constant 0 : i32
      %dma_wait3A_387 = tpu.memref_slice %arg2[%dma_wait3A_385, %dma_wait3A_386] : memref<10000x128xf32, #tpu.memory_space<hbm>> -> memref<10000x128xf32, #tpu.memory_space<hbm>>
      tpu.wait_indirect_dma semaphore(%arg14 : memref<!tpu.dma_semaphore, #tpu.memory_space<semaphore_mem>>) src(%dma_wait3A_387 : memref<10000x128xf32, #tpu.memory_space<hbm>>) dst(%arg11 : memref<125x128xf32, #tpu.memory_space<vmem>>)
      %dma_start3A_388 = arith.constant 1 : i32
      %dma_start3A_389 = arith.constant 0 : i32
      %dma_start3A_390 = tpu.memref_slice %arg9[%dma_start3A_388, %dma_start3A_389] : memref<8x125xi32, #tpu.memory_space<vmem>> -> memref<1x125xi32, #tpu.memory_space<vmem>>
      %dma_start3A_391 = tpu.memref_squeeze %dma_start3A_390 : memref<1x125xi32, #tpu.memory_space<vmem>> -> memref<125xi32, #tpu.memory_space<vmem>>
      %dma_start3A_392 = arith.constant 0 : i32
      %dma_start3A_393 = arith.constant 0 : i32
      %dma_start3A_394 = tpu.memref_slice %arg12[%dma_start3A_392, %dma_start3A_393] : memref<10240x128xf32, #tpu.memory_space<vmem_shared>> -> memref<10240x128xf32, #tpu.memory_space<vmem_shared>>
      tpu.enqueue_indirect_dma source(%arg11 : memref<125x128xf32, #tpu.memory_space<vmem>>) target(%dma_start3A_394 : memref<10240x128xf32, #tpu.memory_space<vmem_shared>>) offsets(%dma_start3A_391 : memref<125xi32, #tpu.memory_space<vmem>>) semaphore(%arg16 : memref<!tpu.dma_semaphore, #tpu.memory_space<semaphore_mem>>) {add = true}
      %lt3A = arith.constant 4 : i32
      %lt3A_395 = arith.cmpi slt, %scan3A_61, %lt3A : i32
      %convert_element_type3A = arith.extui %lt3A_395 : i1 to i32
      %cond3A = arith.constant 0 : i32
      %cond3A_396 = arith.cmpi ne, %convert_element_type3A, %cond3A : i32
      scf.if %cond3A_396 {
        %mul3A_600 = arith.constant 2 : i32
        %mul3A_601 = arith.muli %mul3A_600, %scan3A_61 : i32
        %add3A_602 = arith.constant 2 : i32
        %add3A_603 = arith.addi %mul3A_601, %add3A_602 : i32
        %mul3A_604 = arith.constant 8 : i32
        %mul3A_605 = arith.muli %add3A_603, %mul3A_604 : i32
        %add3A_606 = arith.addi %mul3A_2, %mul3A_605 : i32
        %dma_start3A_607 = arith.constant 0 : i32
        %dma_start3A_608 = tpu.memref_slice %arg3[%add3A_606, %dma_start3A_607] : memref<2560x125xi32, #tpu.memory_space<hbm>> -> memref<8x125xi32, #tpu.memory_space<hbm>>
        %dma_start3A_609 = arith.constant 0 : i32
        %dma_start3A_610 = tpu.memref_slice %arg3[%add3A_606, %dma_start3A_609] : memref<2560x125xi32, #tpu.memory_space<hbm>> -> memref<8x125xi32, #tpu.memory_space<hbm>>
        tpu.enqueue_dma source(%dma_start3A_610 : memref<8x125xi32, #tpu.memory_space<hbm>>) target(%arg6 : memref<8x125xi32, #tpu.memory_space<vmem>>) target_semaphore(%arg17 : memref<!tpu.dma_semaphore, #tpu.memory_space<semaphore_mem>>)
        %mul3A_611 = arith.constant 8 : i32
        %mul3A_612 = arith.muli %add3A_603, %mul3A_611 : i32
        %add3A_613 = arith.addi %mul3A_2, %mul3A_612 : i32
        %dma_start3A_614 = arith.constant 0 : i32
        %dma_start3A_615 = tpu.memref_slice %arg4[%add3A_613, %dma_start3A_614] : memref<2560x125xi32, #tpu.memory_space<hbm>> -> memref<8x125xi32, #tpu.memory_space<hbm>>
        %dma_start3A_616 = arith.constant 0 : i32
        %dma_start3A_617 = tpu.memref_slice %arg4[%add3A_613, %dma_start3A_616] : memref<2560x125xi32, #tpu.memory_space<hbm>> -> memref<8x125xi32, #tpu.memory_space<hbm>>
        tpu.enqueue_dma source(%dma_start3A_617 : memref<8x125xi32, #tpu.memory_space<hbm>>) target(%arg8 : memref<8x125xi32, #tpu.memory_space<vmem>>) target_semaphore(%arg17 : memref<!tpu.dma_semaphore, #tpu.memory_space<semaphore_mem>>)
      } else {
      }
      %dma_wait3A_397 = arith.constant 0 : i32
      %dma_wait3A_398 = arith.constant 0 : i32
      %dma_wait3A_399 = tpu.memref_slice %arg8[%dma_wait3A_397, %dma_wait3A_398] : memref<8x125xi32, #tpu.memory_space<vmem>> -> memref<1x125xi32, #tpu.memory_space<vmem>>
      %dma_wait3A_400 = tpu.memref_squeeze %dma_wait3A_399 : memref<1x125xi32, #tpu.memory_space<vmem>> -> memref<125xi32, #tpu.memory_space<vmem>>
      %dma_wait3A_401 = arith.constant 0 : i32
      %dma_wait3A_402 = arith.constant 0 : i32
      %dma_wait3A_403 = tpu.memref_slice %arg12[%dma_wait3A_401, %dma_wait3A_402] : memref<10240x128xf32, #tpu.memory_space<vmem_shared>> -> memref<10240x128xf32, #tpu.memory_space<vmem_shared>>
      tpu.wait_indirect_dma semaphore(%arg16 : memref<!tpu.dma_semaphore, #tpu.memory_space<semaphore_mem>>) src(%arg11 : memref<125x128xf32, #tpu.memory_space<vmem>>) dst(%dma_wait3A_403 : memref<10240x128xf32, #tpu.memory_space<vmem_shared>>)
      %dma_start3A_404 = arith.constant 3 : i32
      %dma_start3A_405 = arith.constant 0 : i32
      %dma_start3A_406 = tpu.memref_slice %arg7[%dma_start3A_404, %dma_start3A_405] : memref<8x125xi32, #tpu.memory_space<vmem>> -> memref<1x125xi32, #tpu.memory_space<vmem>>
      %dma_start3A_407 = tpu.memref_squeeze %dma_start3A_406 : memref<1x125xi32, #tpu.memory_space<vmem>> -> memref<125xi32, #tpu.memory_space<vmem>>
      %dma_start3A_408 = arith.constant 0 : i32
      %dma_start3A_409 = arith.constant 0 : i32
      %dma_start3A_410 = tpu.memref_slice %arg2[%dma_start3A_408, %dma_start3A_409] : memref<10000x128xf32, #tpu.memory_space<hbm>> -> memref<10000x128xf32, #tpu.memory_space<hbm>>
      tpu.enqueue_indirect_dma source(%dma_start3A_410 : memref<10000x128xf32, #tpu.memory_space<hbm>>) target(%arg11 : memref<125x128xf32, #tpu.memory_space<vmem>>) offsets(%dma_start3A_407 : memref<125xi32, #tpu.memory_space<vmem>>) semaphore(%arg14 : memref<!tpu.dma_semaphore, #tpu.memory_space<semaphore_mem>>)
      %mul3A_411 = arith.constant 16 : i32
      %mul3A_412 = arith.muli %mul3A_411, %scan3A_61 : i32
      %add3A_413 = arith.constant 10 : i32
      %add3A_414 = arith.addi %mul3A_412, %add3A_413 : i32
      %dma_wait3A_415 = arith.constant 0 : i32
      %dma_wait3A_416 = arith.constant 0 : i32
      %dma_wait3A_417 = tpu.memref_slice %arg6[%dma_wait3A_415, %dma_wait3A_416] : memref<8x125xi32, #tpu.memory_space<vmem>> -> memref<1x125xi32, #tpu.memory_space<vmem>>
      %dma_wait3A_418 = tpu.memref_squeeze %dma_wait3A_417 : memref<1x125xi32, #tpu.memory_space<vmem>> -> memref<125xi32, #tpu.memory_space<vmem>>
      %dma_wait3A_419 = arith.constant 0 : i32
      %dma_wait3A_420 = arith.constant 0 : i32
      %dma_wait3A_421 = tpu.memref_slice %arg2[%dma_wait3A_419, %dma_wait3A_420] : memref<10000x128xf32, #tpu.memory_space<hbm>> -> memref<10000x128xf32, #tpu.memory_space<hbm>>
      tpu.wait_indirect_dma semaphore(%arg13 : memref<!tpu.dma_semaphore, #tpu.memory_space<semaphore_mem>>) src(%dma_wait3A_421 : memref<10000x128xf32, #tpu.memory_space<hbm>>) dst(%arg10 : memref<125x128xf32, #tpu.memory_space<vmem>>)
      %dma_start3A_422 = arith.constant 2 : i32
      %dma_start3A_423 = arith.constant 0 : i32
      %dma_start3A_424 = tpu.memref_slice %arg9[%dma_start3A_422, %dma_start3A_423] : memref<8x125xi32, #tpu.memory_space<vmem>> -> memref<1x125xi32, #tpu.memory_space<vmem>>
      %dma_start3A_425 = tpu.memref_squeeze %dma_start3A_424 : memref<1x125xi32, #tpu.memory_space<vmem>> -> memref<125xi32, #tpu.memory_space<vmem>>
      %dma_start3A_426 = arith.constant 0 : i32
      %dma_start3A_427 = arith.constant 0 : i32
      %dma_start3A_428 = tpu.memref_slice %arg12[%dma_start3A_426, %dma_start3A_427] : memref<10240x128xf32, #tpu.memory_space<vmem_shared>> -> memref<10240x128xf32, #tpu.memory_space<vmem_shared>>
      tpu.enqueue_indirect_dma source(%arg10 : memref<125x128xf32, #tpu.memory_space<vmem>>) target(%dma_start3A_428 : memref<10240x128xf32, #tpu.memory_space<vmem_shared>>) offsets(%dma_start3A_425 : memref<125xi32, #tpu.memory_space<vmem>>) semaphore(%arg15 : memref<!tpu.dma_semaphore, #tpu.memory_space<semaphore_mem>>) {add = true}
      %dma_wait3A_429 = arith.constant 0 : i32
      %dma_wait3A_430 = arith.constant 0 : i32
      %dma_wait3A_431 = tpu.memref_slice %arg8[%dma_wait3A_429, %dma_wait3A_430] : memref<8x125xi32, #tpu.memory_space<vmem>> -> memref<1x125xi32, #tpu.memory_space<vmem>>
      %dma_wait3A_432 = tpu.memref_squeeze %dma_wait3A_431 : memref<1x125xi32, #tpu.memory_space<vmem>> -> memref<125xi32, #tpu.memory_space<vmem>>
      %dma_wait3A_433 = arith.constant 0 : i32
      %dma_wait3A_434 = arith.constant 0 : i32
      %dma_wait3A_435 = tpu.memref_slice %arg12[%dma_wait3A_433, %dma_wait3A_434] : memref<10240x128xf32, #tpu.memory_space<vmem_shared>> -> memref<10240x128xf32, #tpu.memory_space<vmem_shared>>
      tpu.wait_indirect_dma semaphore(%arg15 : memref<!tpu.dma_semaphore, #tpu.memory_space<semaphore_mem>>) src(%arg10 : memref<125x128xf32, #tpu.memory_space<vmem>>) dst(%dma_wait3A_435 : memref<10240x128xf32, #tpu.memory_space<vmem_shared>>)
      %dma_start3A_436 = arith.constant 4 : i32
      %dma_start3A_437 = arith.constant 0 : i32
      %dma_start3A_438 = tpu.memref_slice %arg7[%dma_start3A_436, %dma_start3A_437] : memref<8x125xi32, #tpu.memory_space<vmem>> -> memref<1x125xi32, #tpu.memory_space<vmem>>
      %dma_start3A_439 = tpu.memref_squeeze %dma_start3A_438 : memref<1x125xi32, #tpu.memory_space<vmem>> -> memref<125xi32, #tpu.memory_space<vmem>>
      %dma_start3A_440 = arith.constant 0 : i32
      %dma_start3A_441 = arith.constant 0 : i32
      %dma_start3A_442 = tpu.memref_slice %arg2[%dma_start3A_440, %dma_start3A_441] : memref<10000x128xf32, #tpu.memory_space<hbm>> -> memref<10000x128xf32, #tpu.memory_space<hbm>>
      tpu.enqueue_indirect_dma source(%dma_start3A_442 : memref<10000x128xf32, #tpu.memory_space<hbm>>) target(%arg10 : memref<125x128xf32, #tpu.memory_space<vmem>>) offsets(%dma_start3A_439 : memref<125xi32, #tpu.memory_space<vmem>>) semaphore(%arg13 : memref<!tpu.dma_semaphore, #tpu.memory_space<semaphore_mem>>)
      %mul3A_443 = arith.constant 16 : i32
      %mul3A_444 = arith.muli %mul3A_443, %scan3A_61 : i32
      %add3A_445 = arith.constant 11 : i32
      %add3A_446 = arith.addi %mul3A_444, %add3A_445 : i32
      %dma_wait3A_447 = arith.constant 0 : i32
      %dma_wait3A_448 = arith.constant 0 : i32
      %dma_wait3A_449 = tpu.memref_slice %arg6[%dma_wait3A_447, %dma_wait3A_448] : memref<8x125xi32, #tpu.memory_space<vmem>> -> memref<1x125xi32, #tpu.memory_space<vmem>>
      %dma_wait3A_450 = tpu.memref_squeeze %dma_wait3A_449 : memref<1x125xi32, #tpu.memory_space<vmem>> -> memref<125xi32, #tpu.memory_space<vmem>>
      %dma_wait3A_451 = arith.constant 0 : i32
      %dma_wait3A_452 = arith.constant 0 : i32
      %dma_wait3A_453 = tpu.memref_slice %arg2[%dma_wait3A_451, %dma_wait3A_452] : memref<10000x128xf32, #tpu.memory_space<hbm>> -> memref<10000x128xf32, #tpu.memory_space<hbm>>
      tpu.wait_indirect_dma semaphore(%arg14 : memref<!tpu.dma_semaphore, #tpu.memory_space<semaphore_mem>>) src(%dma_wait3A_453 : memref<10000x128xf32, #tpu.memory_space<hbm>>) dst(%arg11 : memref<125x128xf32, #tpu.memory_space<vmem>>)
      %dma_start3A_454 = arith.constant 3 : i32
      %dma_start3A_455 = arith.constant 0 : i32
      %dma_start3A_456 = tpu.memref_slice %arg9[%dma_start3A_454, %dma_start3A_455] : memref<8x125xi32, #tpu.memory_space<vmem>> -> memref<1x125xi32, #tpu.memory_space<vmem>>
      %dma_start3A_457 = tpu.memref_squeeze %dma_start3A_456 : memref<1x125xi32, #tpu.memory_space<vmem>> -> memref<125xi32, #tpu.memory_space<vmem>>
      %dma_start3A_458 = arith.constant 0 : i32
      %dma_start3A_459 = arith.constant 0 : i32
      %dma_start3A_460 = tpu.memref_slice %arg12[%dma_start3A_458, %dma_start3A_459] : memref<10240x128xf32, #tpu.memory_space<vmem_shared>> -> memref<10240x128xf32, #tpu.memory_space<vmem_shared>>
      tpu.enqueue_indirect_dma source(%arg11 : memref<125x128xf32, #tpu.memory_space<vmem>>) target(%dma_start3A_460 : memref<10240x128xf32, #tpu.memory_space<vmem_shared>>) offsets(%dma_start3A_457 : memref<125xi32, #tpu.memory_space<vmem>>) semaphore(%arg16 : memref<!tpu.dma_semaphore, #tpu.memory_space<semaphore_mem>>) {add = true}
      %dma_wait3A_461 = arith.constant 0 : i32
      %dma_wait3A_462 = arith.constant 0 : i32
      %dma_wait3A_463 = tpu.memref_slice %arg8[%dma_wait3A_461, %dma_wait3A_462] : memref<8x125xi32, #tpu.memory_space<vmem>> -> memref<1x125xi32, #tpu.memory_space<vmem>>
      %dma_wait3A_464 = tpu.memref_squeeze %dma_wait3A_463 : memref<1x125xi32, #tpu.memory_space<vmem>> -> memref<125xi32, #tpu.memory_space<vmem>>
      %dma_wait3A_465 = arith.constant 0 : i32
      %dma_wait3A_466 = arith.constant 0 : i32
      %dma_wait3A_467 = tpu.memref_slice %arg12[%dma_wait3A_465, %dma_wait3A_466] : memref<10240x128xf32, #tpu.memory_space<vmem_shared>> -> memref<10240x128xf32, #tpu.memory_space<vmem_shared>>
      tpu.wait_indirect_dma semaphore(%arg16 : memref<!tpu.dma_semaphore, #tpu.memory_space<semaphore_mem>>) src(%arg11 : memref<125x128xf32, #tpu.memory_space<vmem>>) dst(%dma_wait3A_467 : memref<10240x128xf32, #tpu.memory_space<vmem_shared>>)
      %dma_start3A_468 = arith.constant 5 : i32
      %dma_start3A_469 = arith.constant 0 : i32
      %dma_start3A_470 = tpu.memref_slice %arg7[%dma_start3A_468, %dma_start3A_469] : memref<8x125xi32, #tpu.memory_space<vmem>> -> memref<1x125xi32, #tpu.memory_space<vmem>>
      %dma_start3A_471 = tpu.memref_squeeze %dma_start3A_470 : memref<1x125xi32, #tpu.memory_space<vmem>> -> memref<125xi32, #tpu.memory_space<vmem>>
      %dma_start3A_472 = arith.constant 0 : i32
      %dma_start3A_473 = arith.constant 0 : i32
      %dma_start3A_474 = tpu.memref_slice %arg2[%dma_start3A_472, %dma_start3A_473] : memref<10000x128xf32, #tpu.memory_space<hbm>> -> memref<10000x128xf32, #tpu.memory_space<hbm>>
      tpu.enqueue_indirect_dma source(%dma_start3A_474 : memref<10000x128xf32, #tpu.memory_space<hbm>>) target(%arg11 : memref<125x128xf32, #tpu.memory_space<vmem>>) offsets(%dma_start3A_471 : memref<125xi32, #tpu.memory_space<vmem>>) semaphore(%arg14 : memref<!tpu.dma_semaphore, #tpu.memory_space<semaphore_mem>>)
      %mul3A_475 = arith.constant 16 : i32
      %mul3A_476 = arith.muli %mul3A_475, %scan3A_61 : i32
      %add3A_477 = arith.constant 12 : i32
      %add3A_478 = arith.addi %mul3A_476, %add3A_477 : i32
      %dma_wait3A_479 = arith.constant 0 : i32
      %dma_wait3A_480 = arith.constant 0 : i32
      %dma_wait3A_481 = tpu.memref_slice %arg6[%dma_wait3A_479, %dma_wait3A_480] : memref<8x125xi32, #tpu.memory_space<vmem>> -> memref<1x125xi32, #tpu.memory_space<vmem>>
      %dma_wait3A_482 = tpu.memref_squeeze %dma_wait3A_481 : memref<1x125xi32, #tpu.memory_space<vmem>> -> memref<125xi32, #tpu.memory_space<vmem>>
      %dma_wait3A_483 = arith.constant 0 : i32
      %dma_wait3A_484 = arith.constant 0 : i32
      %dma_wait3A_485 = tpu.memref_slice %arg2[%dma_wait3A_483, %dma_wait3A_484] : memref<10000x128xf32, #tpu.memory_space<hbm>> -> memref<10000x128xf32, #tpu.memory_space<hbm>>
      tpu.wait_indirect_dma semaphore(%arg13 : memref<!tpu.dma_semaphore, #tpu.memory_space<semaphore_mem>>) src(%dma_wait3A_485 : memref<10000x128xf32, #tpu.memory_space<hbm>>) dst(%arg10 : memref<125x128xf32, #tpu.memory_space<vmem>>)
      %dma_start3A_486 = arith.constant 4 : i32
      %dma_start3A_487 = arith.constant 0 : i32
      %dma_start3A_488 = tpu.memref_slice %arg9[%dma_start3A_486, %dma_start3A_487] : memref<8x125xi32, #tpu.memory_space<vmem>> -> memref<1x125xi32, #tpu.memory_space<vmem>>
      %dma_start3A_489 = tpu.memref_squeeze %dma_start3A_488 : memref<1x125xi32, #tpu.memory_space<vmem>> -> memref<125xi32, #tpu.memory_space<vmem>>
      %dma_start3A_490 = arith.constant 0 : i32
      %dma_start3A_491 = arith.constant 0 : i32
      %dma_start3A_492 = tpu.memref_slice %arg12[%dma_start3A_490, %dma_start3A_491] : memref<10240x128xf32, #tpu.memory_space<vmem_shared>> -> memref<10240x128xf32, #tpu.memory_space<vmem_shared>>
      tpu.enqueue_indirect_dma source(%arg10 : memref<125x128xf32, #tpu.memory_space<vmem>>) target(%dma_start3A_492 : memref<10240x128xf32, #tpu.memory_space<vmem_shared>>) offsets(%dma_start3A_489 : memref<125xi32, #tpu.memory_space<vmem>>) semaphore(%arg15 : memref<!tpu.dma_semaphore, #tpu.memory_space<semaphore_mem>>) {add = true}
      %dma_wait3A_493 = arith.constant 0 : i32
      %dma_wait3A_494 = arith.constant 0 : i32
      %dma_wait3A_495 = tpu.memref_slice %arg8[%dma_wait3A_493, %dma_wait3A_494] : memref<8x125xi32, #tpu.memory_space<vmem>> -> memref<1x125xi32, #tpu.memory_space<vmem>>
      %dma_wait3A_496 = tpu.memref_squeeze %dma_wait3A_495 : memref<1x125xi32, #tpu.memory_space<vmem>> -> memref<125xi32, #tpu.memory_space<vmem>>
      %dma_wait3A_497 = arith.constant 0 : i32
      %dma_wait3A_498 = arith.constant 0 : i32
      %dma_wait3A_499 = tpu.memref_slice %arg12[%dma_wait3A_497, %dma_wait3A_498] : memref<10240x128xf32, #tpu.memory_space<vmem_shared>> -> memref<10240x128xf32, #tpu.memory_space<vmem_shared>>
      tpu.wait_indirect_dma semaphore(%arg15 : memref<!tpu.dma_semaphore, #tpu.memory_space<semaphore_mem>>) src(%arg10 : memref<125x128xf32, #tpu.memory_space<vmem>>) dst(%dma_wait3A_499 : memref<10240x128xf32, #tpu.memory_space<vmem_shared>>)
      %dma_start3A_500 = arith.constant 6 : i32
      %dma_start3A_501 = arith.constant 0 : i32
      %dma_start3A_502 = tpu.memref_slice %arg7[%dma_start3A_500, %dma_start3A_501] : memref<8x125xi32, #tpu.memory_space<vmem>> -> memref<1x125xi32, #tpu.memory_space<vmem>>
      %dma_start3A_503 = tpu.memref_squeeze %dma_start3A_502 : memref<1x125xi32, #tpu.memory_space<vmem>> -> memref<125xi32, #tpu.memory_space<vmem>>
      %dma_start3A_504 = arith.constant 0 : i32
      %dma_start3A_505 = arith.constant 0 : i32
      %dma_start3A_506 = tpu.memref_slice %arg2[%dma_start3A_504, %dma_start3A_505] : memref<10000x128xf32, #tpu.memory_space<hbm>> -> memref<10000x128xf32, #tpu.memory_space<hbm>>
      tpu.enqueue_indirect_dma source(%dma_start3A_506 : memref<10000x128xf32, #tpu.memory_space<hbm>>) target(%arg10 : memref<125x128xf32, #tpu.memory_space<vmem>>) offsets(%dma_start3A_503 : memref<125xi32, #tpu.memory_space<vmem>>) semaphore(%arg13 : memref<!tpu.dma_semaphore, #tpu.memory_space<semaphore_mem>>)
      %mul3A_507 = arith.constant 16 : i32
      %mul3A_508 = arith.muli %mul3A_507, %scan3A_61 : i32
      %add3A_509 = arith.constant 13 : i32
      %add3A_510 = arith.addi %mul3A_508, %add3A_509 : i32
      %dma_wait3A_511 = arith.constant 0 : i32
      %dma_wait3A_512 = arith.constant 0 : i32
      %dma_wait3A_513 = tpu.memref_slice %arg6[%dma_wait3A_511, %dma_wait3A_512] : memref<8x125xi32, #tpu.memory_space<vmem>> -> memref<1x125xi32, #tpu.memory_space<vmem>>
      %dma_wait3A_514 = tpu.memref_squeeze %dma_wait3A_513 : memref<1x125xi32, #tpu.memory_space<vmem>> -> memref<125xi32, #tpu.memory_space<vmem>>
      %dma_wait3A_515 = arith.constant 0 : i32
      %dma_wait3A_516 = arith.constant 0 : i32
      %dma_wait3A_517 = tpu.memref_slice %arg2[%dma_wait3A_515, %dma_wait3A_516] : memref<10000x128xf32, #tpu.memory_space<hbm>> -> memref<10000x128xf32, #tpu.memory_space<hbm>>
      tpu.wait_indirect_dma semaphore(%arg14 : memref<!tpu.dma_semaphore, #tpu.memory_space<semaphore_mem>>) src(%dma_wait3A_517 : memref<10000x128xf32, #tpu.memory_space<hbm>>) dst(%arg11 : memref<125x128xf32, #tpu.memory_space<vmem>>)
      %dma_start3A_518 = arith.constant 5 : i32
      %dma_start3A_519 = arith.constant 0 : i32
      %dma_start3A_520 = tpu.memref_slice %arg9[%dma_start3A_518, %dma_start3A_519] : memref<8x125xi32, #tpu.memory_space<vmem>> -> memref<1x125xi32, #tpu.memory_space<vmem>>
      %dma_start3A_521 = tpu.memref_squeeze %dma_start3A_520 : memref<1x125xi32, #tpu.memory_space<vmem>> -> memref<125xi32, #tpu.memory_space<vmem>>
      %dma_start3A_522 = arith.constant 0 : i32
      %dma_start3A_523 = arith.constant 0 : i32
      %dma_start3A_524 = tpu.memref_slice %arg12[%dma_start3A_522, %dma_start3A_523] : memref<10240x128xf32, #tpu.memory_space<vmem_shared>> -> memref<10240x128xf32, #tpu.memory_space<vmem_shared>>
      tpu.enqueue_indirect_dma source(%arg11 : memref<125x128xf32, #tpu.memory_space<vmem>>) target(%dma_start3A_524 : memref<10240x128xf32, #tpu.memory_space<vmem_shared>>) offsets(%dma_start3A_521 : memref<125xi32, #tpu.memory_space<vmem>>) semaphore(%arg16 : memref<!tpu.dma_semaphore, #tpu.memory_space<semaphore_mem>>) {add = true}
      %dma_wait3A_525 = arith.constant 0 : i32
      %dma_wait3A_526 = arith.constant 0 : i32
      %dma_wait3A_527 = tpu.memref_slice %arg8[%dma_wait3A_525, %dma_wait3A_526] : memref<8x125xi32, #tpu.memory_space<vmem>> -> memref<1x125xi32, #tpu.memory_space<vmem>>
      %dma_wait3A_528 = tpu.memref_squeeze %dma_wait3A_527 : memref<1x125xi32, #tpu.memory_space<vmem>> -> memref<125xi32, #tpu.memory_space<vmem>>
      %dma_wait3A_529 = arith.constant 0 : i32
      %dma_wait3A_530 = arith.constant 0 : i32
      %dma_wait3A_531 = tpu.memref_slice %arg12[%dma_wait3A_529, %dma_wait3A_530] : memref<10240x128xf32, #tpu.memory_space<vmem_shared>> -> memref<10240x128xf32, #tpu.memory_space<vmem_shared>>
      tpu.wait_indirect_dma semaphore(%arg16 : memref<!tpu.dma_semaphore, #tpu.memory_space<semaphore_mem>>) src(%arg11 : memref<125x128xf32, #tpu.memory_space<vmem>>) dst(%dma_wait3A_531 : memref<10240x128xf32, #tpu.memory_space<vmem_shared>>)
      %dma_start3A_532 = arith.constant 7 : i32
      %dma_start3A_533 = arith.constant 0 : i32
      %dma_start3A_534 = tpu.memref_slice %arg7[%dma_start3A_532, %dma_start3A_533] : memref<8x125xi32, #tpu.memory_space<vmem>> -> memref<1x125xi32, #tpu.memory_space<vmem>>
      %dma_start3A_535 = tpu.memref_squeeze %dma_start3A_534 : memref<1x125xi32, #tpu.memory_space<vmem>> -> memref<125xi32, #tpu.memory_space<vmem>>
      %dma_start3A_536 = arith.constant 0 : i32
      %dma_start3A_537 = arith.constant 0 : i32
      %dma_start3A_538 = tpu.memref_slice %arg2[%dma_start3A_536, %dma_start3A_537] : memref<10000x128xf32, #tpu.memory_space<hbm>> -> memref<10000x128xf32, #tpu.memory_space<hbm>>
      tpu.enqueue_indirect_dma source(%dma_start3A_538 : memref<10000x128xf32, #tpu.memory_space<hbm>>) target(%arg11 : memref<125x128xf32, #tpu.memory_space<vmem>>) offsets(%dma_start3A_535 : memref<125xi32, #tpu.memory_space<vmem>>) semaphore(%arg14 : memref<!tpu.dma_semaphore, #tpu.memory_space<semaphore_mem>>)
      %mul3A_539 = arith.constant 16 : i32
      %mul3A_540 = arith.muli %mul3A_539, %scan3A_61 : i32
      %add3A_541 = arith.constant 14 : i32
      %add3A_542 = arith.addi %mul3A_540, %add3A_541 : i32
      %dma_wait3A_543 = arith.constant 0 : i32
      %dma_wait3A_544 = arith.constant 0 : i32
      %dma_wait3A_545 = tpu.memref_slice %arg6[%dma_wait3A_543, %dma_wait3A_544] : memref<8x125xi32, #tpu.memory_space<vmem>> -> memref<1x125xi32, #tpu.memory_space<vmem>>
      %dma_wait3A_546 = tpu.memref_squeeze %dma_wait3A_545 : memref<1x125xi32, #tpu.memory_space<vmem>> -> memref<125xi32, #tpu.memory_space<vmem>>
      %dma_wait3A_547 = arith.constant 0 : i32
      %dma_wait3A_548 = arith.constant 0 : i32
      %dma_wait3A_549 = tpu.memref_slice %arg2[%dma_wait3A_547, %dma_wait3A_548] : memref<10000x128xf32, #tpu.memory_space<hbm>> -> memref<10000x128xf32, #tpu.memory_space<hbm>>
      tpu.wait_indirect_dma semaphore(%arg13 : memref<!tpu.dma_semaphore, #tpu.memory_space<semaphore_mem>>) src(%dma_wait3A_549 : memref<10000x128xf32, #tpu.memory_space<hbm>>) dst(%arg10 : memref<125x128xf32, #tpu.memory_space<vmem>>)
      %dma_start3A_550 = arith.constant 6 : i32
      %dma_start3A_551 = arith.constant 0 : i32
      %dma_start3A_552 = tpu.memref_slice %arg9[%dma_start3A_550, %dma_start3A_551] : memref<8x125xi32, #tpu.memory_space<vmem>> -> memref<1x125xi32, #tpu.memory_space<vmem>>
      %dma_start3A_553 = tpu.memref_squeeze %dma_start3A_552 : memref<1x125xi32, #tpu.memory_space<vmem>> -> memref<125xi32, #tpu.memory_space<vmem>>
      %dma_start3A_554 = arith.constant 0 : i32
      %dma_start3A_555 = arith.constant 0 : i32
      %dma_start3A_556 = tpu.memref_slice %arg12[%dma_start3A_554, %dma_start3A_555] : memref<10240x128xf32, #tpu.memory_space<vmem_shared>> -> memref<10240x128xf32, #tpu.memory_space<vmem_shared>>
      tpu.enqueue_indirect_dma source(%arg10 : memref<125x128xf32, #tpu.memory_space<vmem>>) target(%dma_start3A_556 : memref<10240x128xf32, #tpu.memory_space<vmem_shared>>) offsets(%dma_start3A_553 : memref<125xi32, #tpu.memory_space<vmem>>) semaphore(%arg15 : memref<!tpu.dma_semaphore, #tpu.memory_space<semaphore_mem>>) {add = true}
      %dma_wait3A_557 = arith.constant 0 : i32
      %dma_wait3A_558 = arith.constant 0 : i32
      %dma_wait3A_559 = tpu.memref_slice %arg8[%dma_wait3A_557, %dma_wait3A_558] : memref<8x125xi32, #tpu.memory_space<vmem>> -> memref<1x125xi32, #tpu.memory_space<vmem>>
      %dma_wait3A_560 = tpu.memref_squeeze %dma_wait3A_559 : memref<1x125xi32, #tpu.memory_space<vmem>> -> memref<125xi32, #tpu.memory_space<vmem>>
      %dma_wait3A_561 = arith.constant 0 : i32
      %dma_wait3A_562 = arith.constant 0 : i32
      %dma_wait3A_563 = tpu.memref_slice %arg12[%dma_wait3A_561, %dma_wait3A_562] : memref<10240x128xf32, #tpu.memory_space<vmem_shared>> -> memref<10240x128xf32, #tpu.memory_space<vmem_shared>>
      tpu.wait_indirect_dma semaphore(%arg15 : memref<!tpu.dma_semaphore, #tpu.memory_space<semaphore_mem>>) src(%arg10 : memref<125x128xf32, #tpu.memory_space<vmem>>) dst(%dma_wait3A_563 : memref<10240x128xf32, #tpu.memory_space<vmem_shared>>)
      %lt3A_564 = arith.constant 4 : i32
      %lt3A_565 = arith.cmpi slt, %scan3A_61, %lt3A_564 : i32
      %convert_element_type3A_566 = arith.extui %lt3A_565 : i1 to i32
      %cond3A_567 = arith.constant 0 : i32
      %cond3A_568 = arith.cmpi ne, %convert_element_type3A_566, %cond3A_567 : i32
      scf.if %cond3A_568 {
        %dma_wait3A_600 = arith.constant 0 : i32
        %dma_wait3A_601 = tpu.memref_slice %arg3[%mul3A_2, %dma_wait3A_600] : memref<2560x125xi32, #tpu.memory_space<hbm>> -> memref<8x125xi32, #tpu.memory_space<hbm>>
        %dma_wait3A_602 = arith.constant 0 : i32
        %dma_wait3A_603 = tpu.memref_slice %arg3[%mul3A_2, %dma_wait3A_602] : memref<2560x125xi32, #tpu.memory_space<hbm>> -> memref<8x125xi32, #tpu.memory_space<hbm>>
        tpu.wait_dma2 semaphore(%arg17 : memref<!tpu.dma_semaphore, #tpu.memory_space<semaphore_mem>>) src(%dma_wait3A_603 : memref<8x125xi32, #tpu.memory_space<hbm>>) dst(%arg6 : memref<8x125xi32, #tpu.memory_space<vmem>>)
        %dma_wait3A_604 = arith.constant 0 : i32
        %dma_wait3A_605 = tpu.memref_slice %arg4[%mul3A_2, %dma_wait3A_604] : memref<2560x125xi32, #tpu.memory_space<hbm>> -> memref<8x125xi32, #tpu.memory_space<hbm>>
        %dma_wait3A_606 = arith.constant 0 : i32
        %dma_wait3A_607 = tpu.memref_slice %arg4[%mul3A_2, %dma_wait3A_606] : memref<2560x125xi32, #tpu.memory_space<hbm>> -> memref<8x125xi32, #tpu.memory_space<hbm>>
        tpu.wait_dma2 semaphore(%arg17 : memref<!tpu.dma_semaphore, #tpu.memory_space<semaphore_mem>>) src(%dma_wait3A_607 : memref<8x125xi32, #tpu.memory_space<hbm>>) dst(%arg8 : memref<8x125xi32, #tpu.memory_space<vmem>>)
        %dma_start3A_608 = arith.constant 0 : i32
        %dma_start3A_609 = arith.constant 0 : i32
        %dma_start3A_610 = tpu.memref_slice %arg6[%dma_start3A_608, %dma_start3A_609] : memref<8x125xi32, #tpu.memory_space<vmem>> -> memref<1x125xi32, #tpu.memory_space<vmem>>
        %dma_start3A_611 = tpu.memref_squeeze %dma_start3A_610 : memref<1x125xi32, #tpu.memory_space<vmem>> -> memref<125xi32, #tpu.memory_space<vmem>>
        %dma_start3A_612 = arith.constant 0 : i32
        %dma_start3A_613 = arith.constant 0 : i32
        %dma_start3A_614 = tpu.memref_slice %arg2[%dma_start3A_612, %dma_start3A_613] : memref<10000x128xf32, #tpu.memory_space<hbm>> -> memref<10000x128xf32, #tpu.memory_space<hbm>>
        tpu.enqueue_indirect_dma source(%dma_start3A_614 : memref<10000x128xf32, #tpu.memory_space<hbm>>) target(%arg10 : memref<125x128xf32, #tpu.memory_space<vmem>>) offsets(%dma_start3A_611 : memref<125xi32, #tpu.memory_space<vmem>>) semaphore(%arg13 : memref<!tpu.dma_semaphore, #tpu.memory_space<semaphore_mem>>)
      } else {
      }
      %mul3A_569 = arith.constant 16 : i32
      %mul3A_570 = arith.muli %mul3A_569, %scan3A_61 : i32
      %add3A_571 = arith.constant 15 : i32
      %add3A_572 = arith.addi %mul3A_570, %add3A_571 : i32
      %dma_wait3A_573 = arith.constant 0 : i32
      %dma_wait3A_574 = arith.constant 0 : i32
      %dma_wait3A_575 = tpu.memref_slice %arg6[%dma_wait3A_573, %dma_wait3A_574] : memref<8x125xi32, #tpu.memory_space<vmem>> -> memref<1x125xi32, #tpu.memory_space<vmem>>
      %dma_wait3A_576 = tpu.memref_squeeze %dma_wait3A_575 : memref<1x125xi32, #tpu.memory_space<vmem>> -> memref<125xi32, #tpu.memory_space<vmem>>
      %dma_wait3A_577 = arith.constant 0 : i32
      %dma_wait3A_578 = arith.constant 0 : i32
      %dma_wait3A_579 = tpu.memref_slice %arg2[%dma_wait3A_577, %dma_wait3A_578] : memref<10000x128xf32, #tpu.memory_space<hbm>> -> memref<10000x128xf32, #tpu.memory_space<hbm>>
      tpu.wait_indirect_dma semaphore(%arg14 : memref<!tpu.dma_semaphore, #tpu.memory_space<semaphore_mem>>) src(%dma_wait3A_579 : memref<10000x128xf32, #tpu.memory_space<hbm>>) dst(%arg11 : memref<125x128xf32, #tpu.memory_space<vmem>>)
      %dma_start3A_580 = arith.constant 7 : i32
      %dma_start3A_581 = arith.constant 0 : i32
      %dma_start3A_582 = tpu.memref_slice %arg9[%dma_start3A_580, %dma_start3A_581] : memref<8x125xi32, #tpu.memory_space<vmem>> -> memref<1x125xi32, #tpu.memory_space<vmem>>
      %dma_start3A_583 = tpu.memref_squeeze %dma_start3A_582 : memref<1x125xi32, #tpu.memory_space<vmem>> -> memref<125xi32, #tpu.memory_space<vmem>>
      %dma_start3A_584 = arith.constant 0 : i32
      %dma_start3A_585 = arith.constant 0 : i32
      %dma_start3A_586 = tpu.memref_slice %arg12[%dma_start3A_584, %dma_start3A_585] : memref<10240x128xf32, #tpu.memory_space<vmem_shared>> -> memref<10240x128xf32, #tpu.memory_space<vmem_shared>>
      tpu.enqueue_indirect_dma source(%arg11 : memref<125x128xf32, #tpu.memory_space<vmem>>) target(%dma_start3A_586 : memref<10240x128xf32, #tpu.memory_space<vmem_shared>>) offsets(%dma_start3A_583 : memref<125xi32, #tpu.memory_space<vmem>>) semaphore(%arg16 : memref<!tpu.dma_semaphore, #tpu.memory_space<semaphore_mem>>) {add = true}
      %dma_wait3A_587 = arith.constant 0 : i32
      %dma_wait3A_588 = arith.constant 0 : i32
      %dma_wait3A_589 = tpu.memref_slice %arg8[%dma_wait3A_587, %dma_wait3A_588] : memref<8x125xi32, #tpu.memory_space<vmem>> -> memref<1x125xi32, #tpu.memory_space<vmem>>
      %dma_wait3A_590 = tpu.memref_squeeze %dma_wait3A_589 : memref<1x125xi32, #tpu.memory_space<vmem>> -> memref<125xi32, #tpu.memory_space<vmem>>
      %dma_wait3A_591 = arith.constant 0 : i32
      %dma_wait3A_592 = arith.constant 0 : i32
      %dma_wait3A_593 = tpu.memref_slice %arg12[%dma_wait3A_591, %dma_wait3A_592] : memref<10240x128xf32, #tpu.memory_space<vmem_shared>> -> memref<10240x128xf32, #tpu.memory_space<vmem_shared>>
      tpu.wait_indirect_dma semaphore(%arg16 : memref<!tpu.dma_semaphore, #tpu.memory_space<semaphore_mem>>) src(%arg11 : memref<125x128xf32, #tpu.memory_space<vmem>>) dst(%dma_wait3A_593 : memref<10240x128xf32, #tpu.memory_space<vmem_shared>>)
      %lt3A_594 = arith.constant 4 : i32
      %lt3A_595 = arith.cmpi slt, %scan3A_61, %lt3A_594 : i32
      %convert_element_type3A_596 = arith.extui %lt3A_595 : i1 to i32
      %cond3A_597 = arith.constant 0 : i32
      %cond3A_598 = arith.cmpi ne, %convert_element_type3A_596, %cond3A_597 : i32
      scf.if %cond3A_598 {
        %dma_start3A_600 = arith.constant 1 : i32
        %dma_start3A_601 = arith.constant 0 : i32
        %dma_start3A_602 = tpu.memref_slice %arg6[%dma_start3A_600, %dma_start3A_601] : memref<8x125xi32, #tpu.memory_space<vmem>> -> memref<1x125xi32, #tpu.memory_space<vmem>>
        %dma_start3A_603 = tpu.memref_squeeze %dma_start3A_602 : memref<1x125xi32, #tpu.memory_space<vmem>> -> memref<125xi32, #tpu.memory_space<vmem>>
        %dma_start3A_604 = arith.constant 0 : i32
        %dma_start3A_605 = arith.constant 0 : i32
        %dma_start3A_606 = tpu.memref_slice %arg2[%dma_start3A_604, %dma_start3A_605] : memref<10000x128xf32, #tpu.memory_space<hbm>> -> memref<10000x128xf32, #tpu.memory_space<hbm>>
        tpu.enqueue_indirect_dma source(%dma_start3A_606 : memref<10000x128xf32, #tpu.memory_space<hbm>>) target(%arg11 : memref<125x128xf32, #tpu.memory_space<vmem>>) offsets(%dma_start3A_603 : memref<125xi32, #tpu.memory_space<vmem>>) semaphore(%arg14 : memref<!tpu.dma_semaphore, #tpu.memory_space<semaphore_mem>>)
      } else {
      }
      %scan3A_599 = arith.constant 0 : i32
      scf.yield %scan3A_599 : i32
    }
    %scan3A_57 = arith.constant 5 : i32
    %barrier3A_58 = arith.constant 0 : index
    tpu.barrier barrier_id(%barrier3A_58)
    %mul3A_59 = arith.constant 640 : i32
    %mul3A_60 = arith.muli %arg1, %mul3A_59 : i32
    "tpu.region"() ({
      %run_scoped3A = tpu.sem_alloc : memref<!tpu.dma_semaphore, #tpu.memory_space<semaphore_mem>>
      %dma_start3A_61 = arith.constant 0 : i32
      %dma_start3A_62 = tpu.memref_slice %arg5[%arg0, %mul3A_60, %dma_start3A_61] : memref<2x10240x128xf32, #tpu.memory_space<hbm>> -> memref<1x640x128xf32, #tpu.memory_space<hbm>>
      %dma_start3A_63 = tpu.memref_squeeze %dma_start3A_62 : memref<1x640x128xf32, #tpu.memory_space<hbm>> -> memref<640x128xf32, #tpu.memory_space<hbm>>
      %dma_start3A_64 = arith.constant 0 : i32
      %dma_start3A_65 = tpu.memref_slice %arg12[%mul3A_60, %dma_start3A_64] : memref<10240x128xf32, #tpu.memory_space<vmem_shared>> -> memref<640x128xf32, #tpu.memory_space<vmem_shared>>
      tpu.enqueue_dma source(%dma_start3A_65 : memref<640x128xf32, #tpu.memory_space<vmem_shared>>) target(%dma_start3A_63 : memref<640x128xf32, #tpu.memory_space<hbm>>) target_semaphore(%run_scoped3A : memref<!tpu.dma_semaphore, #tpu.memory_space<semaphore_mem>>)
      %dma_wait3A_66 = arith.constant 0 : i32
      %dma_wait3A_67 = tpu.memref_slice %arg5[%arg0, %mul3A_60, %dma_wait3A_66] : memref<2x10240x128xf32, #tpu.memory_space<hbm>> -> memref<1x640x128xf32, #tpu.memory_space<hbm>>
      %dma_wait3A_68 = tpu.memref_squeeze %dma_wait3A_67 : memref<1x640x128xf32, #tpu.memory_space<hbm>> -> memref<640x128xf32, #tpu.memory_space<hbm>>
      %dma_wait3A_69 = arith.constant 0 : i32
      %dma_wait3A_70 = tpu.memref_slice %arg12[%mul3A_60, %dma_wait3A_69] : memref<10240x128xf32, #tpu.memory_space<vmem_shared>> -> memref<640x128xf32, #tpu.memory_space<vmem_shared>>
      tpu.wait_dma2 semaphore(%run_scoped3A : memref<!tpu.dma_semaphore, #tpu.memory_space<semaphore_mem>>) src(%dma_wait3A_70 : memref<640x128xf32, #tpu.memory_space<vmem_shared>>) dst(%dma_wait3A_68 : memref<640x128xf32, #tpu.memory_space<hbm>>)
      tpu.yield
    }) : () -> ()
    return
  }
}

#map = affine_map<(d0, d1) -> (0, 0)>
#map1 = affine_map<(d0, d1) -> (0, 0, 0)>
module attributes {stable_mosaic.version = 14 : i64} {
  func.func @_agg_kernel(%arg0: i32, %arg1: i32, %arg2: memref<10000x128xf32, #tpu.memory_space<hbm>>, %arg3: memref<2560x125xi32, #tpu.memory_space<hbm>>, %arg4: memref<2560x125xi32, #tpu.memory_space<hbm>>, %arg5: memref<2x10240x128xf32, #tpu.memory_space<hbm>>, %arg6: memref<8x125xi32, #tpu.memory_space<vmem>>, %arg7: memref<8x125xi32, #tpu.memory_space<vmem>>, %arg8: memref<8x125xi32, #tpu.memory_space<vmem>>, %arg9: memref<8x125xi32, #tpu.memory_space<vmem>>, %arg10: memref<125x128xf32, #tpu.memory_space<vmem>>, %arg11: memref<125x128xf32, #tpu.memory_space<vmem>>, %arg12: memref<10240x128xf32, #tpu.memory_space<vmem_shared>>, %arg13: memref<!tpu.dma_semaphore, #tpu.memory_space<semaphore_mem>>, %arg14: memref<!tpu.dma_semaphore, #tpu.memory_space<semaphore_mem>>, %arg15: memref<!tpu.dma_semaphore, #tpu.memory_space<semaphore_mem>>, %arg16: memref<!tpu.dma_semaphore, #tpu.memory_space<semaphore_mem>>, %arg17: memref<!tpu.dma_semaphore, #tpu.memory_space<semaphore_mem>>, %arg18: memref<!tpu.dma_semaphore, #tpu.memory_space<semaphore_mem>>) attributes {dimension_semantics = [#tpu.dimension_semantics<core_parallel>, #tpu.dimension_semantics<subcore_parallel>], iteration_bounds = array<i64: 2, 16>, scalar_prefetch = 0 : i64, scratch_operands = 13 : i64, tpu.core_type = #tpu.core_type<sc_vector_subcore>, window_params = [{transform_indices = #map}, {transform_indices = #map}, {transform_indices = #map}, {transform_indices = #map1}]} {
    %mul3A = arith.constant 16 : i32
    %mul3A_0 = arith.muli %arg0, %mul3A : i32
    %add3A = arith.addi %mul3A_0, %arg1 : i32
    %mul3A_1 = arith.constant 80 : i32
    %mul3A_2 = arith.muli %add3A, %mul3A_1 : i32
    %broadcast_in_dim3A = arith.constant 0.000000e+00 : f32
    %broadcast_in_dim3A_3 = vector.broadcast %broadcast_in_dim3A : f32 to vector<16xf32>
    %scan3A = arith.constant 0 : i32
    %scan3A_4 = arith.constant 0 : i32
    %scan3A_5 = arith.constant 80 : i32
    %scan3A_6 = arith.addi %scan3A_4, %scan3A_5 : i32
    %scan3A_7 = arith.constant 1 : i32
    %scan3A_8 = scf.for %scan3A_61 = %scan3A_4 to %scan3A_6 step %scan3A_7 iter_args(%scan3A_62 = %scan3A) -> (i32)  : i32 {
      %scan3A_63 = arith.constant 0 : i32
      %scan3A_64 = arith.constant 0 : i32
      %scan3A_65 = arith.constant 8 : i32
      %scan3A_66 = arith.addi %scan3A_64, %scan3A_65 : i32
      %scan3A_67 = arith.constant 1 : i32
      %scan3A_68 = scf.for %scan3A_71 = %scan3A_64 to %scan3A_66 step %scan3A_67 iter_args(%scan3A_72 = %scan3A_63) -> (i32)  : i32 {
        %mul3A_73 = arith.constant 16 : i32
        %mul3A_74 = arith.muli %scan3A_71, %mul3A_73 : i32
        %swap3A = arith.index_cast %scan3A_61 : i32 to index
        %swap3A_75 = arith.index_cast %mul3A_74 : i32 to index
        %swap3A_76 = tpu.vector_load %arg10[%swap3A, %swap3A_75] {strides = array<i32>} : memref<125x128xf32, #tpu.memory_space<vmem>>, vector<1x16xf32>,
        %swap3A_77 = vector.shape_cast %swap3A_76 : vector<1x16xf32> to vector<16xf32>
        %swap3A_78 = vector.shape_cast %broadcast_in_dim3A_3 : vector<16xf32> to vector<1x16xf32>
        tpu.vector_store %arg10[%swap3A, %swap3A_75], %swap3A_78 {strides = array<i32>} : memref<125x128xf32, #tpu.memory_space<vmem>>, vector<1x16xf32>,
        %scan3A_79 = arith.constant 0 : i32
        scf.yield %scan3A_79 : i32
      }
      %scan3A_69 = arith.constant 8 : i32
      %scan3A_70 = arith.constant 0 : i32
      scf.yield %scan3A_70 : i32
    }
    %scan3A_9 = arith.constant 80 : i32
    %mul3A_10 = arith.constant 640 : i32
    %mul3A_11 = arith.muli %arg1, %mul3A_10 : i32
    %scan3A_12 = arith.constant 0 : i32
    %scan3A_13 = arith.constant 0 : i32
    %scan3A_14 = arith.constant 8 : i32
    %scan3A_15 = arith.addi %scan3A_13, %scan3A_14 : i32
    %scan3A_16 = arith.constant 1 : i32
    %scan3A_17 = scf.for %scan3A_61 = %scan3A_13 to %scan3A_15 step %scan3A_16 iter_args(%scan3A_62 = %scan3A_12) -> (i32)  : i32 {
      %mul3A_63 = arith.constant 80 : i32
      %mul3A_64 = arith.muli %scan3A_61, %mul3A_63 : i32
      %add3A_65 = arith.addi %mul3A_11, %mul3A_64 : i32
      "tpu.region"() ({
        %run_scoped3A = tpu.sem_alloc : memref<!tpu.dma_semaphore, #tpu.memory_space<semaphore_mem>>
        %dma_start3A_67 = arith.constant 0 : i32
        %dma_start3A_68 = arith.constant 0 : i32
        %dma_start3A_69 = tpu.memref_slice %arg10[%dma_start3A_67, %dma_start3A_68] : memref<125x128xf32, #tpu.memory_space<vmem>> -> memref<80x128xf32, #tpu.memory_space<vmem>>
        %dma_start3A_70 = arith.constant 0 : i32
        %dma_start3A_71 = tpu.memref_slice %arg12[%add3A_65, %dma_start3A_70] : memref<10240x128xf32, #tpu.memory_space<vmem_shared>> -> memref<80x128xf32, #tpu.memory_space<vmem_shared>>
        %dma_start3A_72 = arith.constant 0 : i32
        %dma_start3A_73 = tpu.memref_slice %arg12[%add3A_65, %dma_start3A_72] : memref<10240x128xf32, #tpu.memory_space<vmem_shared>> -> memref<80x128xf32, #tpu.memory_space<vmem_shared>>
        %dma_start3A_74 = arith.constant 0 : i32
        %dma_start3A_75 = arith.constant 0 : i32
        %dma_start3A_76 = tpu.memref_slice %arg10[%dma_start3A_74, %dma_start3A_75] : memref<125x128xf32, #tpu.memory_space<vmem>> -> memref<80x128xf32, #tpu.memory_space<vmem>>
        tpu.enqueue_dma source(%dma_start3A_76 : memref<80x128xf32, #tpu.memory_space<vmem>>) target(%dma_start3A_73 : memref<80x128xf32, #tpu.memory_space<vmem_shared>>) target_semaphore(%run_scoped3A : memref<!tpu.dma_semaphore, #tpu.memory_space<semaphore_mem>>)
        %dma_wait3A_77 = arith.constant 0 : i32
        %dma_wait3A_78 = arith.constant 0 : i32
        %dma_wait3A_79 = tpu.memref_slice %arg10[%dma_wait3A_77, %dma_wait3A_78] : memref<125x128xf32, #tpu.memory_space<vmem>> -> memref<80x128xf32, #tpu.memory_space<vmem>>
        %dma_wait3A_80 = arith.constant 0 : i32
        %dma_wait3A_81 = tpu.memref_slice %arg12[%add3A_65, %dma_wait3A_80] : memref<10240x128xf32, #tpu.memory_space<vmem_shared>> -> memref<80x128xf32, #tpu.memory_space<vmem_shared>>
        %dma_wait3A_82 = arith.constant 0 : i32
        %dma_wait3A_83 = tpu.memref_slice %arg12[%add3A_65, %dma_wait3A_82] : memref<10240x128xf32, #tpu.memory_space<vmem_shared>> -> memref<80x128xf32, #tpu.memory_space<vmem_shared>>
        %dma_wait3A_84 = arith.constant 0 : i32
        %dma_wait3A_85 = arith.constant 0 : i32
        %dma_wait3A_86 = tpu.memref_slice %arg10[%dma_wait3A_84, %dma_wait3A_85] : memref<125x128xf32, #tpu.memory_space<vmem>> -> memref<80x128xf32, #tpu.memory_space<vmem>>
        tpu.wait_dma2 semaphore(%run_scoped3A : memref<!tpu.dma_semaphore, #tpu.memory_space<semaphore_mem>>) src(%dma_wait3A_86 : memref<80x128xf32, #tpu.memory_space<vmem>>) dst(%dma_wait3A_83 : memref<80x128xf32, #tpu.memory_space<vmem_shared>>)
        tpu.yield
      }) : () -> ()
      %scan3A_66 = arith.constant 0 : i32
      scf.yield %scan3A_66 : i32
    }
    %scan3A_18 = arith.constant 8 : i32
    %barrier3A = arith.constant 0 : index
    tpu.barrier barrier_id(%barrier3A)
    %add3A_19 = arith.constant 0 : i32
    %add3A_20 = arith.addi %mul3A_2, %add3A_19 : i32
    %dma_start3A = arith.constant 0 : i32
    %dma_start3A_21 = tpu.memref_slice %arg3[%add3A_20, %dma_start3A] : memref<2560x125xi32, #tpu.memory_space<hbm>> -> memref<8x125xi32, #tpu.memory_space<hbm>>
    %dma_start3A_22 = arith.constant 0 : i32
    %dma_start3A_23 = tpu.memref_slice %arg3[%add3A_20, %dma_start3A_22] : memref<2560x125xi32, #tpu.memory_space<hbm>> -> memref<8x125xi32, #tpu.memory_space<hbm>>
    tpu.enqueue_dma source(%dma_start3A_23 : memref<8x125xi32, #tpu.memory_space<hbm>>) target(%arg6 : memref<8x125xi32, #tpu.memory_space<vmem>>) target_semaphore(%arg17 : memref<!tpu.dma_semaphore, #tpu.memory_space<semaphore_mem>>)
    %add3A_24 = arith.constant 0 : i32
    %add3A_25 = arith.addi %mul3A_2, %add3A_24 : i32
    %dma_start3A_26 = arith.constant 0 : i32
    %dma_start3A_27 = tpu.memref_slice %arg4[%add3A_25, %dma_start3A_26] : memref<2560x125xi32, #tpu.memory_space<hbm>> -> memref<8x125xi32, #tpu.memory_space<hbm>>
    %dma_start3A_28 = arith.constant 0 : i32
    %dma_start3A_29 = tpu.memref_slice %arg4[%add3A_25, %dma_start3A_28] : memref<2560x125xi32, #tpu.memory_space<hbm>> -> memref<8x125xi32, #tpu.memory_space<hbm>>
    tpu.enqueue_dma source(%dma_start3A_29 : memref<8x125xi32, #tpu.memory_space<hbm>>) target(%arg8 : memref<8x125xi32, #tpu.memory_space<vmem>>) target_semaphore(%arg17 : memref<!tpu.dma_semaphore, #tpu.memory_space<semaphore_mem>>)
    %dma_wait3A = arith.constant 0 : i32
    %dma_wait3A_30 = tpu.memref_slice %arg3[%mul3A_2, %dma_wait3A] : memref<2560x125xi32, #tpu.memory_space<hbm>> -> memref<8x125xi32, #tpu.memory_space<hbm>>
    %dma_wait3A_31 = arith.constant 0 : i32
    %dma_wait3A_32 = tpu.memref_slice %arg3[%mul3A_2, %dma_wait3A_31] : memref<2560x125xi32, #tpu.memory_space<hbm>> -> memref<8x125xi32, #tpu.memory_space<hbm>>
    tpu.wait_dma2 semaphore(%arg17 : memref<!tpu.dma_semaphore, #tpu.memory_space<semaphore_mem>>) src(%dma_wait3A_32 : memref<8x125xi32, #tpu.memory_space<hbm>>) dst(%arg6 : memref<8x125xi32, #tpu.memory_space<vmem>>)
    %dma_wait3A_33 = arith.constant 0 : i32
    %dma_wait3A_34 = tpu.memref_slice %arg4[%mul3A_2, %dma_wait3A_33] : memref<2560x125xi32, #tpu.memory_space<hbm>> -> memref<8x125xi32, #tpu.memory_space<hbm>>
    %dma_wait3A_35 = arith.constant 0 : i32
    %dma_wait3A_36 = tpu.memref_slice %arg4[%mul3A_2, %dma_wait3A_35] : memref<2560x125xi32, #tpu.memory_space<hbm>> -> memref<8x125xi32, #tpu.memory_space<hbm>>
    tpu.wait_dma2 semaphore(%arg17 : memref<!tpu.dma_semaphore, #tpu.memory_space<semaphore_mem>>) src(%dma_wait3A_36 : memref<8x125xi32, #tpu.memory_space<hbm>>) dst(%arg8 : memref<8x125xi32, #tpu.memory_space<vmem>>)
    %dma_start3A_37 = arith.constant 0 : i32
    %dma_start3A_38 = arith.constant 0 : i32
    %dma_start3A_39 = tpu.memref_slice %arg6[%dma_start3A_37, %dma_start3A_38] : memref<8x125xi32, #tpu.memory_space<vmem>> -> memref<1x125xi32, #tpu.memory_space<vmem>>
    %dma_start3A_40 = tpu.memref_squeeze %dma_start3A_39 : memref<1x125xi32, #tpu.memory_space<vmem>> -> memref<125xi32, #tpu.memory_space<vmem>>
    %dma_start3A_41 = arith.constant 0 : i32
    %dma_start3A_42 = arith.constant 0 : i32
    %dma_start3A_43 = tpu.memref_slice %arg2[%dma_start3A_41, %dma_start3A_42] : memref<10000x128xf32, #tpu.memory_space<hbm>> -> memref<10000x128xf32, #tpu.memory_space<hbm>>
    tpu.enqueue_indirect_dma source(%dma_start3A_43 : memref<10000x128xf32, #tpu.memory_space<hbm>>) target(%arg10 : memref<125x128xf32, #tpu.memory_space<vmem>>) offsets(%dma_start3A_40 : memref<125xi32, #tpu.memory_space<vmem>>) semaphore(%arg13 : memref<!tpu.dma_semaphore, #tpu.memory_space<semaphore_mem>>)
    %dma_start3A_44 = arith.constant 1 : i32
    %dma_start3A_45 = arith.constant 0 : i32
    %dma_start3A_46 = tpu.memref_slice %arg6[%dma_start3A_44, %dma_start3A_45] : memref<8x125xi32, #tpu.memory_space<vmem>> -> memref<1x125xi32, #tpu.memory_space<vmem>>
    %dma_start3A_47 = tpu.memref_squeeze %dma_start3A_46 : memref<1x125xi32, #tpu.memory_space<vmem>> -> memref<125xi32, #tpu.memory_space<vmem>>
    %dma_start3A_48 = arith.constant 0 : i32
    %dma_start3A_49 = arith.constant 0 : i32
    %dma_start3A_50 = tpu.memref_slice %arg2[%dma_start3A_48, %dma_start3A_49] : memref<10000x128xf32, #tpu.memory_space<hbm>> -> memref<10000x128xf32, #tpu.memory_space<hbm>>
    tpu.enqueue_indirect_dma source(%dma_start3A_50 : memref<10000x128xf32, #tpu.memory_space<hbm>>) target(%arg11 : memref<125x128xf32, #tpu.memory_space<vmem>>) offsets(%dma_start3A_47 : memref<125xi32, #tpu.memory_space<vmem>>) semaphore(%arg14 : memref<!tpu.dma_semaphore, #tpu.memory_space<semaphore_mem>>)
    %scan3A_51 = arith.constant 0 : i32
    %scan3A_52 = arith.constant 0 : i32
    %scan3A_53 = arith.constant 5 : i32
    %scan3A_54 = arith.addi %scan3A_52, %scan3A_53 : i32
    %scan3A_55 = arith.constant 1 : i32
    %scan3A_56 = scf.for %scan3A_61 = %scan3A_52 to %scan3A_54 step %scan3A_55 iter_args(%scan3A_62 = %scan3A_51) -> (i32)  : i32 {
      %mul3A_63 = arith.constant 16 : i32
      %mul3A_64 = arith.muli %mul3A_63, %scan3A_61 : i32
      %add3A_65 = arith.constant 0 : i32
      %add3A_66 = arith.addi %mul3A_64, %add3A_65 : i32
      %dma_wait3A_67 = arith.constant 0 : i32
      %dma_wait3A_68 = arith.constant 0 : i32
      %dma_wait3A_69 = tpu.memref_slice %arg6[%dma_wait3A_67, %dma_wait3A_68] : memref<8x125xi32, #tpu.memory_space<vmem>> -> memref<1x125xi32, #tpu.memory_space<vmem>>
      %dma_wait3A_70 = tpu.memref_squeeze %dma_wait3A_69 : memref<1x125xi32, #tpu.memory_space<vmem>> -> memref<125xi32, #tpu.memory_space<vmem>>
      %dma_wait3A_71 = arith.constant 0 : i32
      %dma_wait3A_72 = arith.constant 0 : i32
      %dma_wait3A_73 = tpu.memref_slice %arg2[%dma_wait3A_71, %dma_wait3A_72] : memref<10000x128xf32, #tpu.memory_space<hbm>> -> memref<10000x128xf32, #tpu.memory_space<hbm>>
      tpu.wait_indirect_dma semaphore(%arg13 : memref<!tpu.dma_semaphore, #tpu.memory_space<semaphore_mem>>) src(%dma_wait3A_73 : memref<10000x128xf32, #tpu.memory_space<hbm>>) dst(%arg10 : memref<125x128xf32, #tpu.memory_space<vmem>>)
      %dma_start3A_74 = arith.constant 0 : i32
      %dma_start3A_75 = arith.constant 0 : i32
      %dma_start3A_76 = tpu.memref_slice %arg8[%dma_start3A_74, %dma_start3A_75] : memref<8x125xi32, #tpu.memory_space<vmem>> -> memref<1x125xi32, #tpu.memory_space<vmem>>
      %dma_start3A_77 = tpu.memref_squeeze %dma_start3A_76 : memref<1x125xi32, #tpu.memory_space<vmem>> -> memref<125xi32, #tpu.memory_space<vmem>>
      %dma_start3A_78 = arith.constant 0 : i32
      %dma_start3A_79 = arith.constant 0 : i32
      %dma_start3A_80 = tpu.memref_slice %arg12[%dma_start3A_78, %dma_start3A_79] : memref<10240x128xf32, #tpu.memory_space<vmem_shared>> -> memref<10240x128xf32, #tpu.memory_space<vmem_shared>>
      tpu.enqueue_indirect_dma source(%arg10 : memref<125x128xf32, #tpu.memory_space<vmem>>) target(%dma_start3A_80 : memref<10240x128xf32, #tpu.memory_space<vmem_shared>>) offsets(%dma_start3A_77 : memref<125xi32, #tpu.memory_space<vmem>>) semaphore(%arg15 : memref<!tpu.dma_semaphore, #tpu.memory_space<semaphore_mem>>) {add = true}
      %dma_wait3A_81 = arith.constant 0 : i32
      %dma_wait3A_82 = arith.constant 0 : i32
      %dma_wait3A_83 = tpu.memref_slice %arg8[%dma_wait3A_81, %dma_wait3A_82] : memref<8x125xi32, #tpu.memory_space<vmem>> -> memref<1x125xi32, #tpu.memory_space<vmem>>
      %dma_wait3A_84 = tpu.memref_squeeze %dma_wait3A_83 : memref<1x125xi32, #tpu.memory_space<vmem>> -> memref<125xi32, #tpu.memory_space<vmem>>
      %dma_wait3A_85 = arith.constant 0 : i32
      %dma_wait3A_86 = arith.constant 0 : i32
      %dma_wait3A_87 = tpu.memref_slice %arg12[%dma_wait3A_85, %dma_wait3A_86] : memref<10240x128xf32, #tpu.memory_space<vmem_shared>> -> memref<10240x128xf32, #tpu.memory_space<vmem_shared>>
      tpu.wait_indirect_dma semaphore(%arg15 : memref<!tpu.dma_semaphore, #tpu.memory_space<semaphore_mem>>) src(%arg10 : memref<125x128xf32, #tpu.memory_space<vmem>>) dst(%dma_wait3A_87 : memref<10240x128xf32, #tpu.memory_space<vmem_shared>>)
      %dma_start3A_88 = arith.constant 2 : i32
      %dma_start3A_89 = arith.constant 0 : i32
      %dma_start3A_90 = tpu.memref_slice %arg6[%dma_start3A_88, %dma_start3A_89] : memref<8x125xi32, #tpu.memory_space<vmem>> -> memref<1x125xi32, #tpu.memory_space<vmem>>
      %dma_start3A_91 = tpu.memref_squeeze %dma_start3A_90 : memref<1x125xi32, #tpu.memory_space<vmem>> -> memref<125xi32, #tpu.memory_space<vmem>>
      %dma_start3A_92 = arith.constant 0 : i32
      %dma_start3A_93 = arith.constant 0 : i32
      %dma_start3A_94 = tpu.memref_slice %arg2[%dma_start3A_92, %dma_start3A_93] : memref<10000x128xf32, #tpu.memory_space<hbm>> -> memref<10000x128xf32, #tpu.memory_space<hbm>>
      tpu.enqueue_indirect_dma source(%dma_start3A_94 : memref<10000x128xf32, #tpu.memory_space<hbm>>) target(%arg10 : memref<125x128xf32, #tpu.memory_space<vmem>>) offsets(%dma_start3A_91 : memref<125xi32, #tpu.memory_space<vmem>>) semaphore(%arg13 : memref<!tpu.dma_semaphore, #tpu.memory_space<semaphore_mem>>)
      %mul3A_95 = arith.constant 16 : i32
      %mul3A_96 = arith.muli %mul3A_95, %scan3A_61 : i32
      %add3A_97 = arith.constant 1 : i32
      %add3A_98 = arith.addi %mul3A_96, %add3A_97 : i32
      %dma_wait3A_99 = arith.constant 0 : i32
      %dma_wait3A_100 = arith.constant 0 : i32
      %dma_wait3A_101 = tpu.memref_slice %arg6[%dma_wait3A_99, %dma_wait3A_100] : memref<8x125xi32, #tpu.memory_space<vmem>> -> memref<1x125xi32, #tpu.memory_space<vmem>>
      %dma_wait3A_102 = tpu.memref_squeeze %dma_wait3A_101 : memref<1x125xi32, #tpu.memory_space<vmem>> -> memref<125xi32, #tpu.memory_space<vmem>>
      %dma_wait3A_103 = arith.constant 0 : i32
      %dma_wait3A_104 = arith.constant 0 : i32
      %dma_wait3A_105 = tpu.memref_slice %arg2[%dma_wait3A_103, %dma_wait3A_104] : memref<10000x128xf32, #tpu.memory_space<hbm>> -> memref<10000x128xf32, #tpu.memory_space<hbm>>
      tpu.wait_indirect_dma semaphore(%arg14 : memref<!tpu.dma_semaphore, #tpu.memory_space<semaphore_mem>>) src(%dma_wait3A_105 : memref<10000x128xf32, #tpu.memory_space<hbm>>) dst(%arg11 : memref<125x128xf32, #tpu.memory_space<vmem>>)
      %dma_start3A_106 = arith.constant 1 : i32
      %dma_start3A_107 = arith.constant 0 : i32
      %dma_start3A_108 = tpu.memref_slice %arg8[%dma_start3A_106, %dma_start3A_107] : memref<8x125xi32, #tpu.memory_space<vmem>> -> memref<1x125xi32, #tpu.memory_space<vmem>>
      %dma_start3A_109 = tpu.memref_squeeze %dma_start3A_108 : memref<1x125xi32, #tpu.memory_space<vmem>> -> memref<125xi32, #tpu.memory_space<vmem>>
      %dma_start3A_110 = arith.constant 0 : i32
      %dma_start3A_111 = arith.constant 0 : i32
      %dma_start3A_112 = tpu.memref_slice %arg12[%dma_start3A_110, %dma_start3A_111] : memref<10240x128xf32, #tpu.memory_space<vmem_shared>> -> memref<10240x128xf32, #tpu.memory_space<vmem_shared>>
      tpu.enqueue_indirect_dma source(%arg11 : memref<125x128xf32, #tpu.memory_space<vmem>>) target(%dma_start3A_112 : memref<10240x128xf32, #tpu.memory_space<vmem_shared>>) offsets(%dma_start3A_109 : memref<125xi32, #tpu.memory_space<vmem>>) semaphore(%arg16 : memref<!tpu.dma_semaphore, #tpu.memory_space<semaphore_mem>>) {add = true}
      %mul3A_113 = arith.constant 2 : i32
      %mul3A_114 = arith.muli %mul3A_113, %scan3A_61 : i32
      %add3A_115 = arith.constant 1 : i32
      %add3A_116 = arith.addi %mul3A_114, %add3A_115 : i32
      %mul3A_117 = arith.constant 8 : i32
      %mul3A_118 = arith.muli %add3A_116, %mul3A_117 : i32
      %add3A_119 = arith.addi %mul3A_2, %mul3A_118 : i32
      %dma_start3A_120 = arith.constant 0 : i32
      %dma_start3A_121 = tpu.memref_slice %arg3[%add3A_119, %dma_start3A_120] : memref<2560x125xi32, #tpu.memory_space<hbm>> -> memref<8x125xi32, #tpu.memory_space<hbm>>
      %dma_start3A_122 = arith.constant 0 : i32
      %dma_start3A_123 = tpu.memref_slice %arg3[%add3A_119, %dma_start3A_122] : memref<2560x125xi32, #tpu.memory_space<hbm>> -> memref<8x125xi32, #tpu.memory_space<hbm>>
      tpu.enqueue_dma source(%dma_start3A_123 : memref<8x125xi32, #tpu.memory_space<hbm>>) target(%arg7 : memref<8x125xi32, #tpu.memory_space<vmem>>) target_semaphore(%arg18 : memref<!tpu.dma_semaphore, #tpu.memory_space<semaphore_mem>>)
      %mul3A_124 = arith.constant 8 : i32
      %mul3A_125 = arith.muli %add3A_116, %mul3A_124 : i32
      %add3A_126 = arith.addi %mul3A_2, %mul3A_125 : i32
      %dma_start3A_127 = arith.constant 0 : i32
      %dma_start3A_128 = tpu.memref_slice %arg4[%add3A_126, %dma_start3A_127] : memref<2560x125xi32, #tpu.memory_space<hbm>> -> memref<8x125xi32, #tpu.memory_space<hbm>>
      %dma_start3A_129 = arith.constant 0 : i32
      %dma_start3A_130 = tpu.memref_slice %arg4[%add3A_126, %dma_start3A_129] : memref<2560x125xi32, #tpu.memory_space<hbm>> -> memref<8x125xi32, #tpu.memory_space<hbm>>
      tpu.enqueue_dma source(%dma_start3A_130 : memref<8x125xi32, #tpu.memory_space<hbm>>) target(%arg9 : memref<8x125xi32, #tpu.memory_space<vmem>>) target_semaphore(%arg18 : memref<!tpu.dma_semaphore, #tpu.memory_space<semaphore_mem>>)
      %dma_wait3A_131 = arith.constant 0 : i32
      %dma_wait3A_132 = arith.constant 0 : i32
      %dma_wait3A_133 = tpu.memref_slice %arg8[%dma_wait3A_131, %dma_wait3A_132] : memref<8x125xi32, #tpu.memory_space<vmem>> -> memref<1x125xi32, #tpu.memory_space<vmem>>
      %dma_wait3A_134 = tpu.memref_squeeze %dma_wait3A_133 : memref<1x125xi32, #tpu.memory_space<vmem>> -> memref<125xi32, #tpu.memory_space<vmem>>
      %dma_wait3A_135 = arith.constant 0 : i32
      %dma_wait3A_136 = arith.constant 0 : i32
      %dma_wait3A_137 = tpu.memref_slice %arg12[%dma_wait3A_135, %dma_wait3A_136] : memref<10240x128xf32, #tpu.memory_space<vmem_shared>> -> memref<10240x128xf32, #tpu.memory_space<vmem_shared>>
      tpu.wait_indirect_dma semaphore(%arg16 : memref<!tpu.dma_semaphore, #tpu.memory_space<semaphore_mem>>) src(%arg11 : memref<125x128xf32, #tpu.memory_space<vmem>>) dst(%dma_wait3A_137 : memref<10240x128xf32, #tpu.memory_space<vmem_shared>>)
      %dma_start3A_138 = arith.constant 3 : i32
      %dma_start3A_139 = arith.constant 0 : i32
      %dma_start3A_140 = tpu.memref_slice %arg6[%dma_start3A_138, %dma_start3A_139] : memref<8x125xi32, #tpu.memory_space<vmem>> -> memref<1x125xi32, #tpu.memory_space<vmem>>
      %dma_start3A_141 = tpu.memref_squeeze %dma_start3A_140 : memref<1x125xi32, #tpu.memory_space<vmem>> -> memref<125xi32, #tpu.memory_space<vmem>>
      %dma_start3A_142 = arith.constant 0 : i32
      %dma_start3A_143 = arith.constant 0 : i32
      %dma_start3A_144 = tpu.memref_slice %arg2[%dma_start3A_142, %dma_start3A_143] : memref<10000x128xf32, #tpu.memory_space<hbm>> -> memref<10000x128xf32, #tpu.memory_space<hbm>>
      tpu.enqueue_indirect_dma source(%dma_start3A_144 : memref<10000x128xf32, #tpu.memory_space<hbm>>) target(%arg11 : memref<125x128xf32, #tpu.memory_space<vmem>>) offsets(%dma_start3A_141 : memref<125xi32, #tpu.memory_space<vmem>>) semaphore(%arg14 : memref<!tpu.dma_semaphore, #tpu.memory_space<semaphore_mem>>)
      %mul3A_145 = arith.constant 16 : i32
      %mul3A_146 = arith.muli %mul3A_145, %scan3A_61 : i32
      %add3A_147 = arith.constant 2 : i32
      %add3A_148 = arith.addi %mul3A_146, %add3A_147 : i32
      %dma_wait3A_149 = arith.constant 0 : i32
      %dma_wait3A_150 = arith.constant 0 : i32
      %dma_wait3A_151 = tpu.memref_slice %arg6[%dma_wait3A_149, %dma_wait3A_150] : memref<8x125xi32, #tpu.memory_space<vmem>> -> memref<1x125xi32, #tpu.memory_space<vmem>>
      %dma_wait3A_152 = tpu.memref_squeeze %dma_wait3A_151 : memref<1x125xi32, #tpu.memory_space<vmem>> -> memref<125xi32, #tpu.memory_space<vmem>>
      %dma_wait3A_153 = arith.constant 0 : i32
      %dma_wait3A_154 = arith.constant 0 : i32
      %dma_wait3A_155 = tpu.memref_slice %arg2[%dma_wait3A_153, %dma_wait3A_154] : memref<10000x128xf32, #tpu.memory_space<hbm>> -> memref<10000x128xf32, #tpu.memory_space<hbm>>
      tpu.wait_indirect_dma semaphore(%arg13 : memref<!tpu.dma_semaphore, #tpu.memory_space<semaphore_mem>>) src(%dma_wait3A_155 : memref<10000x128xf32, #tpu.memory_space<hbm>>) dst(%arg10 : memref<125x128xf32, #tpu.memory_space<vmem>>)
      %dma_start3A_156 = arith.constant 2 : i32
      %dma_start3A_157 = arith.constant 0 : i32
      %dma_start3A_158 = tpu.memref_slice %arg8[%dma_start3A_156, %dma_start3A_157] : memref<8x125xi32, #tpu.memory_space<vmem>> -> memref<1x125xi32, #tpu.memory_space<vmem>>
      %dma_start3A_159 = tpu.memref_squeeze %dma_start3A_158 : memref<1x125xi32, #tpu.memory_space<vmem>> -> memref<125xi32, #tpu.memory_space<vmem>>
      %dma_start3A_160 = arith.constant 0 : i32
      %dma_start3A_161 = arith.constant 0 : i32
      %dma_start3A_162 = tpu.memref_slice %arg12[%dma_start3A_160, %dma_start3A_161] : memref<10240x128xf32, #tpu.memory_space<vmem_shared>> -> memref<10240x128xf32, #tpu.memory_space<vmem_shared>>
      tpu.enqueue_indirect_dma source(%arg10 : memref<125x128xf32, #tpu.memory_space<vmem>>) target(%dma_start3A_162 : memref<10240x128xf32, #tpu.memory_space<vmem_shared>>) offsets(%dma_start3A_159 : memref<125xi32, #tpu.memory_space<vmem>>) semaphore(%arg15 : memref<!tpu.dma_semaphore, #tpu.memory_space<semaphore_mem>>) {add = true}
      %dma_wait3A_163 = arith.constant 0 : i32
      %dma_wait3A_164 = arith.constant 0 : i32
      %dma_wait3A_165 = tpu.memref_slice %arg8[%dma_wait3A_163, %dma_wait3A_164] : memref<8x125xi32, #tpu.memory_space<vmem>> -> memref<1x125xi32, #tpu.memory_space<vmem>>
      %dma_wait3A_166 = tpu.memref_squeeze %dma_wait3A_165 : memref<1x125xi32, #tpu.memory_space<vmem>> -> memref<125xi32, #tpu.memory_space<vmem>>
      %dma_wait3A_167 = arith.constant 0 : i32
      %dma_wait3A_168 = arith.constant 0 : i32
      %dma_wait3A_169 = tpu.memref_slice %arg12[%dma_wait3A_167, %dma_wait3A_168] : memref<10240x128xf32, #tpu.memory_space<vmem_shared>> -> memref<10240x128xf32, #tpu.memory_space<vmem_shared>>
      tpu.wait_indirect_dma semaphore(%arg15 : memref<!tpu.dma_semaphore, #tpu.memory_space<semaphore_mem>>) src(%arg10 : memref<125x128xf32, #tpu.memory_space<vmem>>) dst(%dma_wait3A_169 : memref<10240x128xf32, #tpu.memory_space<vmem_shared>>)
      %dma_start3A_170 = arith.constant 4 : i32
      %dma_start3A_171 = arith.constant 0 : i32
      %dma_start3A_172 = tpu.memref_slice %arg6[%dma_start3A_170, %dma_start3A_171] : memref<8x125xi32, #tpu.memory_space<vmem>> -> memref<1x125xi32, #tpu.memory_space<vmem>>
      %dma_start3A_173 = tpu.memref_squeeze %dma_start3A_172 : memref<1x125xi32, #tpu.memory_space<vmem>> -> memref<125xi32, #tpu.memory_space<vmem>>
      %dma_start3A_174 = arith.constant 0 : i32
      %dma_start3A_175 = arith.constant 0 : i32
      %dma_start3A_176 = tpu.memref_slice %arg2[%dma_start3A_174, %dma_start3A_175] : memref<10000x128xf32, #tpu.memory_space<hbm>> -> memref<10000x128xf32, #tpu.memory_space<hbm>>
      tpu.enqueue_indirect_dma source(%dma_start3A_176 : memref<10000x128xf32, #tpu.memory_space<hbm>>) target(%arg10 : memref<125x128xf32, #tpu.memory_space<vmem>>) offsets(%dma_start3A_173 : memref<125xi32, #tpu.memory_space<vmem>>) semaphore(%arg13 : memref<!tpu.dma_semaphore, #tpu.memory_space<semaphore_mem>>)
      %mul3A_177 = arith.constant 16 : i32
      %mul3A_178 = arith.muli %mul3A_177, %scan3A_61 : i32
      %add3A_179 = arith.constant 3 : i32
      %add3A_180 = arith.addi %mul3A_178, %add3A_179 : i32
      %dma_wait3A_181 = arith.constant 0 : i32
      %dma_wait3A_182 = arith.constant 0 : i32
      %dma_wait3A_183 = tpu.memref_slice %arg6[%dma_wait3A_181, %dma_wait3A_182] : memref<8x125xi32, #tpu.memory_space<vmem>> -> memref<1x125xi32, #tpu.memory_space<vmem>>
      %dma_wait3A_184 = tpu.memref_squeeze %dma_wait3A_183 : memref<1x125xi32, #tpu.memory_space<vmem>> -> memref<125xi32, #tpu.memory_space<vmem>>
      %dma_wait3A_185 = arith.constant 0 : i32
      %dma_wait3A_186 = arith.constant 0 : i32
      %dma_wait3A_187 = tpu.memref_slice %arg2[%dma_wait3A_185, %dma_wait3A_186] : memref<10000x128xf32, #tpu.memory_space<hbm>> -> memref<10000x128xf32, #tpu.memory_space<hbm>>
      tpu.wait_indirect_dma semaphore(%arg14 : memref<!tpu.dma_semaphore, #tpu.memory_space<semaphore_mem>>) src(%dma_wait3A_187 : memref<10000x128xf32, #tpu.memory_space<hbm>>) dst(%arg11 : memref<125x128xf32, #tpu.memory_space<vmem>>)
      %dma_start3A_188 = arith.constant 3 : i32
      %dma_start3A_189 = arith.constant 0 : i32
      %dma_start3A_190 = tpu.memref_slice %arg8[%dma_start3A_188, %dma_start3A_189] : memref<8x125xi32, #tpu.memory_space<vmem>> -> memref<1x125xi32, #tpu.memory_space<vmem>>
      %dma_start3A_191 = tpu.memref_squeeze %dma_start3A_190 : memref<1x125xi32, #tpu.memory_space<vmem>> -> memref<125xi32, #tpu.memory_space<vmem>>
      %dma_start3A_192 = arith.constant 0 : i32
      %dma_start3A_193 = arith.constant 0 : i32
      %dma_start3A_194 = tpu.memref_slice %arg12[%dma_start3A_192, %dma_start3A_193] : memref<10240x128xf32, #tpu.memory_space<vmem_shared>> -> memref<10240x128xf32, #tpu.memory_space<vmem_shared>>
      tpu.enqueue_indirect_dma source(%arg11 : memref<125x128xf32, #tpu.memory_space<vmem>>) target(%dma_start3A_194 : memref<10240x128xf32, #tpu.memory_space<vmem_shared>>) offsets(%dma_start3A_191 : memref<125xi32, #tpu.memory_space<vmem>>) semaphore(%arg16 : memref<!tpu.dma_semaphore, #tpu.memory_space<semaphore_mem>>) {add = true}
      %dma_wait3A_195 = arith.constant 0 : i32
      %dma_wait3A_196 = arith.constant 0 : i32
      %dma_wait3A_197 = tpu.memref_slice %arg8[%dma_wait3A_195, %dma_wait3A_196] : memref<8x125xi32, #tpu.memory_space<vmem>> -> memref<1x125xi32, #tpu.memory_space<vmem>>
      %dma_wait3A_198 = tpu.memref_squeeze %dma_wait3A_197 : memref<1x125xi32, #tpu.memory_space<vmem>> -> memref<125xi32, #tpu.memory_space<vmem>>
      %dma_wait3A_199 = arith.constant 0 : i32
      %dma_wait3A_200 = arith.constant 0 : i32
      %dma_wait3A_201 = tpu.memref_slice %arg12[%dma_wait3A_199, %dma_wait3A_200] : memref<10240x128xf32, #tpu.memory_space<vmem_shared>> -> memref<10240x128xf32, #tpu.memory_space<vmem_shared>>
      tpu.wait_indirect_dma semaphore(%arg16 : memref<!tpu.dma_semaphore, #tpu.memory_space<semaphore_mem>>) src(%arg11 : memref<125x128xf32, #tpu.memory_space<vmem>>) dst(%dma_wait3A_201 : memref<10240x128xf32, #tpu.memory_space<vmem_shared>>)
      %dma_start3A_202 = arith.constant 5 : i32
      %dma_start3A_203 = arith.constant 0 : i32
      %dma_start3A_204 = tpu.memref_slice %arg6[%dma_start3A_202, %dma_start3A_203] : memref<8x125xi32, #tpu.memory_space<vmem>> -> memref<1x125xi32, #tpu.memory_space<vmem>>
      %dma_start3A_205 = tpu.memref_squeeze %dma_start3A_204 : memref<1x125xi32, #tpu.memory_space<vmem>> -> memref<125xi32, #tpu.memory_space<vmem>>
      %dma_start3A_206 = arith.constant 0 : i32
      %dma_start3A_207 = arith.constant 0 : i32
      %dma_start3A_208 = tpu.memref_slice %arg2[%dma_start3A_206, %dma_start3A_207] : memref<10000x128xf32, #tpu.memory_space<hbm>> -> memref<10000x128xf32, #tpu.memory_space<hbm>>
      tpu.enqueue_indirect_dma source(%dma_start3A_208 : memref<10000x128xf32, #tpu.memory_space<hbm>>) target(%arg11 : memref<125x128xf32, #tpu.memory_space<vmem>>) offsets(%dma_start3A_205 : memref<125xi32, #tpu.memory_space<vmem>>) semaphore(%arg14 : memref<!tpu.dma_semaphore, #tpu.memory_space<semaphore_mem>>)
      %mul3A_209 = arith.constant 16 : i32
      %mul3A_210 = arith.muli %mul3A_209, %scan3A_61 : i32
      %add3A_211 = arith.constant 4 : i32
      %add3A_212 = arith.addi %mul3A_210, %add3A_211 : i32
      %dma_wait3A_213 = arith.constant 0 : i32
      %dma_wait3A_214 = arith.constant 0 : i32
      %dma_wait3A_215 = tpu.memref_slice %arg6[%dma_wait3A_213, %dma_wait3A_214] : memref<8x125xi32, #tpu.memory_space<vmem>> -> memref<1x125xi32, #tpu.memory_space<vmem>>
      %dma_wait3A_216 = tpu.memref_squeeze %dma_wait3A_215 : memref<1x125xi32, #tpu.memory_space<vmem>> -> memref<125xi32, #tpu.memory_space<vmem>>
      %dma_wait3A_217 = arith.constant 0 : i32
      %dma_wait3A_218 = arith.constant 0 : i32
      %dma_wait3A_219 = tpu.memref_slice %arg2[%dma_wait3A_217, %dma_wait3A_218] : memref<10000x128xf32, #tpu.memory_space<hbm>> -> memref<10000x128xf32, #tpu.memory_space<hbm>>
      tpu.wait_indirect_dma semaphore(%arg13 : memref<!tpu.dma_semaphore, #tpu.memory_space<semaphore_mem>>) src(%dma_wait3A_219 : memref<10000x128xf32, #tpu.memory_space<hbm>>) dst(%arg10 : memref<125x128xf32, #tpu.memory_space<vmem>>)
      %dma_start3A_220 = arith.constant 4 : i32
      %dma_start3A_221 = arith.constant 0 : i32
      %dma_start3A_222 = tpu.memref_slice %arg8[%dma_start3A_220, %dma_start3A_221] : memref<8x125xi32, #tpu.memory_space<vmem>> -> memref<1x125xi32, #tpu.memory_space<vmem>>
      %dma_start3A_223 = tpu.memref_squeeze %dma_start3A_222 : memref<1x125xi32, #tpu.memory_space<vmem>> -> memref<125xi32, #tpu.memory_space<vmem>>
      %dma_start3A_224 = arith.constant 0 : i32
      %dma_start3A_225 = arith.constant 0 : i32
      %dma_start3A_226 = tpu.memref_slice %arg12[%dma_start3A_224, %dma_start3A_225] : memref<10240x128xf32, #tpu.memory_space<vmem_shared>> -> memref<10240x128xf32, #tpu.memory_space<vmem_shared>>
      tpu.enqueue_indirect_dma source(%arg10 : memref<125x128xf32, #tpu.memory_space<vmem>>) target(%dma_start3A_226 : memref<10240x128xf32, #tpu.memory_space<vmem_shared>>) offsets(%dma_start3A_223 : memref<125xi32, #tpu.memory_space<vmem>>) semaphore(%arg15 : memref<!tpu.dma_semaphore, #tpu.memory_space<semaphore_mem>>) {add = true}
      %dma_wait3A_227 = arith.constant 0 : i32
      %dma_wait3A_228 = arith.constant 0 : i32
      %dma_wait3A_229 = tpu.memref_slice %arg8[%dma_wait3A_227, %dma_wait3A_228] : memref<8x125xi32, #tpu.memory_space<vmem>> -> memref<1x125xi32, #tpu.memory_space<vmem>>
      %dma_wait3A_230 = tpu.memref_squeeze %dma_wait3A_229 : memref<1x125xi32, #tpu.memory_space<vmem>> -> memref<125xi32, #tpu.memory_space<vmem>>
      %dma_wait3A_231 = arith.constant 0 : i32
      %dma_wait3A_232 = arith.constant 0 : i32
      %dma_wait3A_233 = tpu.memref_slice %arg12[%dma_wait3A_231, %dma_wait3A_232] : memref<10240x128xf32, #tpu.memory_space<vmem_shared>> -> memref<10240x128xf32, #tpu.memory_space<vmem_shared>>
      tpu.wait_indirect_dma semaphore(%arg15 : memref<!tpu.dma_semaphore, #tpu.memory_space<semaphore_mem>>) src(%arg10 : memref<125x128xf32, #tpu.memory_space<vmem>>) dst(%dma_wait3A_233 : memref<10240x128xf32, #tpu.memory_space<vmem_shared>>)
      %dma_start3A_234 = arith.constant 6 : i32
      %dma_start3A_235 = arith.constant 0 : i32
      %dma_start3A_236 = tpu.memref_slice %arg6[%dma_start3A_234, %dma_start3A_235] : memref<8x125xi32, #tpu.memory_space<vmem>> -> memref<1x125xi32, #tpu.memory_space<vmem>>
      %dma_start3A_237 = tpu.memref_squeeze %dma_start3A_236 : memref<1x125xi32, #tpu.memory_space<vmem>> -> memref<125xi32, #tpu.memory_space<vmem>>
      %dma_start3A_238 = arith.constant 0 : i32
      %dma_start3A_239 = arith.constant 0 : i32
      %dma_start3A_240 = tpu.memref_slice %arg2[%dma_start3A_238, %dma_start3A_239] : memref<10000x128xf32, #tpu.memory_space<hbm>> -> memref<10000x128xf32, #tpu.memory_space<hbm>>
      tpu.enqueue_indirect_dma source(%dma_start3A_240 : memref<10000x128xf32, #tpu.memory_space<hbm>>) target(%arg10 : memref<125x128xf32, #tpu.memory_space<vmem>>) offsets(%dma_start3A_237 : memref<125xi32, #tpu.memory_space<vmem>>) semaphore(%arg13 : memref<!tpu.dma_semaphore, #tpu.memory_space<semaphore_mem>>)
      %mul3A_241 = arith.constant 16 : i32
      %mul3A_242 = arith.muli %mul3A_241, %scan3A_61 : i32
      %add3A_243 = arith.constant 5 : i32
      %add3A_244 = arith.addi %mul3A_242, %add3A_243 : i32
      %dma_wait3A_245 = arith.constant 0 : i32
      %dma_wait3A_246 = arith.constant 0 : i32
      %dma_wait3A_247 = tpu.memref_slice %arg6[%dma_wait3A_245, %dma_wait3A_246] : memref<8x125xi32, #tpu.memory_space<vmem>> -> memref<1x125xi32, #tpu.memory_space<vmem>>
      %dma_wait3A_248 = tpu.memref_squeeze %dma_wait3A_247 : memref<1x125xi32, #tpu.memory_space<vmem>> -> memref<125xi32, #tpu.memory_space<vmem>>
      %dma_wait3A_249 = arith.constant 0 : i32
      %dma_wait3A_250 = arith.constant 0 : i32
      %dma_wait3A_251 = tpu.memref_slice %arg2[%dma_wait3A_249, %dma_wait3A_250] : memref<10000x128xf32, #tpu.memory_space<hbm>> -> memref<10000x128xf32, #tpu.memory_space<hbm>>
      tpu.wait_indirect_dma semaphore(%arg14 : memref<!tpu.dma_semaphore, #tpu.memory_space<semaphore_mem>>) src(%dma_wait3A_251 : memref<10000x128xf32, #tpu.memory_space<hbm>>) dst(%arg11 : memref<125x128xf32, #tpu.memory_space<vmem>>)
      %dma_start3A_252 = arith.constant 5 : i32
      %dma_start3A_253 = arith.constant 0 : i32
      %dma_start3A_254 = tpu.memref_slice %arg8[%dma_start3A_252, %dma_start3A_253] : memref<8x125xi32, #tpu.memory_space<vmem>> -> memref<1x125xi32, #tpu.memory_space<vmem>>
      %dma_start3A_255 = tpu.memref_squeeze %dma_start3A_254 : memref<1x125xi32, #tpu.memory_space<vmem>> -> memref<125xi32, #tpu.memory_space<vmem>>
      %dma_start3A_256 = arith.constant 0 : i32
      %dma_start3A_257 = arith.constant 0 : i32
      %dma_start3A_258 = tpu.memref_slice %arg12[%dma_start3A_256, %dma_start3A_257] : memref<10240x128xf32, #tpu.memory_space<vmem_shared>> -> memref<10240x128xf32, #tpu.memory_space<vmem_shared>>
      tpu.enqueue_indirect_dma source(%arg11 : memref<125x128xf32, #tpu.memory_space<vmem>>) target(%dma_start3A_258 : memref<10240x128xf32, #tpu.memory_space<vmem_shared>>) offsets(%dma_start3A_255 : memref<125xi32, #tpu.memory_space<vmem>>) semaphore(%arg16 : memref<!tpu.dma_semaphore, #tpu.memory_space<semaphore_mem>>) {add = true}
      %dma_wait3A_259 = arith.constant 0 : i32
      %dma_wait3A_260 = arith.constant 0 : i32
      %dma_wait3A_261 = tpu.memref_slice %arg8[%dma_wait3A_259, %dma_wait3A_260] : memref<8x125xi32, #tpu.memory_space<vmem>> -> memref<1x125xi32, #tpu.memory_space<vmem>>
      %dma_wait3A_262 = tpu.memref_squeeze %dma_wait3A_261 : memref<1x125xi32, #tpu.memory_space<vmem>> -> memref<125xi32, #tpu.memory_space<vmem>>
      %dma_wait3A_263 = arith.constant 0 : i32
      %dma_wait3A_264 = arith.constant 0 : i32
      %dma_wait3A_265 = tpu.memref_slice %arg12[%dma_wait3A_263, %dma_wait3A_264] : memref<10240x128xf32, #tpu.memory_space<vmem_shared>> -> memref<10240x128xf32, #tpu.memory_space<vmem_shared>>
      tpu.wait_indirect_dma semaphore(%arg16 : memref<!tpu.dma_semaphore, #tpu.memory_space<semaphore_mem>>) src(%arg11 : memref<125x128xf32, #tpu.memory_space<vmem>>) dst(%dma_wait3A_265 : memref<10240x128xf32, #tpu.memory_space<vmem_shared>>)
      %dma_start3A_266 = arith.constant 7 : i32
      %dma_start3A_267 = arith.constant 0 : i32
      %dma_start3A_268 = tpu.memref_slice %arg6[%dma_start3A_266, %dma_start3A_267] : memref<8x125xi32, #tpu.memory_space<vmem>> -> memref<1x125xi32, #tpu.memory_space<vmem>>
      %dma_start3A_269 = tpu.memref_squeeze %dma_start3A_268 : memref<1x125xi32, #tpu.memory_space<vmem>> -> memref<125xi32, #tpu.memory_space<vmem>>
      %dma_start3A_270 = arith.constant 0 : i32
      %dma_start3A_271 = arith.constant 0 : i32
      %dma_start3A_272 = tpu.memref_slice %arg2[%dma_start3A_270, %dma_start3A_271] : memref<10000x128xf32, #tpu.memory_space<hbm>> -> memref<10000x128xf32, #tpu.memory_space<hbm>>
      tpu.enqueue_indirect_dma source(%dma_start3A_272 : memref<10000x128xf32, #tpu.memory_space<hbm>>) target(%arg11 : memref<125x128xf32, #tpu.memory_space<vmem>>) offsets(%dma_start3A_269 : memref<125xi32, #tpu.memory_space<vmem>>) semaphore(%arg14 : memref<!tpu.dma_semaphore, #tpu.memory_space<semaphore_mem>>)
      %mul3A_273 = arith.constant 16 : i32
      %mul3A_274 = arith.muli %mul3A_273, %scan3A_61 : i32
      %add3A_275 = arith.constant 6 : i32
      %add3A_276 = arith.addi %mul3A_274, %add3A_275 : i32
      %dma_wait3A_277 = arith.constant 0 : i32
      %dma_wait3A_278 = arith.constant 0 : i32
      %dma_wait3A_279 = tpu.memref_slice %arg6[%dma_wait3A_277, %dma_wait3A_278] : memref<8x125xi32, #tpu.memory_space<vmem>> -> memref<1x125xi32, #tpu.memory_space<vmem>>
      %dma_wait3A_280 = tpu.memref_squeeze %dma_wait3A_279 : memref<1x125xi32, #tpu.memory_space<vmem>> -> memref<125xi32, #tpu.memory_space<vmem>>
      %dma_wait3A_281 = arith.constant 0 : i32
      %dma_wait3A_282 = arith.constant 0 : i32
      %dma_wait3A_283 = tpu.memref_slice %arg2[%dma_wait3A_281, %dma_wait3A_282] : memref<10000x128xf32, #tpu.memory_space<hbm>> -> memref<10000x128xf32, #tpu.memory_space<hbm>>
      tpu.wait_indirect_dma semaphore(%arg13 : memref<!tpu.dma_semaphore, #tpu.memory_space<semaphore_mem>>) src(%dma_wait3A_283 : memref<10000x128xf32, #tpu.memory_space<hbm>>) dst(%arg10 : memref<125x128xf32, #tpu.memory_space<vmem>>)
      %dma_start3A_284 = arith.constant 6 : i32
      %dma_start3A_285 = arith.constant 0 : i32
      %dma_start3A_286 = tpu.memref_slice %arg8[%dma_start3A_284, %dma_start3A_285] : memref<8x125xi32, #tpu.memory_space<vmem>> -> memref<1x125xi32, #tpu.memory_space<vmem>>
      %dma_start3A_287 = tpu.memref_squeeze %dma_start3A_286 : memref<1x125xi32, #tpu.memory_space<vmem>> -> memref<125xi32, #tpu.memory_space<vmem>>
      %dma_start3A_288 = arith.constant 0 : i32
      %dma_start3A_289 = arith.constant 0 : i32
      %dma_start3A_290 = tpu.memref_slice %arg12[%dma_start3A_288, %dma_start3A_289] : memref<10240x128xf32, #tpu.memory_space<vmem_shared>> -> memref<10240x128xf32, #tpu.memory_space<vmem_shared>>
      tpu.enqueue_indirect_dma source(%arg10 : memref<125x128xf32, #tpu.memory_space<vmem>>) target(%dma_start3A_290 : memref<10240x128xf32, #tpu.memory_space<vmem_shared>>) offsets(%dma_start3A_287 : memref<125xi32, #tpu.memory_space<vmem>>) semaphore(%arg15 : memref<!tpu.dma_semaphore, #tpu.memory_space<semaphore_mem>>) {add = true}
      %dma_wait3A_291 = arith.constant 0 : i32
      %dma_wait3A_292 = tpu.memref_slice %arg3[%mul3A_2, %dma_wait3A_291] : memref<2560x125xi32, #tpu.memory_space<hbm>> -> memref<8x125xi32, #tpu.memory_space<hbm>>
      %dma_wait3A_293 = arith.constant 0 : i32
      %dma_wait3A_294 = tpu.memref_slice %arg3[%mul3A_2, %dma_wait3A_293] : memref<2560x125xi32, #tpu.memory_space<hbm>> -> memref<8x125xi32, #tpu.memory_space<hbm>>
      tpu.wait_dma2 semaphore(%arg18 : memref<!tpu.dma_semaphore, #tpu.memory_space<semaphore_mem>>) src(%dma_wait3A_294 : memref<8x125xi32, #tpu.memory_space<hbm>>) dst(%arg7 : memref<8x125xi32, #tpu.memory_space<vmem>>)
      %dma_wait3A_295 = arith.constant 0 : i32
      %dma_wait3A_296 = tpu.memref_slice %arg4[%mul3A_2, %dma_wait3A_295] : memref<2560x125xi32, #tpu.memory_space<hbm>> -> memref<8x125xi32, #tpu.memory_space<hbm>>
      %dma_wait3A_297 = arith.constant 0 : i32
      %dma_wait3A_298 = tpu.memref_slice %arg4[%mul3A_2, %dma_wait3A_297] : memref<2560x125xi32, #tpu.memory_space<hbm>> -> memref<8x125xi32, #tpu.memory_space<hbm>>
      tpu.wait_dma2 semaphore(%arg18 : memref<!tpu.dma_semaphore, #tpu.memory_space<semaphore_mem>>) src(%dma_wait3A_298 : memref<8x125xi32, #tpu.memory_space<hbm>>) dst(%arg9 : memref<8x125xi32, #tpu.memory_space<vmem>>)
      %dma_wait3A_299 = arith.constant 0 : i32
      %dma_wait3A_300 = arith.constant 0 : i32
      %dma_wait3A_301 = tpu.memref_slice %arg8[%dma_wait3A_299, %dma_wait3A_300] : memref<8x125xi32, #tpu.memory_space<vmem>> -> memref<1x125xi32, #tpu.memory_space<vmem>>
      %dma_wait3A_302 = tpu.memref_squeeze %dma_wait3A_301 : memref<1x125xi32, #tpu.memory_space<vmem>> -> memref<125xi32, #tpu.memory_space<vmem>>
      %dma_wait3A_303 = arith.constant 0 : i32
      %dma_wait3A_304 = arith.constant 0 : i32
      %dma_wait3A_305 = tpu.memref_slice %arg12[%dma_wait3A_303, %dma_wait3A_304] : memref<10240x128xf32, #tpu.memory_space<vmem_shared>> -> memref<10240x128xf32, #tpu.memory_space<vmem_shared>>
      tpu.wait_indirect_dma semaphore(%arg15 : memref<!tpu.dma_semaphore, #tpu.memory_space<semaphore_mem>>) src(%arg10 : memref<125x128xf32, #tpu.memory_space<vmem>>) dst(%dma_wait3A_305 : memref<10240x128xf32, #tpu.memory_space<vmem_shared>>)
      %dma_start3A_306 = arith.constant 0 : i32
      %dma_start3A_307 = arith.constant 0 : i32
      %dma_start3A_308 = tpu.memref_slice %arg7[%dma_start3A_306, %dma_start3A_307] : memref<8x125xi32, #tpu.memory_space<vmem>> -> memref<1x125xi32, #tpu.memory_space<vmem>>
      %dma_start3A_309 = tpu.memref_squeeze %dma_start3A_308 : memref<1x125xi32, #tpu.memory_space<vmem>> -> memref<125xi32, #tpu.memory_space<vmem>>
      %dma_start3A_310 = arith.constant 0 : i32
      %dma_start3A_311 = arith.constant 0 : i32
      %dma_start3A_312 = tpu.memref_slice %arg2[%dma_start3A_310, %dma_start3A_311] : memref<10000x128xf32, #tpu.memory_space<hbm>> -> memref<10000x128xf32, #tpu.memory_space<hbm>>
      tpu.enqueue_indirect_dma source(%dma_start3A_312 : memref<10000x128xf32, #tpu.memory_space<hbm>>) target(%arg10 : memref<125x128xf32, #tpu.memory_space<vmem>>) offsets(%dma_start3A_309 : memref<125xi32, #tpu.memory_space<vmem>>) semaphore(%arg13 : memref<!tpu.dma_semaphore, #tpu.memory_space<semaphore_mem>>)
      %mul3A_313 = arith.constant 16 : i32
      %mul3A_314 = arith.muli %mul3A_313, %scan3A_61 : i32
      %add3A_315 = arith.constant 7 : i32
      %add3A_316 = arith.addi %mul3A_314, %add3A_315 : i32
      %dma_wait3A_317 = arith.constant 0 : i32
      %dma_wait3A_318 = arith.constant 0 : i32
      %dma_wait3A_319 = tpu.memref_slice %arg6[%dma_wait3A_317, %dma_wait3A_318] : memref<8x125xi32, #tpu.memory_space<vmem>> -> memref<1x125xi32, #tpu.memory_space<vmem>>
      %dma_wait3A_320 = tpu.memref_squeeze %dma_wait3A_319 : memref<1x125xi32, #tpu.memory_space<vmem>> -> memref<125xi32, #tpu.memory_space<vmem>>
      %dma_wait3A_321 = arith.constant 0 : i32
      %dma_wait3A_322 = arith.constant 0 : i32
      %dma_wait3A_323 = tpu.memref_slice %arg2[%dma_wait3A_321, %dma_wait3A_322] : memref<10000x128xf32, #tpu.memory_space<hbm>> -> memref<10000x128xf32, #tpu.memory_space<hbm>>
      tpu.wait_indirect_dma semaphore(%arg14 : memref<!tpu.dma_semaphore, #tpu.memory_space<semaphore_mem>>) src(%dma_wait3A_323 : memref<10000x128xf32, #tpu.memory_space<hbm>>) dst(%arg11 : memref<125x128xf32, #tpu.memory_space<vmem>>)
      %dma_start3A_324 = arith.constant 7 : i32
      %dma_start3A_325 = arith.constant 0 : i32
      %dma_start3A_326 = tpu.memref_slice %arg8[%dma_start3A_324, %dma_start3A_325] : memref<8x125xi32, #tpu.memory_space<vmem>> -> memref<1x125xi32, #tpu.memory_space<vmem>>
      %dma_start3A_327 = tpu.memref_squeeze %dma_start3A_326 : memref<1x125xi32, #tpu.memory_space<vmem>> -> memref<125xi32, #tpu.memory_space<vmem>>
      %dma_start3A_328 = arith.constant 0 : i32
      %dma_start3A_329 = arith.constant 0 : i32
      %dma_start3A_330 = tpu.memref_slice %arg12[%dma_start3A_328, %dma_start3A_329] : memref<10240x128xf32, #tpu.memory_space<vmem_shared>> -> memref<10240x128xf32, #tpu.memory_space<vmem_shared>>
      tpu.enqueue_indirect_dma source(%arg11 : memref<125x128xf32, #tpu.memory_space<vmem>>) target(%dma_start3A_330 : memref<10240x128xf32, #tpu.memory_space<vmem_shared>>) offsets(%dma_start3A_327 : memref<125xi32, #tpu.memory_space<vmem>>) semaphore(%arg16 : memref<!tpu.dma_semaphore, #tpu.memory_space<semaphore_mem>>) {add = true}
      %dma_wait3A_331 = arith.constant 0 : i32
      %dma_wait3A_332 = arith.constant 0 : i32
      %dma_wait3A_333 = tpu.memref_slice %arg8[%dma_wait3A_331, %dma_wait3A_332] : memref<8x125xi32, #tpu.memory_space<vmem>> -> memref<1x125xi32, #tpu.memory_space<vmem>>
      %dma_wait3A_334 = tpu.memref_squeeze %dma_wait3A_333 : memref<1x125xi32, #tpu.memory_space<vmem>> -> memref<125xi32, #tpu.memory_space<vmem>>
      %dma_wait3A_335 = arith.constant 0 : i32
      %dma_wait3A_336 = arith.constant 0 : i32
      %dma_wait3A_337 = tpu.memref_slice %arg12[%dma_wait3A_335, %dma_wait3A_336] : memref<10240x128xf32, #tpu.memory_space<vmem_shared>> -> memref<10240x128xf32, #tpu.memory_space<vmem_shared>>
      tpu.wait_indirect_dma semaphore(%arg16 : memref<!tpu.dma_semaphore, #tpu.memory_space<semaphore_mem>>) src(%arg11 : memref<125x128xf32, #tpu.memory_space<vmem>>) dst(%dma_wait3A_337 : memref<10240x128xf32, #tpu.memory_space<vmem_shared>>)
      %dma_start3A_338 = arith.constant 1 : i32
      %dma_start3A_339 = arith.constant 0 : i32
      %dma_start3A_340 = tpu.memref_slice %arg7[%dma_start3A_338, %dma_start3A_339] : memref<8x125xi32, #tpu.memory_space<vmem>> -> memref<1x125xi32, #tpu.memory_space<vmem>>
      %dma_start3A_341 = tpu.memref_squeeze %dma_start3A_340 : memref<1x125xi32, #tpu.memory_space<vmem>> -> memref<125xi32, #tpu.memory_space<vmem>>
      %dma_start3A_342 = arith.constant 0 : i32
      %dma_start3A_343 = arith.constant 0 : i32
      %dma_start3A_344 = tpu.memref_slice %arg2[%dma_start3A_342, %dma_start3A_343] : memref<10000x128xf32, #tpu.memory_space<hbm>> -> memref<10000x128xf32, #tpu.memory_space<hbm>>
      tpu.enqueue_indirect_dma source(%dma_start3A_344 : memref<10000x128xf32, #tpu.memory_space<hbm>>) target(%arg11 : memref<125x128xf32, #tpu.memory_space<vmem>>) offsets(%dma_start3A_341 : memref<125xi32, #tpu.memory_space<vmem>>) semaphore(%arg14 : memref<!tpu.dma_semaphore, #tpu.memory_space<semaphore_mem>>)
      %mul3A_345 = arith.constant 16 : i32
      %mul3A_346 = arith.muli %mul3A_345, %scan3A_61 : i32
      %add3A_347 = arith.constant 8 : i32
      %add3A_348 = arith.addi %mul3A_346, %add3A_347 : i32
      %dma_wait3A_349 = arith.constant 0 : i32
      %dma_wait3A_350 = arith.constant 0 : i32
      %dma_wait3A_351 = tpu.memref_slice %arg6[%dma_wait3A_349, %dma_wait3A_350] : memref<8x125xi32, #tpu.memory_space<vmem>> -> memref<1x125xi32, #tpu.memory_space<vmem>>
      %dma_wait3A_352 = tpu.memref_squeeze %dma_wait3A_351 : memref<1x125xi32, #tpu.memory_space<vmem>> -> memref<125xi32, #tpu.memory_space<vmem>>
      %dma_wait3A_353 = arith.constant 0 : i32
      %dma_wait3A_354 = arith.constant 0 : i32
      %dma_wait3A_355 = tpu.memref_slice %arg2[%dma_wait3A_353, %dma_wait3A_354] : memref<10000x128xf32, #tpu.memory_space<hbm>> -> memref<10000x128xf32, #tpu.memory_space<hbm>>
      tpu.wait_indirect_dma semaphore(%arg13 : memref<!tpu.dma_semaphore, #tpu.memory_space<semaphore_mem>>) src(%dma_wait3A_355 : memref<10000x128xf32, #tpu.memory_space<hbm>>) dst(%arg10 : memref<125x128xf32, #tpu.memory_space<vmem>>)
      %dma_start3A_356 = arith.constant 0 : i32
      %dma_start3A_357 = arith.constant 0 : i32
      %dma_start3A_358 = tpu.memref_slice %arg9[%dma_start3A_356, %dma_start3A_357] : memref<8x125xi32, #tpu.memory_space<vmem>> -> memref<1x125xi32, #tpu.memory_space<vmem>>
      %dma_start3A_359 = tpu.memref_squeeze %dma_start3A_358 : memref<1x125xi32, #tpu.memory_space<vmem>> -> memref<125xi32, #tpu.memory_space<vmem>>
      %dma_start3A_360 = arith.constant 0 : i32
      %dma_start3A_361 = arith.constant 0 : i32
      %dma_start3A_362 = tpu.memref_slice %arg12[%dma_start3A_360, %dma_start3A_361] : memref<10240x128xf32, #tpu.memory_space<vmem_shared>> -> memref<10240x128xf32, #tpu.memory_space<vmem_shared>>
      tpu.enqueue_indirect_dma source(%arg10 : memref<125x128xf32, #tpu.memory_space<vmem>>) target(%dma_start3A_362 : memref<10240x128xf32, #tpu.memory_space<vmem_shared>>) offsets(%dma_start3A_359 : memref<125xi32, #tpu.memory_space<vmem>>) semaphore(%arg15 : memref<!tpu.dma_semaphore, #tpu.memory_space<semaphore_mem>>) {add = true}
      %dma_wait3A_363 = arith.constant 0 : i32
      %dma_wait3A_364 = arith.constant 0 : i32
      %dma_wait3A_365 = tpu.memref_slice %arg8[%dma_wait3A_363, %dma_wait3A_364] : memref<8x125xi32, #tpu.memory_space<vmem>> -> memref<1x125xi32, #tpu.memory_space<vmem>>
      %dma_wait3A_366 = tpu.memref_squeeze %dma_wait3A_365 : memref<1x125xi32, #tpu.memory_space<vmem>> -> memref<125xi32, #tpu.memory_space<vmem>>
      %dma_wait3A_367 = arith.constant 0 : i32
      %dma_wait3A_368 = arith.constant 0 : i32
      %dma_wait3A_369 = tpu.memref_slice %arg12[%dma_wait3A_367, %dma_wait3A_368] : memref<10240x128xf32, #tpu.memory_space<vmem_shared>> -> memref<10240x128xf32, #tpu.memory_space<vmem_shared>>
      tpu.wait_indirect_dma semaphore(%arg15 : memref<!tpu.dma_semaphore, #tpu.memory_space<semaphore_mem>>) src(%arg10 : memref<125x128xf32, #tpu.memory_space<vmem>>) dst(%dma_wait3A_369 : memref<10240x128xf32, #tpu.memory_space<vmem_shared>>)
      %dma_start3A_370 = arith.constant 2 : i32
      %dma_start3A_371 = arith.constant 0 : i32
      %dma_start3A_372 = tpu.memref_slice %arg7[%dma_start3A_370, %dma_start3A_371] : memref<8x125xi32, #tpu.memory_space<vmem>> -> memref<1x125xi32, #tpu.memory_space<vmem>>
      %dma_start3A_373 = tpu.memref_squeeze %dma_start3A_372 : memref<1x125xi32, #tpu.memory_space<vmem>> -> memref<125xi32, #tpu.memory_space<vmem>>
      %dma_start3A_374 = arith.constant 0 : i32
      %dma_start3A_375 = arith.constant 0 : i32
      %dma_start3A_376 = tpu.memref_slice %arg2[%dma_start3A_374, %dma_start3A_375] : memref<10000x128xf32, #tpu.memory_space<hbm>> -> memref<10000x128xf32, #tpu.memory_space<hbm>>
      tpu.enqueue_indirect_dma source(%dma_start3A_376 : memref<10000x128xf32, #tpu.memory_space<hbm>>) target(%arg10 : memref<125x128xf32, #tpu.memory_space<vmem>>) offsets(%dma_start3A_373 : memref<125xi32, #tpu.memory_space<vmem>>) semaphore(%arg13 : memref<!tpu.dma_semaphore, #tpu.memory_space<semaphore_mem>>)
      %mul3A_377 = arith.constant 16 : i32
      %mul3A_378 = arith.muli %mul3A_377, %scan3A_61 : i32
      %add3A_379 = arith.constant 9 : i32
      %add3A_380 = arith.addi %mul3A_378, %add3A_379 : i32
      %dma_wait3A_381 = arith.constant 0 : i32
      %dma_wait3A_382 = arith.constant 0 : i32
      %dma_wait3A_383 = tpu.memref_slice %arg6[%dma_wait3A_381, %dma_wait3A_382] : memref<8x125xi32, #tpu.memory_space<vmem>> -> memref<1x125xi32, #tpu.memory_space<vmem>>
      %dma_wait3A_384 = tpu.memref_squeeze %dma_wait3A_383 : memref<1x125xi32, #tpu.memory_space<vmem>> -> memref<125xi32, #tpu.memory_space<vmem>>
      %dma_wait3A_385 = arith.constant 0 : i32
      %dma_wait3A_386 = arith.constant 0 : i32
      %dma_wait3A_387 = tpu.memref_slice %arg2[%dma_wait3A_385, %dma_wait3A_386] : memref<10000x128xf32, #tpu.memory_space<hbm>> -> memref<10000x128xf32, #tpu.memory_space<hbm>>
      tpu.wait_indirect_dma semaphore(%arg14 : memref<!tpu.dma_semaphore, #tpu.memory_space<semaphore_mem>>) src(%dma_wait3A_387 : memref<10000x128xf32, #tpu.memory_space<hbm>>) dst(%arg11 : memref<125x128xf32, #tpu.memory_space<vmem>>)
      %dma_start3A_388 = arith.constant 1 : i32
      %dma_start3A_389 = arith.constant 0 : i32
      %dma_start3A_390 = tpu.memref_slice %arg9[%dma_start3A_388, %dma_start3A_389] : memref<8x125xi32, #tpu.memory_space<vmem>> -> memref<1x125xi32, #tpu.memory_space<vmem>>
      %dma_start3A_391 = tpu.memref_squeeze %dma_start3A_390 : memref<1x125xi32, #tpu.memory_space<vmem>> -> memref<125xi32, #tpu.memory_space<vmem>>
      %dma_start3A_392 = arith.constant 0 : i32
      %dma_start3A_393 = arith.constant 0 : i32
      %dma_start3A_394 = tpu.memref_slice %arg12[%dma_start3A_392, %dma_start3A_393] : memref<10240x128xf32, #tpu.memory_space<vmem_shared>> -> memref<10240x128xf32, #tpu.memory_space<vmem_shared>>
      tpu.enqueue_indirect_dma source(%arg11 : memref<125x128xf32, #tpu.memory_space<vmem>>) target(%dma_start3A_394 : memref<10240x128xf32, #tpu.memory_space<vmem_shared>>) offsets(%dma_start3A_391 : memref<125xi32, #tpu.memory_space<vmem>>) semaphore(%arg16 : memref<!tpu.dma_semaphore, #tpu.memory_space<semaphore_mem>>) {add = true}
      %lt3A = arith.constant 4 : i32
      %lt3A_395 = arith.cmpi slt, %scan3A_61, %lt3A : i32
      %convert_element_type3A = arith.extui %lt3A_395 : i1 to i32
      %cond3A = arith.constant 0 : i32
      %cond3A_396 = arith.cmpi ne, %convert_element_type3A, %cond3A : i32
      scf.if %cond3A_396 {
        %mul3A_600 = arith.constant 2 : i32
        %mul3A_601 = arith.muli %mul3A_600, %scan3A_61 : i32
        %add3A_602 = arith.constant 2 : i32
        %add3A_603 = arith.addi %mul3A_601, %add3A_602 : i32
        %mul3A_604 = arith.constant 8 : i32
        %mul3A_605 = arith.muli %add3A_603, %mul3A_604 : i32
        %add3A_606 = arith.addi %mul3A_2, %mul3A_605 : i32
        %dma_start3A_607 = arith.constant 0 : i32
        %dma_start3A_608 = tpu.memref_slice %arg3[%add3A_606, %dma_start3A_607] : memref<2560x125xi32, #tpu.memory_space<hbm>> -> memref<8x125xi32, #tpu.memory_space<hbm>>
        %dma_start3A_609 = arith.constant 0 : i32
        %dma_start3A_610 = tpu.memref_slice %arg3[%add3A_606, %dma_start3A_609] : memref<2560x125xi32, #tpu.memory_space<hbm>> -> memref<8x125xi32, #tpu.memory_space<hbm>>
        tpu.enqueue_dma source(%dma_start3A_610 : memref<8x125xi32, #tpu.memory_space<hbm>>) target(%arg6 : memref<8x125xi32, #tpu.memory_space<vmem>>) target_semaphore(%arg17 : memref<!tpu.dma_semaphore, #tpu.memory_space<semaphore_mem>>)
        %mul3A_611 = arith.constant 8 : i32
        %mul3A_612 = arith.muli %add3A_603, %mul3A_611 : i32
        %add3A_613 = arith.addi %mul3A_2, %mul3A_612 : i32
        %dma_start3A_614 = arith.constant 0 : i32
        %dma_start3A_615 = tpu.memref_slice %arg4[%add3A_613, %dma_start3A_614] : memref<2560x125xi32, #tpu.memory_space<hbm>> -> memref<8x125xi32, #tpu.memory_space<hbm>>
        %dma_start3A_616 = arith.constant 0 : i32
        %dma_start3A_617 = tpu.memref_slice %arg4[%add3A_613, %dma_start3A_616] : memref<2560x125xi32, #tpu.memory_space<hbm>> -> memref<8x125xi32, #tpu.memory_space<hbm>>
        tpu.enqueue_dma source(%dma_start3A_617 : memref<8x125xi32, #tpu.memory_space<hbm>>) target(%arg8 : memref<8x125xi32, #tpu.memory_space<vmem>>) target_semaphore(%arg17 : memref<!tpu.dma_semaphore, #tpu.memory_space<semaphore_mem>>)
      } else {
      }
      %dma_wait3A_397 = arith.constant 0 : i32
      %dma_wait3A_398 = arith.constant 0 : i32
      %dma_wait3A_399 = tpu.memref_slice %arg8[%dma_wait3A_397, %dma_wait3A_398] : memref<8x125xi32, #tpu.memory_space<vmem>> -> memref<1x125xi32, #tpu.memory_space<vmem>>
      %dma_wait3A_400 = tpu.memref_squeeze %dma_wait3A_399 : memref<1x125xi32, #tpu.memory_space<vmem>> -> memref<125xi32, #tpu.memory_space<vmem>>
      %dma_wait3A_401 = arith.constant 0 : i32
      %dma_wait3A_402 = arith.constant 0 : i32
      %dma_wait3A_403 = tpu.memref_slice %arg12[%dma_wait3A_401, %dma_wait3A_402] : memref<10240x128xf32, #tpu.memory_space<vmem_shared>> -> memref<10240x128xf32, #tpu.memory_space<vmem_shared>>
      tpu.wait_indirect_dma semaphore(%arg16 : memref<!tpu.dma_semaphore, #tpu.memory_space<semaphore_mem>>) src(%arg11 : memref<125x128xf32, #tpu.memory_space<vmem>>) dst(%dma_wait3A_403 : memref<10240x128xf32, #tpu.memory_space<vmem_shared>>)
      %dma_start3A_404 = arith.constant 3 : i32
      %dma_start3A_405 = arith.constant 0 : i32
      %dma_start3A_406 = tpu.memref_slice %arg7[%dma_start3A_404, %dma_start3A_405] : memref<8x125xi32, #tpu.memory_space<vmem>> -> memref<1x125xi32, #tpu.memory_space<vmem>>
      %dma_start3A_407 = tpu.memref_squeeze %dma_start3A_406 : memref<1x125xi32, #tpu.memory_space<vmem>> -> memref<125xi32, #tpu.memory_space<vmem>>
      %dma_start3A_408 = arith.constant 0 : i32
      %dma_start3A_409 = arith.constant 0 : i32
      %dma_start3A_410 = tpu.memref_slice %arg2[%dma_start3A_408, %dma_start3A_409] : memref<10000x128xf32, #tpu.memory_space<hbm>> -> memref<10000x128xf32, #tpu.memory_space<hbm>>
      tpu.enqueue_indirect_dma source(%dma_start3A_410 : memref<10000x128xf32, #tpu.memory_space<hbm>>) target(%arg11 : memref<125x128xf32, #tpu.memory_space<vmem>>) offsets(%dma_start3A_407 : memref<125xi32, #tpu.memory_space<vmem>>) semaphore(%arg14 : memref<!tpu.dma_semaphore, #tpu.memory_space<semaphore_mem>>)
      %mul3A_411 = arith.constant 16 : i32
      %mul3A_412 = arith.muli %mul3A_411, %scan3A_61 : i32
      %add3A_413 = arith.constant 10 : i32
      %add3A_414 = arith.addi %mul3A_412, %add3A_413 : i32
      %dma_wait3A_415 = arith.constant 0 : i32
      %dma_wait3A_416 = arith.constant 0 : i32
      %dma_wait3A_417 = tpu.memref_slice %arg6[%dma_wait3A_415, %dma_wait3A_416] : memref<8x125xi32, #tpu.memory_space<vmem>> -> memref<1x125xi32, #tpu.memory_space<vmem>>
      %dma_wait3A_418 = tpu.memref_squeeze %dma_wait3A_417 : memref<1x125xi32, #tpu.memory_space<vmem>> -> memref<125xi32, #tpu.memory_space<vmem>>
      %dma_wait3A_419 = arith.constant 0 : i32
      %dma_wait3A_420 = arith.constant 0 : i32
      %dma_wait3A_421 = tpu.memref_slice %arg2[%dma_wait3A_419, %dma_wait3A_420] : memref<10000x128xf32, #tpu.memory_space<hbm>> -> memref<10000x128xf32, #tpu.memory_space<hbm>>
      tpu.wait_indirect_dma semaphore(%arg13 : memref<!tpu.dma_semaphore, #tpu.memory_space<semaphore_mem>>) src(%dma_wait3A_421 : memref<10000x128xf32, #tpu.memory_space<hbm>>) dst(%arg10 : memref<125x128xf32, #tpu.memory_space<vmem>>)
      %dma_start3A_422 = arith.constant 2 : i32
      %dma_start3A_423 = arith.constant 0 : i32
      %dma_start3A_424 = tpu.memref_slice %arg9[%dma_start3A_422, %dma_start3A_423] : memref<8x125xi32, #tpu.memory_space<vmem>> -> memref<1x125xi32, #tpu.memory_space<vmem>>
      %dma_start3A_425 = tpu.memref_squeeze %dma_start3A_424 : memref<1x125xi32, #tpu.memory_space<vmem>> -> memref<125xi32, #tpu.memory_space<vmem>>
      %dma_start3A_426 = arith.constant 0 : i32
      %dma_start3A_427 = arith.constant 0 : i32
      %dma_start3A_428 = tpu.memref_slice %arg12[%dma_start3A_426, %dma_start3A_427] : memref<10240x128xf32, #tpu.memory_space<vmem_shared>> -> memref<10240x128xf32, #tpu.memory_space<vmem_shared>>
      tpu.enqueue_indirect_dma source(%arg10 : memref<125x128xf32, #tpu.memory_space<vmem>>) target(%dma_start3A_428 : memref<10240x128xf32, #tpu.memory_space<vmem_shared>>) offsets(%dma_start3A_425 : memref<125xi32, #tpu.memory_space<vmem>>) semaphore(%arg15 : memref<!tpu.dma_semaphore, #tpu.memory_space<semaphore_mem>>) {add = true}
      %dma_wait3A_429 = arith.constant 0 : i32
      %dma_wait3A_430 = arith.constant 0 : i32
      %dma_wait3A_431 = tpu.memref_slice %arg8[%dma_wait3A_429, %dma_wait3A_430] : memref<8x125xi32, #tpu.memory_space<vmem>> -> memref<1x125xi32, #tpu.memory_space<vmem>>
      %dma_wait3A_432 = tpu.memref_squeeze %dma_wait3A_431 : memref<1x125xi32, #tpu.memory_space<vmem>> -> memref<125xi32, #tpu.memory_space<vmem>>
      %dma_wait3A_433 = arith.constant 0 : i32
      %dma_wait3A_434 = arith.constant 0 : i32
      %dma_wait3A_435 = tpu.memref_slice %arg12[%dma_wait3A_433, %dma_wait3A_434] : memref<10240x128xf32, #tpu.memory_space<vmem_shared>> -> memref<10240x128xf32, #tpu.memory_space<vmem_shared>>
      tpu.wait_indirect_dma semaphore(%arg15 : memref<!tpu.dma_semaphore, #tpu.memory_space<semaphore_mem>>) src(%arg10 : memref<125x128xf32, #tpu.memory_space<vmem>>) dst(%dma_wait3A_435 : memref<10240x128xf32, #tpu.memory_space<vmem_shared>>)
      %dma_start3A_436 = arith.constant 4 : i32
      %dma_start3A_437 = arith.constant 0 : i32
      %dma_start3A_438 = tpu.memref_slice %arg7[%dma_start3A_436, %dma_start3A_437] : memref<8x125xi32, #tpu.memory_space<vmem>> -> memref<1x125xi32, #tpu.memory_space<vmem>>
      %dma_start3A_439 = tpu.memref_squeeze %dma_start3A_438 : memref<1x125xi32, #tpu.memory_space<vmem>> -> memref<125xi32, #tpu.memory_space<vmem>>
      %dma_start3A_440 = arith.constant 0 : i32
      %dma_start3A_441 = arith.constant 0 : i32
      %dma_start3A_442 = tpu.memref_slice %arg2[%dma_start3A_440, %dma_start3A_441] : memref<10000x128xf32, #tpu.memory_space<hbm>> -> memref<10000x128xf32, #tpu.memory_space<hbm>>
      tpu.enqueue_indirect_dma source(%dma_start3A_442 : memref<10000x128xf32, #tpu.memory_space<hbm>>) target(%arg10 : memref<125x128xf32, #tpu.memory_space<vmem>>) offsets(%dma_start3A_439 : memref<125xi32, #tpu.memory_space<vmem>>) semaphore(%arg13 : memref<!tpu.dma_semaphore, #tpu.memory_space<semaphore_mem>>)
      %mul3A_443 = arith.constant 16 : i32
      %mul3A_444 = arith.muli %mul3A_443, %scan3A_61 : i32
      %add3A_445 = arith.constant 11 : i32
      %add3A_446 = arith.addi %mul3A_444, %add3A_445 : i32
      %dma_wait3A_447 = arith.constant 0 : i32
      %dma_wait3A_448 = arith.constant 0 : i32
      %dma_wait3A_449 = tpu.memref_slice %arg6[%dma_wait3A_447, %dma_wait3A_448] : memref<8x125xi32, #tpu.memory_space<vmem>> -> memref<1x125xi32, #tpu.memory_space<vmem>>
      %dma_wait3A_450 = tpu.memref_squeeze %dma_wait3A_449 : memref<1x125xi32, #tpu.memory_space<vmem>> -> memref<125xi32, #tpu.memory_space<vmem>>
      %dma_wait3A_451 = arith.constant 0 : i32
      %dma_wait3A_452 = arith.constant 0 : i32
      %dma_wait3A_453 = tpu.memref_slice %arg2[%dma_wait3A_451, %dma_wait3A_452] : memref<10000x128xf32, #tpu.memory_space<hbm>> -> memref<10000x128xf32, #tpu.memory_space<hbm>>
      tpu.wait_indirect_dma semaphore(%arg14 : memref<!tpu.dma_semaphore, #tpu.memory_space<semaphore_mem>>) src(%dma_wait3A_453 : memref<10000x128xf32, #tpu.memory_space<hbm>>) dst(%arg11 : memref<125x128xf32, #tpu.memory_space<vmem>>)
      %dma_start3A_454 = arith.constant 3 : i32
      %dma_start3A_455 = arith.constant 0 : i32
      %dma_start3A_456 = tpu.memref_slice %arg9[%dma_start3A_454, %dma_start3A_455] : memref<8x125xi32, #tpu.memory_space<vmem>> -> memref<1x125xi32, #tpu.memory_space<vmem>>
      %dma_start3A_457 = tpu.memref_squeeze %dma_start3A_456 : memref<1x125xi32, #tpu.memory_space<vmem>> -> memref<125xi32, #tpu.memory_space<vmem>>
      %dma_start3A_458 = arith.constant 0 : i32
      %dma_start3A_459 = arith.constant 0 : i32
      %dma_start3A_460 = tpu.memref_slice %arg12[%dma_start3A_458, %dma_start3A_459] : memref<10240x128xf32, #tpu.memory_space<vmem_shared>> -> memref<10240x128xf32, #tpu.memory_space<vmem_shared>>
      tpu.enqueue_indirect_dma source(%arg11 : memref<125x128xf32, #tpu.memory_space<vmem>>) target(%dma_start3A_460 : memref<10240x128xf32, #tpu.memory_space<vmem_shared>>) offsets(%dma_start3A_457 : memref<125xi32, #tpu.memory_space<vmem>>) semaphore(%arg16 : memref<!tpu.dma_semaphore, #tpu.memory_space<semaphore_mem>>) {add = true}
      %dma_wait3A_461 = arith.constant 0 : i32
      %dma_wait3A_462 = arith.constant 0 : i32
      %dma_wait3A_463 = tpu.memref_slice %arg8[%dma_wait3A_461, %dma_wait3A_462] : memref<8x125xi32, #tpu.memory_space<vmem>> -> memref<1x125xi32, #tpu.memory_space<vmem>>
      %dma_wait3A_464 = tpu.memref_squeeze %dma_wait3A_463 : memref<1x125xi32, #tpu.memory_space<vmem>> -> memref<125xi32, #tpu.memory_space<vmem>>
      %dma_wait3A_465 = arith.constant 0 : i32
      %dma_wait3A_466 = arith.constant 0 : i32
      %dma_wait3A_467 = tpu.memref_slice %arg12[%dma_wait3A_465, %dma_wait3A_466] : memref<10240x128xf32, #tpu.memory_space<vmem_shared>> -> memref<10240x128xf32, #tpu.memory_space<vmem_shared>>
      tpu.wait_indirect_dma semaphore(%arg16 : memref<!tpu.dma_semaphore, #tpu.memory_space<semaphore_mem>>) src(%arg11 : memref<125x128xf32, #tpu.memory_space<vmem>>) dst(%dma_wait3A_467 : memref<10240x128xf32, #tpu.memory_space<vmem_shared>>)
      %dma_start3A_468 = arith.constant 5 : i32
      %dma_start3A_469 = arith.constant 0 : i32
      %dma_start3A_470 = tpu.memref_slice %arg7[%dma_start3A_468, %dma_start3A_469] : memref<8x125xi32, #tpu.memory_space<vmem>> -> memref<1x125xi32, #tpu.memory_space<vmem>>
      %dma_start3A_471 = tpu.memref_squeeze %dma_start3A_470 : memref<1x125xi32, #tpu.memory_space<vmem>> -> memref<125xi32, #tpu.memory_space<vmem>>
      %dma_start3A_472 = arith.constant 0 : i32
      %dma_start3A_473 = arith.constant 0 : i32
      %dma_start3A_474 = tpu.memref_slice %arg2[%dma_start3A_472, %dma_start3A_473] : memref<10000x128xf32, #tpu.memory_space<hbm>> -> memref<10000x128xf32, #tpu.memory_space<hbm>>
      tpu.enqueue_indirect_dma source(%dma_start3A_474 : memref<10000x128xf32, #tpu.memory_space<hbm>>) target(%arg11 : memref<125x128xf32, #tpu.memory_space<vmem>>) offsets(%dma_start3A_471 : memref<125xi32, #tpu.memory_space<vmem>>) semaphore(%arg14 : memref<!tpu.dma_semaphore, #tpu.memory_space<semaphore_mem>>)
      %mul3A_475 = arith.constant 16 : i32
      %mul3A_476 = arith.muli %mul3A_475, %scan3A_61 : i32
      %add3A_477 = arith.constant 12 : i32
      %add3A_478 = arith.addi %mul3A_476, %add3A_477 : i32
      %dma_wait3A_479 = arith.constant 0 : i32
      %dma_wait3A_480 = arith.constant 0 : i32
      %dma_wait3A_481 = tpu.memref_slice %arg6[%dma_wait3A_479, %dma_wait3A_480] : memref<8x125xi32, #tpu.memory_space<vmem>> -> memref<1x125xi32, #tpu.memory_space<vmem>>
      %dma_wait3A_482 = tpu.memref_squeeze %dma_wait3A_481 : memref<1x125xi32, #tpu.memory_space<vmem>> -> memref<125xi32, #tpu.memory_space<vmem>>
      %dma_wait3A_483 = arith.constant 0 : i32
      %dma_wait3A_484 = arith.constant 0 : i32
      %dma_wait3A_485 = tpu.memref_slice %arg2[%dma_wait3A_483, %dma_wait3A_484] : memref<10000x128xf32, #tpu.memory_space<hbm>> -> memref<10000x128xf32, #tpu.memory_space<hbm>>
      tpu.wait_indirect_dma semaphore(%arg13 : memref<!tpu.dma_semaphore, #tpu.memory_space<semaphore_mem>>) src(%dma_wait3A_485 : memref<10000x128xf32, #tpu.memory_space<hbm>>) dst(%arg10 : memref<125x128xf32, #tpu.memory_space<vmem>>)
      %dma_start3A_486 = arith.constant 4 : i32
      %dma_start3A_487 = arith.constant 0 : i32
      %dma_start3A_488 = tpu.memref_slice %arg9[%dma_start3A_486, %dma_start3A_487] : memref<8x125xi32, #tpu.memory_space<vmem>> -> memref<1x125xi32, #tpu.memory_space<vmem>>
      %dma_start3A_489 = tpu.memref_squeeze %dma_start3A_488 : memref<1x125xi32, #tpu.memory_space<vmem>> -> memref<125xi32, #tpu.memory_space<vmem>>
      %dma_start3A_490 = arith.constant 0 : i32
      %dma_start3A_491 = arith.constant 0 : i32
      %dma_start3A_492 = tpu.memref_slice %arg12[%dma_start3A_490, %dma_start3A_491] : memref<10240x128xf32, #tpu.memory_space<vmem_shared>> -> memref<10240x128xf32, #tpu.memory_space<vmem_shared>>
      tpu.enqueue_indirect_dma source(%arg10 : memref<125x128xf32, #tpu.memory_space<vmem>>) target(%dma_start3A_492 : memref<10240x128xf32, #tpu.memory_space<vmem_shared>>) offsets(%dma_start3A_489 : memref<125xi32, #tpu.memory_space<vmem>>) semaphore(%arg15 : memref<!tpu.dma_semaphore, #tpu.memory_space<semaphore_mem>>) {add = true}
      %dma_wait3A_493 = arith.constant 0 : i32
      %dma_wait3A_494 = arith.constant 0 : i32
      %dma_wait3A_495 = tpu.memref_slice %arg8[%dma_wait3A_493, %dma_wait3A_494] : memref<8x125xi32, #tpu.memory_space<vmem>> -> memref<1x125xi32, #tpu.memory_space<vmem>>
      %dma_wait3A_496 = tpu.memref_squeeze %dma_wait3A_495 : memref<1x125xi32, #tpu.memory_space<vmem>> -> memref<125xi32, #tpu.memory_space<vmem>>
      %dma_wait3A_497 = arith.constant 0 : i32
      %dma_wait3A_498 = arith.constant 0 : i32
      %dma_wait3A_499 = tpu.memref_slice %arg12[%dma_wait3A_497, %dma_wait3A_498] : memref<10240x128xf32, #tpu.memory_space<vmem_shared>> -> memref<10240x128xf32, #tpu.memory_space<vmem_shared>>
      tpu.wait_indirect_dma semaphore(%arg15 : memref<!tpu.dma_semaphore, #tpu.memory_space<semaphore_mem>>) src(%arg10 : memref<125x128xf32, #tpu.memory_space<vmem>>) dst(%dma_wait3A_499 : memref<10240x128xf32, #tpu.memory_space<vmem_shared>>)
      %dma_start3A_500 = arith.constant 6 : i32
      %dma_start3A_501 = arith.constant 0 : i32
      %dma_start3A_502 = tpu.memref_slice %arg7[%dma_start3A_500, %dma_start3A_501] : memref<8x125xi32, #tpu.memory_space<vmem>> -> memref<1x125xi32, #tpu.memory_space<vmem>>
      %dma_start3A_503 = tpu.memref_squeeze %dma_start3A_502 : memref<1x125xi32, #tpu.memory_space<vmem>> -> memref<125xi32, #tpu.memory_space<vmem>>
      %dma_start3A_504 = arith.constant 0 : i32
      %dma_start3A_505 = arith.constant 0 : i32
      %dma_start3A_506 = tpu.memref_slice %arg2[%dma_start3A_504, %dma_start3A_505] : memref<10000x128xf32, #tpu.memory_space<hbm>> -> memref<10000x128xf32, #tpu.memory_space<hbm>>
      tpu.enqueue_indirect_dma source(%dma_start3A_506 : memref<10000x128xf32, #tpu.memory_space<hbm>>) target(%arg10 : memref<125x128xf32, #tpu.memory_space<vmem>>) offsets(%dma_start3A_503 : memref<125xi32, #tpu.memory_space<vmem>>) semaphore(%arg13 : memref<!tpu.dma_semaphore, #tpu.memory_space<semaphore_mem>>)
      %mul3A_507 = arith.constant 16 : i32
      %mul3A_508 = arith.muli %mul3A_507, %scan3A_61 : i32
      %add3A_509 = arith.constant 13 : i32
      %add3A_510 = arith.addi %mul3A_508, %add3A_509 : i32
      %dma_wait3A_511 = arith.constant 0 : i32
      %dma_wait3A_512 = arith.constant 0 : i32
      %dma_wait3A_513 = tpu.memref_slice %arg6[%dma_wait3A_511, %dma_wait3A_512] : memref<8x125xi32, #tpu.memory_space<vmem>> -> memref<1x125xi32, #tpu.memory_space<vmem>>
      %dma_wait3A_514 = tpu.memref_squeeze %dma_wait3A_513 : memref<1x125xi32, #tpu.memory_space<vmem>> -> memref<125xi32, #tpu.memory_space<vmem>>
      %dma_wait3A_515 = arith.constant 0 : i32
      %dma_wait3A_516 = arith.constant 0 : i32
      %dma_wait3A_517 = tpu.memref_slice %arg2[%dma_wait3A_515, %dma_wait3A_516] : memref<10000x128xf32, #tpu.memory_space<hbm>> -> memref<10000x128xf32, #tpu.memory_space<hbm>>
      tpu.wait_indirect_dma semaphore(%arg14 : memref<!tpu.dma_semaphore, #tpu.memory_space<semaphore_mem>>) src(%dma_wait3A_517 : memref<10000x128xf32, #tpu.memory_space<hbm>>) dst(%arg11 : memref<125x128xf32, #tpu.memory_space<vmem>>)
      %dma_start3A_518 = arith.constant 5 : i32
      %dma_start3A_519 = arith.constant 0 : i32
      %dma_start3A_520 = tpu.memref_slice %arg9[%dma_start3A_518, %dma_start3A_519] : memref<8x125xi32, #tpu.memory_space<vmem>> -> memref<1x125xi32, #tpu.memory_space<vmem>>
      %dma_start3A_521 = tpu.memref_squeeze %dma_start3A_520 : memref<1x125xi32, #tpu.memory_space<vmem>> -> memref<125xi32, #tpu.memory_space<vmem>>
      %dma_start3A_522 = arith.constant 0 : i32
      %dma_start3A_523 = arith.constant 0 : i32
      %dma_start3A_524 = tpu.memref_slice %arg12[%dma_start3A_522, %dma_start3A_523] : memref<10240x128xf32, #tpu.memory_space<vmem_shared>> -> memref<10240x128xf32, #tpu.memory_space<vmem_shared>>
      tpu.enqueue_indirect_dma source(%arg11 : memref<125x128xf32, #tpu.memory_space<vmem>>) target(%dma_start3A_524 : memref<10240x128xf32, #tpu.memory_space<vmem_shared>>) offsets(%dma_start3A_521 : memref<125xi32, #tpu.memory_space<vmem>>) semaphore(%arg16 : memref<!tpu.dma_semaphore, #tpu.memory_space<semaphore_mem>>) {add = true}
      %dma_wait3A_525 = arith.constant 0 : i32
      %dma_wait3A_526 = arith.constant 0 : i32
      %dma_wait3A_527 = tpu.memref_slice %arg8[%dma_wait3A_525, %dma_wait3A_526] : memref<8x125xi32, #tpu.memory_space<vmem>> -> memref<1x125xi32, #tpu.memory_space<vmem>>
      %dma_wait3A_528 = tpu.memref_squeeze %dma_wait3A_527 : memref<1x125xi32, #tpu.memory_space<vmem>> -> memref<125xi32, #tpu.memory_space<vmem>>
      %dma_wait3A_529 = arith.constant 0 : i32
      %dma_wait3A_530 = arith.constant 0 : i32
      %dma_wait3A_531 = tpu.memref_slice %arg12[%dma_wait3A_529, %dma_wait3A_530] : memref<10240x128xf32, #tpu.memory_space<vmem_shared>> -> memref<10240x128xf32, #tpu.memory_space<vmem_shared>>
      tpu.wait_indirect_dma semaphore(%arg16 : memref<!tpu.dma_semaphore, #tpu.memory_space<semaphore_mem>>) src(%arg11 : memref<125x128xf32, #tpu.memory_space<vmem>>) dst(%dma_wait3A_531 : memref<10240x128xf32, #tpu.memory_space<vmem_shared>>)
      %dma_start3A_532 = arith.constant 7 : i32
      %dma_start3A_533 = arith.constant 0 : i32
      %dma_start3A_534 = tpu.memref_slice %arg7[%dma_start3A_532, %dma_start3A_533] : memref<8x125xi32, #tpu.memory_space<vmem>> -> memref<1x125xi32, #tpu.memory_space<vmem>>
      %dma_start3A_535 = tpu.memref_squeeze %dma_start3A_534 : memref<1x125xi32, #tpu.memory_space<vmem>> -> memref<125xi32, #tpu.memory_space<vmem>>
      %dma_start3A_536 = arith.constant 0 : i32
      %dma_start3A_537 = arith.constant 0 : i32
      %dma_start3A_538 = tpu.memref_slice %arg2[%dma_start3A_536, %dma_start3A_537] : memref<10000x128xf32, #tpu.memory_space<hbm>> -> memref<10000x128xf32, #tpu.memory_space<hbm>>
      tpu.enqueue_indirect_dma source(%dma_start3A_538 : memref<10000x128xf32, #tpu.memory_space<hbm>>) target(%arg11 : memref<125x128xf32, #tpu.memory_space<vmem>>) offsets(%dma_start3A_535 : memref<125xi32, #tpu.memory_space<vmem>>) semaphore(%arg14 : memref<!tpu.dma_semaphore, #tpu.memory_space<semaphore_mem>>)
      %mul3A_539 = arith.constant 16 : i32
      %mul3A_540 = arith.muli %mul3A_539, %scan3A_61 : i32
      %add3A_541 = arith.constant 14 : i32
      %add3A_542 = arith.addi %mul3A_540, %add3A_541 : i32
      %dma_wait3A_543 = arith.constant 0 : i32
      %dma_wait3A_544 = arith.constant 0 : i32
      %dma_wait3A_545 = tpu.memref_slice %arg6[%dma_wait3A_543, %dma_wait3A_544] : memref<8x125xi32, #tpu.memory_space<vmem>> -> memref<1x125xi32, #tpu.memory_space<vmem>>
      %dma_wait3A_546 = tpu.memref_squeeze %dma_wait3A_545 : memref<1x125xi32, #tpu.memory_space<vmem>> -> memref<125xi32, #tpu.memory_space<vmem>>
      %dma_wait3A_547 = arith.constant 0 : i32
      %dma_wait3A_548 = arith.constant 0 : i32
      %dma_wait3A_549 = tpu.memref_slice %arg2[%dma_wait3A_547, %dma_wait3A_548] : memref<10000x128xf32, #tpu.memory_space<hbm>> -> memref<10000x128xf32, #tpu.memory_space<hbm>>
      tpu.wait_indirect_dma semaphore(%arg13 : memref<!tpu.dma_semaphore, #tpu.memory_space<semaphore_mem>>) src(%dma_wait3A_549 : memref<10000x128xf32, #tpu.memory_space<hbm>>) dst(%arg10 : memref<125x128xf32, #tpu.memory_space<vmem>>)
      %dma_start3A_550 = arith.constant 6 : i32
      %dma_start3A_551 = arith.constant 0 : i32
      %dma_start3A_552 = tpu.memref_slice %arg9[%dma_start3A_550, %dma_start3A_551] : memref<8x125xi32, #tpu.memory_space<vmem>> -> memref<1x125xi32, #tpu.memory_space<vmem>>
      %dma_start3A_553 = tpu.memref_squeeze %dma_start3A_552 : memref<1x125xi32, #tpu.memory_space<vmem>> -> memref<125xi32, #tpu.memory_space<vmem>>
      %dma_start3A_554 = arith.constant 0 : i32
      %dma_start3A_555 = arith.constant 0 : i32
      %dma_start3A_556 = tpu.memref_slice %arg12[%dma_start3A_554, %dma_start3A_555] : memref<10240x128xf32, #tpu.memory_space<vmem_shared>> -> memref<10240x128xf32, #tpu.memory_space<vmem_shared>>
      tpu.enqueue_indirect_dma source(%arg10 : memref<125x128xf32, #tpu.memory_space<vmem>>) target(%dma_start3A_556 : memref<10240x128xf32, #tpu.memory_space<vmem_shared>>) offsets(%dma_start3A_553 : memref<125xi32, #tpu.memory_space<vmem>>) semaphore(%arg15 : memref<!tpu.dma_semaphore, #tpu.memory_space<semaphore_mem>>) {add = true}
      %dma_wait3A_557 = arith.constant 0 : i32
      %dma_wait3A_558 = arith.constant 0 : i32
      %dma_wait3A_559 = tpu.memref_slice %arg8[%dma_wait3A_557, %dma_wait3A_558] : memref<8x125xi32, #tpu.memory_space<vmem>> -> memref<1x125xi32, #tpu.memory_space<vmem>>
      %dma_wait3A_560 = tpu.memref_squeeze %dma_wait3A_559 : memref<1x125xi32, #tpu.memory_space<vmem>> -> memref<125xi32, #tpu.memory_space<vmem>>
      %dma_wait3A_561 = arith.constant 0 : i32
      %dma_wait3A_562 = arith.constant 0 : i32
      %dma_wait3A_563 = tpu.memref_slice %arg12[%dma_wait3A_561, %dma_wait3A_562] : memref<10240x128xf32, #tpu.memory_space<vmem_shared>> -> memref<10240x128xf32, #tpu.memory_space<vmem_shared>>
      tpu.wait_indirect_dma semaphore(%arg15 : memref<!tpu.dma_semaphore, #tpu.memory_space<semaphore_mem>>) src(%arg10 : memref<125x128xf32, #tpu.memory_space<vmem>>) dst(%dma_wait3A_563 : memref<10240x128xf32, #tpu.memory_space<vmem_shared>>)
      %lt3A_564 = arith.constant 4 : i32
      %lt3A_565 = arith.cmpi slt, %scan3A_61, %lt3A_564 : i32
      %convert_element_type3A_566 = arith.extui %lt3A_565 : i1 to i32
      %cond3A_567 = arith.constant 0 : i32
      %cond3A_568 = arith.cmpi ne, %convert_element_type3A_566, %cond3A_567 : i32
      scf.if %cond3A_568 {
        %dma_wait3A_600 = arith.constant 0 : i32
        %dma_wait3A_601 = tpu.memref_slice %arg3[%mul3A_2, %dma_wait3A_600] : memref<2560x125xi32, #tpu.memory_space<hbm>> -> memref<8x125xi32, #tpu.memory_space<hbm>>
        %dma_wait3A_602 = arith.constant 0 : i32
        %dma_wait3A_603 = tpu.memref_slice %arg3[%mul3A_2, %dma_wait3A_602] : memref<2560x125xi32, #tpu.memory_space<hbm>> -> memref<8x125xi32, #tpu.memory_space<hbm>>
        tpu.wait_dma2 semaphore(%arg17 : memref<!tpu.dma_semaphore, #tpu.memory_space<semaphore_mem>>) src(%dma_wait3A_603 : memref<8x125xi32, #tpu.memory_space<hbm>>) dst(%arg6 : memref<8x125xi32, #tpu.memory_space<vmem>>)
        %dma_wait3A_604 = arith.constant 0 : i32
        %dma_wait3A_605 = tpu.memref_slice %arg4[%mul3A_2, %dma_wait3A_604] : memref<2560x125xi32, #tpu.memory_space<hbm>> -> memref<8x125xi32, #tpu.memory_space<hbm>>
        %dma_wait3A_606 = arith.constant 0 : i32
        %dma_wait3A_607 = tpu.memref_slice %arg4[%mul3A_2, %dma_wait3A_606] : memref<2560x125xi32, #tpu.memory_space<hbm>> -> memref<8x125xi32, #tpu.memory_space<hbm>>
        tpu.wait_dma2 semaphore(%arg17 : memref<!tpu.dma_semaphore, #tpu.memory_space<semaphore_mem>>) src(%dma_wait3A_607 : memref<8x125xi32, #tpu.memory_space<hbm>>) dst(%arg8 : memref<8x125xi32, #tpu.memory_space<vmem>>)
        %dma_start3A_608 = arith.constant 0 : i32
        %dma_start3A_609 = arith.constant 0 : i32
        %dma_start3A_610 = tpu.memref_slice %arg6[%dma_start3A_608, %dma_start3A_609] : memref<8x125xi32, #tpu.memory_space<vmem>> -> memref<1x125xi32, #tpu.memory_space<vmem>>
        %dma_start3A_611 = tpu.memref_squeeze %dma_start3A_610 : memref<1x125xi32, #tpu.memory_space<vmem>> -> memref<125xi32, #tpu.memory_space<vmem>>
        %dma_start3A_612 = arith.constant 0 : i32
        %dma_start3A_613 = arith.constant 0 : i32
        %dma_start3A_614 = tpu.memref_slice %arg2[%dma_start3A_612, %dma_start3A_613] : memref<10000x128xf32, #tpu.memory_space<hbm>> -> memref<10000x128xf32, #tpu.memory_space<hbm>>
        tpu.enqueue_indirect_dma source(%dma_start3A_614 : memref<10000x128xf32, #tpu.memory_space<hbm>>) target(%arg10 : memref<125x128xf32, #tpu.memory_space<vmem>>) offsets(%dma_start3A_611 : memref<125xi32, #tpu.memory_space<vmem>>) semaphore(%arg13 : memref<!tpu.dma_semaphore, #tpu.memory_space<semaphore_mem>>)
      } else {
      }
      %mul3A_569 = arith.constant 16 : i32
      %mul3A_570 = arith.muli %mul3A_569, %scan3A_61 : i32
      %add3A_571 = arith.constant 15 : i32
      %add3A_572 = arith.addi %mul3A_570, %add3A_571 : i32
      %dma_wait3A_573 = arith.constant 0 : i32
      %dma_wait3A_574 = arith.constant 0 : i32
      %dma_wait3A_575 = tpu.memref_slice %arg6[%dma_wait3A_573, %dma_wait3A_574] : memref<8x125xi32, #tpu.memory_space<vmem>> -> memref<1x125xi32, #tpu.memory_space<vmem>>
      %dma_wait3A_576 = tpu.memref_squeeze %dma_wait3A_575 : memref<1x125xi32, #tpu.memory_space<vmem>> -> memref<125xi32, #tpu.memory_space<vmem>>
      %dma_wait3A_577 = arith.constant 0 : i32
      %dma_wait3A_578 = arith.constant 0 : i32
      %dma_wait3A_579 = tpu.memref_slice %arg2[%dma_wait3A_577, %dma_wait3A_578] : memref<10000x128xf32, #tpu.memory_space<hbm>> -> memref<10000x128xf32, #tpu.memory_space<hbm>>
      tpu.wait_indirect_dma semaphore(%arg14 : memref<!tpu.dma_semaphore, #tpu.memory_space<semaphore_mem>>) src(%dma_wait3A_579 : memref<10000x128xf32, #tpu.memory_space<hbm>>) dst(%arg11 : memref<125x128xf32, #tpu.memory_space<vmem>>)
      %dma_start3A_580 = arith.constant 7 : i32
      %dma_start3A_581 = arith.constant 0 : i32
      %dma_start3A_582 = tpu.memref_slice %arg9[%dma_start3A_580, %dma_start3A_581] : memref<8x125xi32, #tpu.memory_space<vmem>> -> memref<1x125xi32, #tpu.memory_space<vmem>>
      %dma_start3A_583 = tpu.memref_squeeze %dma_start3A_582 : memref<1x125xi32, #tpu.memory_space<vmem>> -> memref<125xi32, #tpu.memory_space<vmem>>
      %dma_start3A_584 = arith.constant 0 : i32
      %dma_start3A_585 = arith.constant 0 : i32
      %dma_start3A_586 = tpu.memref_slice %arg12[%dma_start3A_584, %dma_start3A_585] : memref<10240x128xf32, #tpu.memory_space<vmem_shared>> -> memref<10240x128xf32, #tpu.memory_space<vmem_shared>>
      tpu.enqueue_indirect_dma source(%arg11 : memref<125x128xf32, #tpu.memory_space<vmem>>) target(%dma_start3A_586 : memref<10240x128xf32, #tpu.memory_space<vmem_shared>>) offsets(%dma_start3A_583 : memref<125xi32, #tpu.memory_space<vmem>>) semaphore(%arg16 : memref<!tpu.dma_semaphore, #tpu.memory_space<semaphore_mem>>) {add = true}
      %dma_wait3A_587 = arith.constant 0 : i32
      %dma_wait3A_588 = arith.constant 0 : i32
      %dma_wait3A_589 = tpu.memref_slice %arg8[%dma_wait3A_587, %dma_wait3A_588] : memref<8x125xi32, #tpu.memory_space<vmem>> -> memref<1x125xi32, #tpu.memory_space<vmem>>
      %dma_wait3A_590 = tpu.memref_squeeze %dma_wait3A_589 : memref<1x125xi32, #tpu.memory_space<vmem>> -> memref<125xi32, #tpu.memory_space<vmem>>
      %dma_wait3A_591 = arith.constant 0 : i32
      %dma_wait3A_592 = arith.constant 0 : i32
      %dma_wait3A_593 = tpu.memref_slice %arg12[%dma_wait3A_591, %dma_wait3A_592] : memref<10240x128xf32, #tpu.memory_space<vmem_shared>> -> memref<10240x128xf32, #tpu.memory_space<vmem_shared>>
      tpu.wait_indirect_dma semaphore(%arg16 : memref<!tpu.dma_semaphore, #tpu.memory_space<semaphore_mem>>) src(%arg11 : memref<125x128xf32, #tpu.memory_space<vmem>>) dst(%dma_wait3A_593 : memref<10240x128xf32, #tpu.memory_space<vmem_shared>>)
      %lt3A_594 = arith.constant 4 : i32
      %lt3A_595 = arith.cmpi slt, %scan3A_61, %lt3A_594 : i32
      %convert_element_type3A_596 = arith.extui %lt3A_595 : i1 to i32
      %cond3A_597 = arith.constant 0 : i32
      %cond3A_598 = arith.cmpi ne, %convert_element_type3A_596, %cond3A_597 : i32
      scf.if %cond3A_598 {
        %dma_start3A_600 = arith.constant 1 : i32
        %dma_start3A_601 = arith.constant 0 : i32
        %dma_start3A_602 = tpu.memref_slice %arg6[%dma_start3A_600, %dma_start3A_601] : memref<8x125xi32, #tpu.memory_space<vmem>> -> memref<1x125xi32, #tpu.memory_space<vmem>>
        %dma_start3A_603 = tpu.memref_squeeze %dma_start3A_602 : memref<1x125xi32, #tpu.memory_space<vmem>> -> memref<125xi32, #tpu.memory_space<vmem>>
        %dma_start3A_604 = arith.constant 0 : i32
        %dma_start3A_605 = arith.constant 0 : i32
        %dma_start3A_606 = tpu.memref_slice %arg2[%dma_start3A_604, %dma_start3A_605] : memref<10000x128xf32, #tpu.memory_space<hbm>> -> memref<10000x128xf32, #tpu.memory_space<hbm>>
        tpu.enqueue_indirect_dma source(%dma_start3A_606 : memref<10000x128xf32, #tpu.memory_space<hbm>>) target(%arg11 : memref<125x128xf32, #tpu.memory_space<vmem>>) offsets(%dma_start3A_603 : memref<125xi32, #tpu.memory_space<vmem>>) semaphore(%arg14 : memref<!tpu.dma_semaphore, #tpu.memory_space<semaphore_mem>>)
      } else {
      }
      %scan3A_599 = arith.constant 0 : i32
      scf.yield %scan3A_599 : i32
    }
    %scan3A_57 = arith.constant 5 : i32
    %barrier3A_58 = arith.constant 0 : index
    tpu.barrier barrier_id(%barrier3A_58)
    %mul3A_59 = arith.constant 640 : i32
    %mul3A_60 = arith.muli %arg1, %mul3A_59 : i32
    "tpu.region"() ({
      %run_scoped3A = tpu.sem_alloc : memref<!tpu.dma_semaphore, #tpu.memory_space<semaphore_mem>>
      %dma_start3A_61 = arith.constant 0 : i32
      %dma_start3A_62 = tpu.memref_slice %arg5[%arg0, %mul3A_60, %dma_start3A_61] : memref<2x10240x128xf32, #tpu.memory_space<hbm>> -> memref<1x640x128xf32, #tpu.memory_space<hbm>>
      %dma_start3A_63 = tpu.memref_squeeze %dma_start3A_62 : memref<1x640x128xf32, #tpu.memory_space<hbm>> -> memref<640x128xf32, #tpu.memory_space<hbm>>
      %dma_start3A_64 = arith.constant 0 : i32
      %dma_start3A_65 = tpu.memref_slice %arg12[%mul3A_60, %dma_start3A_64] : memref<10240x128xf32, #tpu.memory_space<vmem_shared>> -> memref<640x128xf32, #tpu.memory_space<vmem_shared>>
      tpu.enqueue_dma source(%dma_start3A_65 : memref<640x128xf32, #tpu.memory_space<vmem_shared>>) target(%dma_start3A_63 : memref<640x128xf32, #tpu.memory_space<hbm>>) target_semaphore(%run_scoped3A : memref<!tpu.dma_semaphore, #tpu.memory_space<semaphore_mem>>)
      %dma_wait3A_66 = arith.constant 0 : i32
      %dma_wait3A_67 = tpu.memref_slice %arg5[%arg0, %mul3A_60, %dma_wait3A_66] : memref<2x10240x128xf32, #tpu.memory_space<hbm>> -> memref<1x640x128xf32, #tpu.memory_space<hbm>>
      %dma_wait3A_68 = tpu.memref_squeeze %dma_wait3A_67 : memref<1x640x128xf32, #tpu.memory_space<hbm>> -> memref<640x128xf32, #tpu.memory_space<hbm>>
      %dma_wait3A_69 = arith.constant 0 : i32
      %dma_wait3A_70 = tpu.memref_slice %arg12[%mul3A_60, %dma_wait3A_69] : memref<10240x128xf32, #tpu.memory_space<vmem_shared>> -> memref<640x128xf32, #tpu.memory_space<vmem_shared>>
      tpu.wait_dma2 semaphore(%run_scoped3A : memref<!tpu.dma_semaphore, #tpu.memory_space<semaphore_mem>>) src(%dma_wait3A_70 : memref<640x128xf32, #tpu.memory_space<vmem_shared>>) dst(%dma_wait3A_68 : memref<640x128xf32, #tpu.memory_space<hbm>>)
      tpu.yield
    }) : () -> ()
    return
  }
}

module attributes {stable_mosaic.version = 14 : i64} {
  func.func @_mm1_body(%arg0: i32, %arg1: memref<1000x128xf32, #tpu.memory_space<vmem>>, %arg2: memref<128x128xf32, #tpu.memory_space<vmem>>, %arg3: memref<1000x128xf32, #tpu.memory_space<vmem>>) attributes {dimension_semantics = [#tpu.dimension_semantics<arbitrary>], iteration_bounds = array<i64: 10>, scalar_prefetch = 0 : i64, scratch_operands = 0 : i64, tpu.core_type = #tpu.core_type<tc>, window_params = [{transform_indices = @transform_0, window_bounds = array<i64: 1000, 128>}, {pipeline_mode = #tpu.pipeline_mode<synchronous>, transform_indices = @transform_1, window_bounds = array<i64: 128, 128>}, {transform_indices = @transform_2, window_bounds = array<i64: 1000, 128>}]} {
    %get3A = arith.constant 0 : index
    %get3A_0 = arith.constant 0 : index
    %get3A_1 = vector.load %arg1[%get3A, %get3A_0] : memref<1000x128xf32, #tpu.memory_space<vmem>>, vector<1000x128xf32>
    %get3A_2 = arith.constant 0 : index
    %get3A_3 = arith.constant 0 : index
    %get3A_4 = vector.load %arg2[%get3A_2, %get3A_3] : memref<128x128xf32, #tpu.memory_space<vmem>>, vector<128x128xf32>
    %dot_general3A = arith.constant dense<0.000000e+00> : vector<1000x128xf32>
    %dot_general3A_5 = tpu.matmul %get3A_1, %get3A_4, %dot_general3A {dimension_numbers = #tpu.dot_dimension_numbers<[1], [0], [0], [1], [0, 0, 1, 1], [], []>, transpose_lhs_hint = false} : vector<1000x128xf32>, vector<128x128xf32>, vector<1000x128xf32> -> vector<1000x128xf32>
    %swap3A = arith.constant 0 : index
    %swap3A_6 = arith.constant 0 : index
    %swap3A_7 = vector.load %arg3[%swap3A, %swap3A_6] : memref<1000x128xf32, #tpu.memory_space<vmem>>, vector<1000x128xf32>
    tpu.vector_store %arg3[%swap3A, %swap3A_6], %dot_general3A_5 {strides = array<i32>} : memref<1000x128xf32, #tpu.memory_space<vmem>>, vector<1000x128xf32>,
    return
  }
  func.func @transform_0(%arg0: i32) -> (i32, i32) {
    %c0_i32 = arith.constant 0 : i32
    %c0_i32_0 = arith.constant 0 : i32
    return %arg0, %c0_i32 : i32, i32
  }
  func.func @transform_1(%arg0: i32) -> (i32, i32) {
    %c0_i32 = arith.constant 0 : i32
    %c0_i32_0 = arith.constant 0 : i32
    %c0_i32_1 = arith.constant 0 : i32
    return %c0_i32, %c0_i32_0 : i32, i32
  }
  func.func @transform_2(%arg0: i32) -> (i32, i32) {
    %c0_i32 = arith.constant 0 : i32
    %c0_i32_0 = arith.constant 0 : i32
    return %arg0, %c0_i32 : i32, i32
  }
}

module attributes {stable_mosaic.version = 14 : i64} {
  func.func @_scale_body(%arg0: i32, %arg1: memref<2x1000x1xf32, #tpu.memory_space<vmem>>, %arg2: memref<1000x128xf32, #tpu.memory_space<vmem>>, %arg3: memref<1000x128xf32, #tpu.memory_space<vmem>>) attributes {dimension_semantics = [#tpu.dimension_semantics<arbitrary>], iteration_bounds = array<i64: 10>, scalar_prefetch = 0 : i64, scratch_operands = 0 : i64, tpu.core_type = #tpu.core_type<tc>, window_params = [{transform_indices = @transform_0, window_bounds = array<i64: 2, 1000, 1>}, {transform_indices = @transform_1, window_bounds = array<i64: 1000, 128>}, {transform_indices = @transform_2, window_bounds = array<i64: 1000, 128>}]} {
    %get3A = arith.constant 0 : index
    %get3A_0 = arith.constant 0 : index
    %get3A_1 = vector.load %arg2[%get3A, %get3A_0] : memref<1000x128xf32, #tpu.memory_space<vmem>>, vector<1000x128xf32>
    %get3A_2 = arith.constant 0 : index
    %get3A_3 = arith.constant 0 : index
    %get3A_4 = arith.constant 0 : index
    %get3A_5 = vector.load %arg1[%get3A_2, %get3A_3, %get3A_4] : memref<2x1000x1xf32, #tpu.memory_space<vmem>>, vector<1x1000x1xf32>
    %get3A_6 = vector.shape_cast %get3A_5 : vector<1x1000x1xf32> to vector<1000x1xf32>
    %get3A_7 = arith.constant 1 : index
    %get3A_8 = arith.constant 0 : index
    %get3A_9 = arith.constant 0 : index
    %get3A_10 = vector.load %arg1[%get3A_7, %get3A_8, %get3A_9] : memref<2x1000x1xf32, #tpu.memory_space<vmem>>, vector<1x1000x1xf32>
    %get3A_11 = vector.shape_cast %get3A_10 : vector<1x1000x1xf32> to vector<1000x1xf32>
    %add3A = arith.addf %get3A_6, %get3A_11 : vector<1000x1xf32>
    %add3A_12 = arith.constant 1.000000e+00 : f32
    %add3A_13 = vector.broadcast %add3A_12 : f32 to vector<1000x1xf32>
    %add3A_14 = arith.addf %add3A, %add3A_13 : vector<1000x1xf32>
    %rsqrt3A = math.rsqrt %add3A_14 : vector<1000x1xf32>
    %mul3A = vector.broadcast %rsqrt3A : vector<1000x1xf32> to vector<1000x128xf32>
    %mul3A_15 = arith.mulf %get3A_1, %mul3A : vector<1000x128xf32>
    %swap3A = arith.constant 0 : index
    %swap3A_16 = arith.constant 0 : index
    %swap3A_17 = vector.load %arg3[%swap3A, %swap3A_16] : memref<1000x128xf32, #tpu.memory_space<vmem>>, vector<1000x128xf32>
    tpu.vector_store %arg3[%swap3A, %swap3A_16], %mul3A_15 {strides = array<i32>} : memref<1000x128xf32, #tpu.memory_space<vmem>>, vector<1000x128xf32>,
    return
  }
  func.func @transform_0(%arg0: i32) -> (i32, i32, i32) {
    %c0_i32 = arith.constant 0 : i32
    %c0_i32_0 = arith.constant 0 : i32
    %c0_i32_1 = arith.constant 0 : i32
    return %c0_i32, %arg0, %c0_i32_0 : i32, i32, i32
  }
  func.func @transform_1(%arg0: i32) -> (i32, i32) {
    %c0_i32 = arith.constant 0 : i32
    %c0_i32_0 = arith.constant 0 : i32
    return %arg0, %c0_i32 : i32, i32
  }
  func.func @transform_2(%arg0: i32) -> (i32, i32) {
    %c0_i32 = arith.constant 0 : i32
    %c0_i32_0 = arith.constant 0 : i32
    return %arg0, %c0_i32 : i32, i32
  }
}

module attributes {stable_mosaic.version = 14 : i64} {
  func.func @_mid_body(%arg0: i32, %arg1: memref<2x1000x1xf32, #tpu.memory_space<vmem>>, %arg2: memref<2x1000x128xf32, #tpu.memory_space<vmem>>, %arg3: memref<1000x128xf32, #tpu.memory_space<vmem>>, %arg4: memref<1x128xf32, #tpu.memory_space<vmem>>, %arg5: memref<128x128xf32, #tpu.memory_space<vmem>>, %arg6: memref<1000x128xf32, #tpu.memory_space<vmem>>) attributes {dimension_semantics = [#tpu.dimension_semantics<arbitrary>], iteration_bounds = array<i64: 10>, scalar_prefetch = 0 : i64, scratch_operands = 0 : i64, tpu.core_type = #tpu.core_type<tc>, window_params = [{transform_indices = @transform_0, window_bounds = array<i64: 2, 1000, 1>}, {transform_indices = @transform_1, window_bounds = array<i64: 2, 1000, 128>}, {transform_indices = @transform_2, window_bounds = array<i64: 1000, 128>}, {pipeline_mode = #tpu.pipeline_mode<synchronous>, transform_indices = @transform_3, window_bounds = array<i64: 1, 128>}, {pipeline_mode = #tpu.pipeline_mode<synchronous>, transform_indices = @transform_4, window_bounds = array<i64: 128, 128>}, {transform_indices = @transform_5, window_bounds = array<i64: 1000, 128>}]} {
    %get3A = arith.constant 0 : index
    %get3A_0 = arith.constant 0 : index
    %get3A_1 = arith.constant 0 : index
    %get3A_2 = vector.load %arg1[%get3A, %get3A_0, %get3A_1] : memref<2x1000x1xf32, #tpu.memory_space<vmem>>, vector<1x1000x1xf32>
    %get3A_3 = vector.shape_cast %get3A_2 : vector<1x1000x1xf32> to vector<1000x1xf32>
    %get3A_4 = arith.constant 1 : index
    %get3A_5 = arith.constant 0 : index
    %get3A_6 = arith.constant 0 : index
    %get3A_7 = vector.load %arg1[%get3A_4, %get3A_5, %get3A_6] : memref<2x1000x1xf32, #tpu.memory_space<vmem>>, vector<1x1000x1xf32>
    %get3A_8 = vector.shape_cast %get3A_7 : vector<1x1000x1xf32> to vector<1000x1xf32>
    %add3A = arith.addf %get3A_3, %get3A_8 : vector<1000x1xf32>
    %add3A_9 = arith.constant 1.000000e+00 : f32
    %add3A_10 = vector.broadcast %add3A_9 : f32 to vector<1000x1xf32>
    %add3A_11 = arith.addf %add3A, %add3A_10 : vector<1000x1xf32>
    %rsqrt3A = math.rsqrt %add3A_11 : vector<1000x1xf32>
    %get3A_12 = arith.constant 0 : index
    %get3A_13 = arith.constant 0 : index
    %get3A_14 = arith.constant 0 : index
    %get3A_15 = vector.load %arg2[%get3A_12, %get3A_13, %get3A_14] : memref<2x1000x128xf32, #tpu.memory_space<vmem>>, vector<1x1000x128xf32>
    %get3A_16 = vector.shape_cast %get3A_15 : vector<1x1000x128xf32> to vector<1000x128xf32>
    %get3A_17 = arith.constant 1 : index
    %get3A_18 = arith.constant 0 : index
    %get3A_19 = arith.constant 0 : index
    %get3A_20 = vector.load %arg2[%get3A_17, %get3A_18, %get3A_19] : memref<2x1000x128xf32, #tpu.memory_space<vmem>>, vector<1x1000x128xf32>
    %get3A_21 = vector.shape_cast %get3A_20 : vector<1x1000x128xf32> to vector<1000x128xf32>
    %add3A_22 = arith.addf %get3A_16, %get3A_21 : vector<1000x128xf32>
    %get3A_23 = arith.constant 0 : index
    %get3A_24 = arith.constant 0 : index
    %get3A_25 = vector.load %arg3[%get3A_23, %get3A_24] : memref<1000x128xf32, #tpu.memory_space<vmem>>, vector<1000x128xf32>
    %add3A_26 = arith.addf %add3A_22, %get3A_25 : vector<1000x128xf32>
    %mul3A = vector.broadcast %rsqrt3A : vector<1000x1xf32> to vector<1000x128xf32>
    %mul3A_27 = arith.mulf %add3A_26, %mul3A : vector<1000x128xf32>
    %get3A_28 = arith.constant 0 : index
    %get3A_29 = arith.constant 0 : index
    %get3A_30 = vector.load %arg4[%get3A_28, %get3A_29] : memref<1x128xf32, #tpu.memory_space<vmem>>, vector<1x128xf32>
    %add3A_31 = vector.broadcast %get3A_30 : vector<1x128xf32> to vector<1000x128xf32>
    %add3A_32 = arith.addf %mul3A_27, %add3A_31 : vector<1000x128xf32>
    %max3A = arith.constant 0.000000e+00 : f32
    %max3A_33 = vector.broadcast %max3A : f32 to vector<1000x128xf32>
    %max3A_34 = arith.maximumf %add3A_32, %max3A_33 : vector<1000x128xf32>
    %get3A_35 = arith.constant 0 : index
    %get3A_36 = arith.constant 0 : index
    %get3A_37 = vector.load %arg5[%get3A_35, %get3A_36] : memref<128x128xf32, #tpu.memory_space<vmem>>, vector<128x128xf32>
    %dot_general3A = arith.constant dense<0.000000e+00> : vector<1000x128xf32>
    %dot_general3A_38 = tpu.matmul %max3A_34, %get3A_37, %dot_general3A {dimension_numbers = #tpu.dot_dimension_numbers<[1], [0], [0], [1], [0, 0, 1, 1], [], []>, transpose_lhs_hint = false} : vector<1000x128xf32>, vector<128x128xf32>, vector<1000x128xf32> -> vector<1000x128xf32>
    %mul3A_39 = vector.broadcast %rsqrt3A : vector<1000x1xf32> to vector<1000x128xf32>
    %mul3A_40 = arith.mulf %dot_general3A_38, %mul3A_39 : vector<1000x128xf32>
    %swap3A = arith.constant 0 : index
    %swap3A_41 = arith.constant 0 : index
    %swap3A_42 = vector.load %arg6[%swap3A, %swap3A_41] : memref<1000x128xf32, #tpu.memory_space<vmem>>, vector<1000x128xf32>
    tpu.vector_store %arg6[%swap3A, %swap3A_41], %mul3A_40 {strides = array<i32>} : memref<1000x128xf32, #tpu.memory_space<vmem>>, vector<1000x128xf32>,
    return
  }
  func.func @transform_0(%arg0: i32) -> (i32, i32, i32) {
    %c0_i32 = arith.constant 0 : i32
    %c0_i32_0 = arith.constant 0 : i32
    %c0_i32_1 = arith.constant 0 : i32
    return %c0_i32, %arg0, %c0_i32_0 : i32, i32, i32
  }
  func.func @transform_1(%arg0: i32) -> (i32, i32, i32) {
    %c0_i32 = arith.constant 0 : i32
    %c0_i32_0 = arith.constant 0 : i32
    %c0_i32_1 = arith.constant 0 : i32
    return %c0_i32, %arg0, %c0_i32_0 : i32, i32, i32
  }
  func.func @transform_2(%arg0: i32) -> (i32, i32) {
    %c0_i32 = arith.constant 0 : i32
    %c0_i32_0 = arith.constant 0 : i32
    return %arg0, %c0_i32 : i32, i32
  }
  func.func @transform_3(%arg0: i32) -> (i32, i32) {
    %c0_i32 = arith.constant 0 : i32
    %c0_i32_0 = arith.constant 0 : i32
    %c0_i32_1 = arith.constant 0 : i32
    return %c0_i32, %c0_i32_0 : i32, i32
  }
  func.func @transform_4(%arg0: i32) -> (i32, i32) {
    %c0_i32 = arith.constant 0 : i32
    %c0_i32_0 = arith.constant 0 : i32
    %c0_i32_1 = arith.constant 0 : i32
    return %c0_i32, %c0_i32_0 : i32, i32
  }
  func.func @transform_5(%arg0: i32) -> (i32, i32) {
    %c0_i32 = arith.constant 0 : i32
    %c0_i32_0 = arith.constant 0 : i32
    return %arg0, %c0_i32 : i32, i32
  }
}

module attributes {stable_mosaic.version = 14 : i64} {
  func.func @_fin_body(%arg0: i32, %arg1: memref<2x1000x1xf32, #tpu.memory_space<vmem>>, %arg2: memref<2x1000x128xf32, #tpu.memory_space<vmem>>, %arg3: memref<1000x128xf32, #tpu.memory_space<vmem>>, %arg4: memref<1x128xf32, #tpu.memory_space<vmem>>, %arg5: memref<128x128xf32, #tpu.memory_space<vmem>>, %arg6: memref<1x128xf32, #tpu.memory_space<vmem>>, %arg7: memref<128x128xf32, #tpu.memory_space<vmem>>, %arg8: memref<1x128xf32, #tpu.memory_space<vmem>>, %arg9: memref<1000x128xf32, #tpu.memory_space<vmem>>) attributes {dimension_semantics = [#tpu.dimension_semantics<arbitrary>], iteration_bounds = array<i64: 10>, scalar_prefetch = 0 : i64, scratch_operands = 0 : i64, tpu.core_type = #tpu.core_type<tc>, window_params = [{transform_indices = @transform_0, window_bounds = array<i64: 2, 1000, 1>}, {transform_indices = @transform_1, window_bounds = array<i64: 2, 1000, 128>}, {transform_indices = @transform_2, window_bounds = array<i64: 1000, 128>}, {pipeline_mode = #tpu.pipeline_mode<synchronous>, transform_indices = @transform_3, window_bounds = array<i64: 1, 128>}, {pipeline_mode = #tpu.pipeline_mode<synchronous>, transform_indices = @transform_4, window_bounds = array<i64: 128, 128>}, {pipeline_mode = #tpu.pipeline_mode<synchronous>, transform_indices = @transform_5, window_bounds = array<i64: 1, 128>}, {pipeline_mode = #tpu.pipeline_mode<synchronous>, transform_indices = @transform_6, window_bounds = array<i64: 128, 128>}, {pipeline_mode = #tpu.pipeline_mode<synchronous>, transform_indices = @transform_7, window_bounds = array<i64: 1, 128>}, {transform_indices = @transform_8, window_bounds = array<i64: 1000, 128>}]} {
    %get3A = arith.constant 0 : index
    %get3A_0 = arith.constant 0 : index
    %get3A_1 = arith.constant 0 : index
    %get3A_2 = vector.load %arg1[%get3A, %get3A_0, %get3A_1] : memref<2x1000x1xf32, #tpu.memory_space<vmem>>, vector<1x1000x1xf32>
    %get3A_3 = vector.shape_cast %get3A_2 : vector<1x1000x1xf32> to vector<1000x1xf32>
    %get3A_4 = arith.constant 1 : index
    %get3A_5 = arith.constant 0 : index
    %get3A_6 = arith.constant 0 : index
    %get3A_7 = vector.load %arg1[%get3A_4, %get3A_5, %get3A_6] : memref<2x1000x1xf32, #tpu.memory_space<vmem>>, vector<1x1000x1xf32>
    %get3A_8 = vector.shape_cast %get3A_7 : vector<1x1000x1xf32> to vector<1000x1xf32>
    %add3A = arith.addf %get3A_3, %get3A_8 : vector<1000x1xf32>
    %add3A_9 = arith.constant 1.000000e+00 : f32
    %add3A_10 = vector.broadcast %add3A_9 : f32 to vector<1000x1xf32>
    %add3A_11 = arith.addf %add3A, %add3A_10 : vector<1000x1xf32>
    %rsqrt3A = math.rsqrt %add3A_11 : vector<1000x1xf32>
    %get3A_12 = arith.constant 0 : index
    %get3A_13 = arith.constant 0 : index
    %get3A_14 = arith.constant 0 : index
    %get3A_15 = vector.load %arg2[%get3A_12, %get3A_13, %get3A_14] : memref<2x1000x128xf32, #tpu.memory_space<vmem>>, vector<1x1000x128xf32>
    %get3A_16 = vector.shape_cast %get3A_15 : vector<1x1000x128xf32> to vector<1000x128xf32>
    %get3A_17 = arith.constant 1 : index
    %get3A_18 = arith.constant 0 : index
    %get3A_19 = arith.constant 0 : index
    %get3A_20 = vector.load %arg2[%get3A_17, %get3A_18, %get3A_19] : memref<2x1000x128xf32, #tpu.memory_space<vmem>>, vector<1x1000x128xf32>
    %get3A_21 = vector.shape_cast %get3A_20 : vector<1x1000x128xf32> to vector<1000x128xf32>
    %add3A_22 = arith.addf %get3A_16, %get3A_21 : vector<1000x128xf32>
    %get3A_23 = arith.constant 0 : index
    %get3A_24 = arith.constant 0 : index
    %get3A_25 = vector.load %arg3[%get3A_23, %get3A_24] : memref<1000x128xf32, #tpu.memory_space<vmem>>, vector<1000x128xf32>
    %add3A_26 = arith.addf %add3A_22, %get3A_25 : vector<1000x128xf32>
    %mul3A = vector.broadcast %rsqrt3A : vector<1000x1xf32> to vector<1000x128xf32>
    %mul3A_27 = arith.mulf %add3A_26, %mul3A : vector<1000x128xf32>
    %get3A_28 = arith.constant 0 : index
    %get3A_29 = arith.constant 0 : index
    %get3A_30 = vector.load %arg4[%get3A_28, %get3A_29] : memref<1x128xf32, #tpu.memory_space<vmem>>, vector<1x128xf32>
    %add3A_31 = vector.broadcast %get3A_30 : vector<1x128xf32> to vector<1000x128xf32>
    %add3A_32 = arith.addf %mul3A_27, %add3A_31 : vector<1000x128xf32>
    %max3A = arith.constant 0.000000e+00 : f32
    %max3A_33 = vector.broadcast %max3A : f32 to vector<1000x128xf32>
    %max3A_34 = arith.maximumf %add3A_32, %max3A_33 : vector<1000x128xf32>
    %get3A_35 = arith.constant 0 : index
    %get3A_36 = arith.constant 0 : index
    %get3A_37 = vector.load %arg5[%get3A_35, %get3A_36] : memref<128x128xf32, #tpu.memory_space<vmem>>, vector<128x128xf32>
    %dot_general3A = arith.constant dense<0.000000e+00> : vector<1000x128xf32>
    %dot_general3A_38 = tpu.matmul %max3A_34, %get3A_37, %dot_general3A {dimension_numbers = #tpu.dot_dimension_numbers<[1], [0], [0], [1], [0, 0, 1, 1], [], []>, transpose_lhs_hint = false} : vector<1000x128xf32>, vector<128x128xf32>, vector<1000x128xf32> -> vector<1000x128xf32>
    %get3A_39 = arith.constant 0 : index
    %get3A_40 = arith.constant 0 : index
    %get3A_41 = vector.load %arg6[%get3A_39, %get3A_40] : memref<1x128xf32, #tpu.memory_space<vmem>>, vector<1x128xf32>
    %add3A_42 = vector.broadcast %get3A_41 : vector<1x128xf32> to vector<1000x128xf32>
    %add3A_43 = arith.addf %dot_general3A_38, %add3A_42 : vector<1000x128xf32>
    %get3A_44 = arith.constant 0 : index
    %get3A_45 = arith.constant 0 : index
    %get3A_46 = vector.load %arg7[%get3A_44, %get3A_45] : memref<128x128xf32, #tpu.memory_space<vmem>>, vector<128x128xf32>
    %dot_general3A_47 = arith.constant dense<0.000000e+00> : vector<1000x128xf32>
    %dot_general3A_48 = tpu.matmul %add3A_43, %get3A_46, %dot_general3A_47 {dimension_numbers = #tpu.dot_dimension_numbers<[1], [0], [0], [1], [0, 0, 1, 1], [], []>, transpose_lhs_hint = false} : vector<1000x128xf32>, vector<128x128xf32>, vector<1000x128xf32> -> vector<1000x128xf32>
    %get3A_49 = arith.constant 0 : index
    %get3A_50 = arith.constant 0 : index
    %get3A_51 = vector.load %arg8[%get3A_49, %get3A_50] : memref<1x128xf32, #tpu.memory_space<vmem>>, vector<1x128xf32>
    %add3A_52 = vector.broadcast %get3A_51 : vector<1x128xf32> to vector<1000x128xf32>
    %add3A_53 = arith.addf %dot_general3A_48, %add3A_52 : vector<1000x128xf32>
    %reduce_max3A = arith.constant dense<0xFF800000> : vector<1000xf32>
    %reduce_max3A_54 = vector.multi_reduction <maximumf>, %add3A_53, %reduce_max3A [1] : vector<1000x128xf32> to vector<1000xf32>
    %broadcast_in_dim3A = vector.shape_cast %reduce_max3A_54 : vector<1000xf32> to vector<1000x1xf32>
    %sub3A = vector.broadcast %broadcast_in_dim3A : vector<1000x1xf32> to vector<1000x128xf32>
    %sub3A_55 = arith.subf %add3A_53, %sub3A : vector<1000x128xf32>
    %exp3A = math.exp %sub3A_55 : vector<1000x128xf32>
    %sub3A_56 = vector.broadcast %broadcast_in_dim3A : vector<1000x1xf32> to vector<1000x128xf32>
    %sub3A_57 = arith.subf %add3A_53, %sub3A_56 : vector<1000x128xf32>
    %reduce_sum3A = arith.constant dense<0.000000e+00> : vector<1000xf32>
    %reduce_sum3A_58 = vector.multi_reduction <add>, %exp3A, %reduce_sum3A [1] : vector<1000x128xf32> to vector<1000xf32>
    %broadcast_in_dim3A_59 = vector.shape_cast %reduce_sum3A_58 : vector<1000xf32> to vector<1000x1xf32>
    %log3A = math.log %broadcast_in_dim3A_59 : vector<1000x1xf32>
    %sub3A_60 = vector.broadcast %log3A : vector<1000x1xf32> to vector<1000x128xf32>
    %sub3A_61 = arith.subf %sub3A_57, %sub3A_60 : vector<1000x128xf32>
    %swap3A = arith.constant 0 : index
    %swap3A_62 = arith.constant 0 : index
    %swap3A_63 = vector.load %arg9[%swap3A, %swap3A_62] : memref<1000x128xf32, #tpu.memory_space<vmem>>, vector<1000x128xf32>
    tpu.vector_store %arg9[%swap3A, %swap3A_62], %sub3A_61 {strides = array<i32>} : memref<1000x128xf32, #tpu.memory_space<vmem>>, vector<1000x128xf32>,
    return
  }
  func.func @transform_0(%arg0: i32) -> (i32, i32, i32) {
    %c0_i32 = arith.constant 0 : i32
    %c0_i32_0 = arith.constant 0 : i32
    %c0_i32_1 = arith.constant 0 : i32
    return %c0_i32, %arg0, %c0_i32_0 : i32, i32, i32
  }
  func.func @transform_1(%arg0: i32) -> (i32, i32, i32) {
    %c0_i32 = arith.constant 0 : i32
    %c0_i32_0 = arith.constant 0 : i32
    %c0_i32_1 = arith.constant 0 : i32
    return %c0_i32, %arg0, %c0_i32_0 : i32, i32, i32
  }
  func.func @transform_2(%arg0: i32) -> (i32, i32) {
    %c0_i32 = arith.constant 0 : i32
    %c0_i32_0 = arith.constant 0 : i32
    return %arg0, %c0_i32 : i32, i32
  }
  func.func @transform_3(%arg0: i32) -> (i32, i32) {
    %c0_i32 = arith.constant 0 : i32
    %c0_i32_0 = arith.constant 0 : i32
    %c0_i32_1 = arith.constant 0 : i32
    return %c0_i32, %c0_i32_0 : i32, i32
  }
  func.func @transform_4(%arg0: i32) -> (i32, i32) {
    %c0_i32 = arith.constant 0 : i32
    %c0_i32_0 = arith.constant 0 : i32
    %c0_i32_1 = arith.constant 0 : i32
    return %c0_i32, %c0_i32_0 : i32, i32
  }
  func.func @transform_5(%arg0: i32) -> (i32, i32) {
    %c0_i32 = arith.constant 0 : i32
    %c0_i32_0 = arith.constant 0 : i32
    %c0_i32_1 = arith.constant 0 : i32
    return %c0_i32, %c0_i32_0 : i32, i32
  }
  func.func @transform_6(%arg0: i32) -> (i32, i32) {
    %c0_i32 = arith.constant 0 : i32
    %c0_i32_0 = arith.constant 0 : i32
    %c0_i32_1 = arith.constant 0 : i32
    return %c0_i32, %c0_i32_0 : i32, i32
  }
  func.func @transform_7(%arg0: i32) -> (i32, i32) {
    %c0_i32 = arith.constant 0 : i32
    %c0_i32_0 = arith.constant 0 : i32
    %c0_i32_1 = arith.constant 0 : i32
    return %c0_i32, %c0_i32_0 : i32, i32
  }
  func.func @transform_8(%arg0: i32) -> (i32, i32) {
    %c0_i32 = arith.constant 0 : i32
    %c0_i32_0 = arith.constant 0 : i32
    return %arg0, %c0_i32 : i32, i32
  }
}

</mosaic_0001>

<sc_bundles>
// kernel: kernel.12.cloned.1.call-start
scs
__scs_entry_jumppad:
0x0: {  	(pc) =	sbr.rel $0x88, $3  }
0x1: {  	(tag) =	ssettag $0x0;
	lr =	simm.s32 $0x1  }
0x2: {  	[smem:$0x3F97] =	sst lr;
	_ =	strace $0xD0000000  }
0x3: {  	_ = 	snop  }
0x4: {  	_ = 	snop  }
0x5: {  	_ = 	snop  }
0x6: {  	_ = 	snop  }
0x7: {  	_ = 	snop  }
__scs_overlays_trampoline_lowered:
0x8: {  	[smem:$0x3FA6] =	sst s0  }
0x9: {  	[smem:$0x3FA7] =	sst s1  }
0xa: {  	[smem:$0x3FA8] =	sst s2  }
0xb: {  	[smem:$0x3FA9] =	sst s3  }
0xc: {  	[smem:$0x3FAA] =	sst s4  }
0xd: {  	[smem:$0x3FAB] =	sst s5  }
0xe: {  	[smem:$0x3FAC] =	sst s6  }
0xf: {  	[smem:$0x3FAD] =	sst s7  }
0x10: {  	[smem:$0x3FAE] =	sst s8  }
0x11: {  	[smem:$0x3FAF] =	sst s9;
	s0 =	simm.s32 @!p0 $0x0  }
0x12: {  	s1 =	sld [smem:$0x3F95];
	s0 =	simm.s32 @p0 $0x1  }
0x13: {  	[smem:$0x3FB0] =	sst s0;
	s0 =	simm.s32 @!p1 $0x0  }
0x14: {  	s2 =	sld [smem:$0x3F94];
	s0 =	simm.s32 @p1 $0x1  }
0x15: {  	[smem:$0x3FB1] =	sst s0;
	s0 =	simm.s32 @!p2 $0x0  }
0x16: {  	s3 =	sld [smem:$0x3FDB];
	s0 =	simm.s32 @p2 $0x1  }
0x17: {  	s4 =	simm.s32 $0x1BF5;
	[smem:$0x3FB3] =	sst s0  }
0x18: {  	s0 =	sld [smem:$0x3F96];
	_ =	swait.ge [sflag:s4], $0x0  }
0x19: {  	s7 =	sld [smem:$0x3F97]  }
0x1a: {  	s8 =	sadd.s32 $0xFFFFE003, lr  }
0x1b: {  	s9 =	sadd.s32 $0xFFFFFEF7, lr;
	s5 =	simm.s32 $0xFFFFFFFF;
	p2 =	slt.u32 s8, $0xFFFFF086  }
0x1c: {  	p1 =	slt.u32 s9, $0xF7A;
	s5 =	simm.s32 @!p2 $0x0  }
0x1d: {  	s5 =	simm.s32 @p1 $0x1;
	p0 =	seq.s32 s7, s2  }
0x1e: {  	s7 =	smul.u32 @!p0 $0xF7A, s2;
	p2 =	seq.s32 @!p0 s5, $0x0  }
0x1f: {  	s9 =	smul.u32 $0xF7A, s1;
	s8 =	simm.s32 @!p0 $0x1BF5;
	p2 =	por !p2, p0  }
0x20: {  	[sflag:s8] =	ssyncset.s32 @!p0 $0xFFFFF086;
	s6 =	sadd.s32 @!p0 s3, s7;
	s7 =	simm.s32 @!p0 $0x108  }
0x21: {  	s3 =	sadd.s32 s3, s9;
	s6 =	sadd.s32 @!p0 $0x88, s6;
	s7 =	simm.s32 @p2 $0x1082  }
0x22: {  	[simem:s7], [sflag:s8] =	dma.local @!p0 [hbm:s6], $0xF7A  }
0x23: {  	s9 =	sor.u32 $0xD0000000, s2;
	s6 =	simm.s32 $0x108;
	_ =	swait.ge @!p0 [sflag:s8], $0x0  }
0x24: {  	s3 =	sadd.s32 $0x88, s3;
	s6 =	simm.s32 @!p1 $0x1082;
	[sflag:s4] =	ssyncset.s32 $0xFFFFF086  }
0x25: {  	[simem:s6], [sflag:s4] =	dma.local [hbm:s3], $0xF7A  }
0x26: {  	[smem:$0x3F97] =	sst s1;
	(tag) =	ssettag s2;
	_ =	strace s9  }
0x27: {  	s1 =	sld [smem:$0x3FA7]  }
0x28: {  	s2 =	sld [smem:$0x3FA8]  }
0x29: {  	s4 =	sld [smem:$0x3FAA]  }
0x2a: {  	p0 =	seq.s32 s5, $0x0;
	s5 =	sld [smem:$0x3FAB]  }
0x2b: {  	s6 =	sld [smem:$0x3FAC]  }
0x2c: {  	s7 =	sld [smem:$0x3FAD]  }
0x2d: {  	s3 =	simm.s32 $0x108;
	s8 =	sld [smem:$0x3FAE]  }
0x2e: {  	s3 =	simm.s32 @!p0 $0x1082;
	s9 =	sld [smem:$0x3FAF]  }
0x2f: {  	lr =	sadd.s32 s0, s3;
	s0 =	sld [smem:$0x3FA6]  }
0x30: {  	s3 =	sld [smem:$0x3FA9]  }
0x31: {  	[smem:$0x3FB2] =	sst s10  }
0x32: {  	s10 =	sld [smem:$0x3FB0];
	_ =	sdelay $0x3  }
0x33: {  	p0 =	seq.s32 s10, $0x1;
	s10 =	sld [smem:$0x3FB2];
	_ =	sdelay $0x3  }
0x34: {  	[smem:$0x3FB2] =	sst s10  }
0x35: {  	s10 =	sld [smem:$0x3FB1];
	_ =	sdelay $0x3  }
0x36: {  	p1 =	seq.s32 s10, $0x1;
	s10 =	sld [smem:$0x3FB2];
	_ =	sdelay $0x3  }
0x37: {  	[smem:$0x3FB2] =	sst s10  }
0x38: {  	s10 =	sld [smem:$0x3FB3]  }
0x39: {  	_ = 	snop;
	(pc) =	sbr.ind lr, $3  }
0x3a: {  	_ = 	snop  }
0x3b: {  	_ = 	snop  }
0x3c: {  	p2 =	seq.s32 s10, $0x1;
	s10 =	sld [smem:$0x3FB2]  }
0x3d: {  	_ =	shalt  }
0x3e: {  	_ =	shalt  }
0x3f: {  	_ =	shalt  }
0x40: {  	_ =	shalt  }
0x41: {  	_ =	shalt  }
0x42: {  	_ =	shalt  }
0x43: {  	_ =	shalt  }
0x44: {  	_ =	shalt  }
0x45: {  	_ =	shalt  }
0x46: {  	_ =	shalt  }
0x47: {  	_ =	shalt  }
0x48: {  	_ =	shalt  }
0x49: {  	_ =	shalt  }
0x4a: {  	_ =	shalt  }
0x4b: {  	_ =	shalt  }
0x4c: {  	_ =	shalt  }
0x4d: {  	_ =	shalt  }
0x4e: {  	_ =	shalt  }
0x4f: {  	_ =	shalt  }
0x50: {  	_ =	shalt  }
0x51: {  	_ =	shalt  }
0x52: {  	_ =	shalt  }
0x53: {  	_ =	shalt  }
0x54: {  	_ =	shalt  }
0x55: {  	_ =	shalt  }
0x56: {  	_ =	shalt  }
0x57: {  	_ =	shalt  }
0x58: {  	_ =	shalt  }
0x59: {  	_ =	shalt  }
0x5a: {  	_ =	shalt  }
0x5b: {  	_ =	shalt  }
0x5c: {  	_ =	shalt  }
0x5d: {  	_ =	shalt  }
0x5e: {  	_ =	shalt  }
0x5f: {  	_ =	shalt  }
0x60: {  	_ =	shalt  }
0x61: {  	_ =	shalt  }
0x62: {  	_ =	shalt  }
0x63: {  	_ =	shalt  }
0x64: {  	_ =	shalt  }
0x65: {  	_ =	shalt  }
0x66: {  	_ =	shalt  }
0x67: {  	_ =	shalt  }
0x68: {  	_ =	shalt  }
0x69: {  	_ =	shalt  }
0x6a: {  	_ =	shalt  }
0x6b: {  	_ =	shalt  }
0x6c: {  	_ =	shalt  }
0x6d: {  	_ =	shalt  }
0x6e: {  	_ =	shalt  }
0x6f: {  	_ =	shalt  }
0x70: {  	_ =	shalt  }
0x71: {  	_ =	shalt  }
0x72: {  	_ =	shalt  }
0x73: {  	_ =	shalt  }
0x74: {  	_ =	shalt  }
0x75: {  	_ =	shalt  }
0x76: {  	_ =	shalt  }
0x77: {  	_ =	shalt  }
0x78: {  	_ =	shalt  }
0x79: {  	_ =	shalt  }
0x7a: {  	_ =	shalt  }
0x7b: {  	_ =	shalt  }
0x7c: {  	_ =	shalt  }
0x7d: {  	_ =	shalt  }
0x7e: {  	_ =	shalt  }
0x7f: {  	_ =	shalt  }
0x80: {  	_ =	shalt  }
0x81: {  	_ =	shalt  }
0x82: {  	_ =	shalt  }
0x83: {  	_ =	shalt  }
0x84: {  	_ =	shalt  }
0x85: {  	_ =	shalt  }
0x86: {  	_ =	shalt  }
0x87: {  	_ =	shalt  }
.Lfunc_end0:
.L_simem_size_0:
called_computation.1_lowered:
.L_overlay_start_0:
0x88: {  	s2 =	sld [smem:$0x3FD9]  }
0x89: {  	s3 =	sld [smem:$0x3FFE];
	_ =	sdelay $0x1  }
0x8a: {  	s1 =	srdreg.scid  }
0x8b: {  	s0 =	sand.u32 $0x1, s1  }
0x8c: {  	s17 =	sshll.u32 s0, $0xA;
	s2 =	sadd.s32 s3, s2  }
0x8d: {  	s2 =	sadd.s32 s2, s17  }
0x8e: {  	[smem:$0x3FBE] =	sst s2  }
0x8f: {  	_ = 	snop  }
0x90: {  	s2 =	sld [smem:$0x3FD0];
	(tm) =	ssettm $0x1  }
0x91: {  	s18 =	sld [smem:$0x3FFB];
	_ =	sdelay $0x3  }
0x92: {  	_ =	strace s18  }
0x93: {  	s3 =	sld [smem:$0x3FFC];
	_ =	sdelay $0x3  }
0x94: {  	_ =	strace s3  }
0x95: {  	s3 =	sld [smem:$0x3FFD];
	_ =	sdelay $0x3  }
0x96: {  	_ =	strace s3  }
0x97: {  	_ =	strace $0x8FFFFFFF  }
0x98: {  	s19 =	sld [smem:$0x3FDB];
	_ =	sdelay $0x1  }
0x99: {  	s4 =	simm.s32 $_scs_section_size  }
0x9a: {  	s5 =	simm.s32 $_size__tile_overlayer_lowered;
	s6 =	simm.s32 $_tile_overlayer_lowered  }
0x9b: {  	s22 =	simm.s32 $0x1BFF;
	s21 =	sshll.u32 s6, $0x1;
	s3 =	sadd.s32 s4, s19  }
0x9c: {  	s7 =	simm.s32 $0x0;
	s20 =	sshll.u32 s5, $0x1;
	s5 =	sadd.s32 s21, s3  }
0x9d: {  	[timem:s7], [sflag:s22] =	dma.local [hbm:s5], s20  }
0x9e: {  	_ =	swait.ge [sflag:s22], s20  }
0x9f: {  	s4 =	ssub.s32 $0x0, s20;
	[sflag:s22] =	ssyncset.done $0x0  }
0xa0: {  	[sflag:s22] =	ssyncadd.s32 s4;
	_ =	sdelay $0x1  }
0xa1: {  	s23 =	simm.s32 $0x1B8B  }
0xa2: {  	_ =	swait.ge [sflag:s23], $0x1  }
0xa3: {  	[sflag:s23] =	ssyncset.done $0x0  }
0xa4: {  	s25 =	simm.s32 $0x1B8E;
	s24 =	sld [smem:$0x3FFE];
	[sflag:s23] =	ssyncadd.s32 $0xFFFFFFFF  }
0xa5: {  	s26 =	simm.s32 $execute0_lowered;
	[smem:$0x3FD2] =	sst s25  }
0xa6: {  	s5 =	sshll.u32 s26, $0x1;
	_ =	strace $0x80000049;
	[dreg:$0x1] =	wrdreg $0xFFFFFFFF  }
0xa7: {  	s28 =	simm.s32 $_size_execute0_lowered;
	s3 =	sadd.s32 s3, s5;
	[dreg:$0x0] =	wrdreg $0x0  }
0xa8: {  	s5 =	sshll.u32 s28, $0x1;
	[dreg:$0x2] =	wrdreg s3  }
0xa9: {  	[dreg:$0x3] =	wrdreg s5  }
0xaa: {  	[dreg:$0x4] =	wrdreg $0xC0  }
0xab: {  	_ =	task [dreg:s7], $0x5FFFF  }
0xac: {  	[dreg:$0x1] =	wrdreg $0xFFFFFFFF  }
0xad: {  	[dreg:$0x0] =	wrdreg $0x60  }
0xae: {  	[dreg:$0x2] =	wrdreg s2  }
0xaf: {  	[dreg:$0x3] =	wrdreg s24  }
0xb0: {  	[dreg:$0x4] =	wrdreg $0x90000  }
0xb1: {  	[dreg:$0x5] =	wrdreg $0x9  }
0xb2: {  	_ =	task.clear_ibuf [dreg:s7], $0x6FFFF;
	_ =	strace $0x90000049  }
0xb3: {  	s29 =	simm.s32 $0x9;
	_ =	strace $0x8000004B  }
0xb4: {  	_ =	swait.ge [sflag:s29], $0x1  }
0xb5: {  	[sflag:s29] =	ssyncadd.s32 $0xFFFFFFFF  }
0xb6: {  	_ =	strace $0x9000004B  }
0xb7: {  	_ =	sfence  }
0xb8: {  	s30 =	sld [smem:$0x0];
	_ =	sdelay $0x2  }
0xb9: {  	s31 =	sshll.u32 s1, $0xD;
	s1 =	sshrl.u32 s1, $0x2  }
0xba: {  	s3 =	sand.u32 $0x4000, s31;
	s1 =	sadd.s32 s1, s30  }
0xbb: {  	s0 =	sor.u32 s3, s0;
	s1 =	sshll.u32 s1, $0x11  }
0xbc: {  	s0 =	sor.u32 s1, s0  }
0xbd: {  	s0 =	sadd.s32 $0x8F2B, s0  }
0xbe: {  	[sflag:s0] =	ssyncadd.remote.s32 $0x1  }
0xbf: {  	_ =	sfence.sel $0xFFFF  }
0xc0: {  	[dreg:$0x0] =	wrdreg $0xFFFFFFFF;
	(pc) =	sbr.abs _section_cstart, $3  }
0xc1: {  	[dreg:$0x1] =	wrdreg $0xFFFFFFFF  }
0xc2: {  	_ =	task.clear_ibuf [dreg:s7], $0x2FFFF;
	_ =	strace $0x9FFFFFFF  }
0xc3: {  	(tm) =	ssettm $0x7FFFFFFF  }
tec
execute0_lowered:
.L_overlay_start_1:
0x0: {  	(tag) =	ssettag $0x1  }
0x1: {  	s1 =	rddreg [dreg:$0x0]  }
0x2: {  	s0 =	rddreg [dreg:$0x1]  }
0x3: {  	s2 =	rddreg [dreg:$0x2];
	s3 =	srdreg.scid  }
0x4: {  	s4 =	simm.s32 $0x0;
	s12 =	stileid.u32;
	s31 =	simm.s32 $0x7  }
0x5: {  	s28 =	simm.s32 $0x3;
	s30 =	simm.s32 $0x2;
	s6 =	smul.u32 $0x14000, s12  }
0x6: {  	s3 =	sand.u32 $0x1, s3;
	[smem:$0x7FF] =	sst s4;
	s10 =	smul.u32 $0x50000, s12  }
0x7: {  	s7 =	sadd.s32 $0x5CC00, s0;
	s8 =	sadd.s32 $0x2C00, s0;
	s23 =	smul.u32 $0x500, s12  }
0x8: {  	s5 =	smul.u32 $0x140000, s3;
	_ =	strace $0x8000004A;
	s11 =	sshll.u32 s3, $0x4  }
0x9: {  	s9 =	ssub.s32 $0x2, s3;
	s20 =	smul.u32 $0x5000, s3;
	s3 =	simm.s32 $0xC00  }
0xa: {  	s14 =	sshrl.u32 s10, $0x2;
	s10 =	simm.s32 $0x680;
	s5 =	sadd.s32 s6, s5  }
0xb: {  	s6 =	sor.u32 s12, s11;
	s11 =	sshrl.u32 s9, $0x1;
	s29 =	sadd.s32 s14, s2  }
0xc: {  	s25 =	sadd.s32 s20, s7;
	s12 =	simm.s32 $0x700;
	s14 =	simm.s32 $0x780  }
0xd: {  	s5 =	sshrl.u32 s5, $0x3;
	s17 =	sadd.s32 $0x2800, s29;
	[dreg:$0x6] =	wrdreg s29  }
0xe: {  	s6 =	smul.u32 $0x500, s6;
	s18 =	sadd.s32 $0x5000, s29;
	[dreg:$0x9] =	wrdreg s17  }
0xf: {  	s13 =	ssub.s32 s9, s11;
	s19 =	sadd.s32 $0x7800, s29;
	[dreg:$0xa] =	wrdreg s18  }
0x10: {  	s21 =	sadd.s32 $0xA000, s29;
	s22 =	sadd.s32 $0xC800, s29;
	[dreg:$0xb] =	wrdreg s19  }
0x11: {  	s24 =	sadd.s32 $0xF000, s29;
	s26 =	sadd.s32 $0x11800, s29;
	[dreg:$0xc] =	wrdreg s21  }
0x12: {  	s9 =	simm.s32 $0xD80;
	s11 =	simm.s32 $0xE00;
	[dreg:$0xd] =	wrdreg s22  }
0x13: {  	s0 =	sadd.s32 s5, s0;
	s16 =	smax.u32 s13, $0x1;
	[dreg:$0xe] =	wrdreg s24  }
0x14: {  	[dreg:$0xf] =	wrdreg s26;
	s17 =	sadd.s32 s23, s25;
	s19 =	simm.s32 $0x1000  }
0x15: {  	s22 =	simm.s32 $0x5;
	s25 =	simm.s32 $0x5000;
	s26 =	simm.s32 $0x1  }
0x16: {  	s5 =	simm.s32 $0x4;
	s21 =	simm.s32 $0x580;
	s13 =	simm.s32 $0xE80  }
0x17: {  	s24 =	simm.s32 $0x0;
	s15 =	sadd.s32 s7, s6;
	[dreg:$0x8] =	wrdreg s16  }
.Ltmp0:
0x18: {  	s6 =	sadd.s32 s8, s6;
	[dreg:$0x4] =	wrdreg s15;
	(pc) =	sbr.rel .LBB2_1-.Ltmp0, $4  }
0x19: {  	s0 =	sadd.s32 $0xCC00, s0;
	s7 =	simm.s32 $0x6;
	[dreg:$0x5] =	wrdreg s6  }
0x1a: {  	s16 =	simm.s32 $0xF80;
	[dreg:$0x7] =	wrdreg s0;
	s0 =	sadd.s32 s20, s8  }
0x1b: {  	s6 =	simm.s32 $0xD00;
	s8 =	simm.s32 $0x600;
	s15 =	simm.s32 $0xF00  }
0x1c: {  	v0 =	vimm.f32 $0.0e+00;
	s18 =	sadd.s32 s23, s0;
	s23 =	simm.s32 $0x7D;
	s0 =	simm.s32 $0x400  }
.LBB2_6:
0x1d: {  	_ =	swait.ge [sflag:s30], $0x3E80  }
0x1e: {  	[sflag:s30] =	ssyncset.done $0x0  }
0x1f: {  	[sflag:s30] =	ssyncadd.s32 $0xFFFFC180  }
0x20: {  	[spmem:s2] =	stream.indirect.scatter.add.f32 [tilespmem:s25], [sflag:$0x4], $0x80, s16, s23, $0xb8;
	[tilespmem:$0x1D000] =	vst v63  }
0x21: {  	_ =	swait.ge [sflag:s5], $0x3E80  }
0x22: {  	[sflag:s5] =	ssyncset.done $0x0  }
0x23: {  	[sflag:s5] =	ssyncadd.s32 $0xFFFFC180  }
0x24: {  	s20 =	stileid.u32;
	[bflag:$0x0] =	sbarrier.arrive $0xFFFF  }
0x25: {  	s20 =	sshll.u32 s20, $0x6;
	s29 =	rddreg [dreg:$0x6]  }
0x26: {  	s20 =	sor.u32 $0x1C07, s20;
	s31 =	rddreg [dreg:$0x7];
	s24 =	sshrl.u32 s29, $0x3  }
0x27: {  	[hbm:s31], [sflag:s20] =	dma.local [spmem:s24], $0x2800  }
0x28: {  	s31 =	simm.s32 $0x7  }
0x29: {  	_ =	swait.ge [sflag:s31], $0x2800  }
0x2a: {  	s20 =	rddreg [dreg:$0x10]  }
0x2b: {  	s24 =	sadd.s32 $0x1, s20;
	s20 =	rddreg [dreg:$0x8]  }
0x2c: {  	p0 =	sne.s32 s24, s20  }
.Ltmp1:
0x2d: {  	_ = 	snop;
	(pc) =	sbr.rel @!p0 .LBB2_7-.Ltmp1, $3  }
0x2e: {  	_ =	sdelay $0x1  }
0x2f: {  	[sflag:s31] =	ssyncset.done $0x0  }
0x30: {  	[sflag:s31] =	ssyncadd.s32 $0xFFFFD800  }
.LBB2_1:
0x31: {  	[dreg:$0x10] =	wrdreg s24;
	s20 =	simm.s32 $0x70;
	s24 =	simm.s32 $0x3C0  }
.LBB2_2:
0x32: {  	p0 =	sne.s32 s24, $0x9FC0;
	[tilespmem:s20+$0x1000] =	vst v0  }
0x33: {  	[tilespmem:s20+$0xF90] =	vst v0  }
0x34: {  	[tilespmem:s20+$0xFA0] =	vst v0  }
.Ltmp2:
0x35: {  	[tilespmem:s20+$0xFB0] =	vst v0;
	(pc) =	sbr.rel @p0 .LBB2_2-.Ltmp2, $4  }
0x36: {  	[tilespmem:s20+$0xFC0] =	vst v0  }
0x37: {  	[tilespmem:s20+$0xFD0] =	vst v0  }
0x38: {  	[tilespmem:s20+$0xFE0] =	vst v0  }
0x39: {  	[tilespmem:s20+$0xFF0] =	vst v0;
	s20 =	sshra.s32 s24, $0x2;
	s24 =	sadd.s32 $0x200, s24  }
0x3a: {  	[tilespmem:s20+$0x1000] =	vst v0  }
0x3b: {  	[tilespmem:s20+$0xF90] =	vst v0  }
0x3c: {  	[tilespmem:s20+$0xFA0] =	vst v0  }
0x3d: {  	[tilespmem:s20+$0xFB0] =	vst v0  }
0x3e: {  	[tilespmem:s20+$0xFC0] =	vst v0  }
0x3f: {  	[tilespmem:s20+$0xFD0] =	vst v0  }
0x40: {  	[tilespmem:s20+$0xFE0] =	vst v0  }
0x41: {  	[tilespmem:s20+$0xFF0] =	vst v0  }
0x42: {  	[spmem:s29] =	stream.linear.scatter [tilespmem:s19], [sflag:$0x7], $0x2800, $0x38;
	[tilespmem:$0x1D000] =	vst v63  }
0x43: {  	_ =	swait.ge [sflag:s31], $0x2800  }
0x44: {  	[sflag:s31] =	ssyncset.done $0x0  }
0x45: {  	s29 =	rddreg [dreg:$0x9];
	[sflag:s31] =	ssyncadd.s32 $0xFFFFD800  }
0x46: {  	[spmem:s29] =	stream.linear.scatter [tilespmem:s19], [sflag:$0x7], $0x2800, $0x38;
	[tilespmem:$0x1D000] =	vst v63  }
0x47: {  	_ =	swait.ge [sflag:s31], $0x2800  }
0x48: {  	[sflag:s31] =	ssyncset.done $0x0  }
0x49: {  	s24 =	rddreg [dreg:$0xa];
	[sflag:s31] =	ssyncadd.s32 $0xFFFFD800  }
0x4a: {  	[spmem:s24] =	stream.linear.scatter [tilespmem:s19], [sflag:$0x7], $0x2800, $0x38;
	[tilespmem:$0x1D000] =	vst v63  }
0x4b: {  	_ =	swait.ge [sflag:s31], $0x2800  }
0x4c: {  	[sflag:s31] =	ssyncset.done $0x0  }
0x4d: {  	s29 =	rddreg [dreg:$0xb];
	[sflag:s31] =	ssyncadd.s32 $0xFFFFD800  }
0x4e: {  	[spmem:s29] =	stream.linear.scatter [tilespmem:s19], [sflag:$0x7], $0x2800, $0x38;
	[tilespmem:$0x1D000] =	vst v63  }
0x4f: {  	_ =	swait.ge [sflag:s31], $0x2800  }
0x50: {  	[sflag:s31] =	ssyncset.done $0x0  }
0x51: {  	s24 =	rddreg [dreg:$0xc];
	[sflag:s31] =	ssyncadd.s32 $0xFFFFD800  }
0x52: {  	[spmem:s24] =	stream.linear.scatter [tilespmem:s19], [sflag:$0x7], $0x2800, $0x38;
	[tilespmem:$0x1D000] =	vst v63  }
0x53: {  	_ =	swait.ge [sflag:s31], $0x2800  }
0x54: {  	[sflag:s31] =	ssyncset.done $0x0  }
0x55: {  	s29 =	rddreg [dreg:$0xd];
	[sflag:s31] =	ssyncadd.s32 $0xFFFFD800  }
0x56: {  	[spmem:s29] =	stream.linear.scatter [tilespmem:s19], [sflag:$0x7], $0x2800, $0x38;
	[tilespmem:$0x1D000] =	vst v63  }
0x57: {  	_ =	swait.ge [sflag:s31], $0x2800  }
0x58: {  	[sflag:s31] =	ssyncset.done $0x0  }
0x59: {  	s24 =	rddreg [dreg:$0xe];
	[sflag:s31] =	ssyncadd.s32 $0xFFFFD800  }
0x5a: {  	[spmem:s24] =	stream.linear.scatter [tilespmem:s19], [sflag:$0x7], $0x2800, $0x38;
	[tilespmem:$0x1D000] =	vst v63  }
0x5b: {  	_ =	swait.ge [sflag:s31], $0x2800  }
0x5c: {  	[sflag:s31] =	ssyncset.done $0x0  }
0x5d: {  	s29 =	rddreg [dreg:$0xf];
	[sflag:s31] =	ssyncadd.s32 $0xFFFFD800  }
0x5e: {  	[spmem:s29] =	stream.linear.scatter [tilespmem:s19], [sflag:$0x7], $0x2800, $0x38;
	[tilespmem:$0x1D000] =	vst v63  }
0x5f: {  	_ =	swait.ge [sflag:s31], $0x2800  }
0x60: {  	[sflag:s31] =	ssyncset.done $0x0  }
0x61: {  	[sflag:s31] =	ssyncadd.s32 $0xFFFFD800  }
0x62: {  	[bflag:$0x0] =	sbarrier.arrive $0xFFFF  }
0x63: {  	s20 =	simm.s32 $0x0;
	s24 =	rddreg [dreg:$0x4]  }
0x64: {  	[tilespmem:s20], [sflag:$0x5] =	stream.linear.gather [hbm4b:s24+s20], $0x400, $0x38;
	[tilespmem:$0x1D000] =	vst v63  }
0x65: {  	s31 =	simm.s32 $0x800;
	s24 =	rddreg [dreg:$0x5]  }
0x66: {  	[tilespmem:s31], [sflag:$0x5] =	stream.linear.gather [hbm4b:s24+s20], $0x400, $0x38;
	[tilespmem:$0x1D000] =	vst v63  }
0x67: {  	_ =	swait.ge [sflag:s22], $0x400  }
0x68: {  	[sflag:s22] =	ssyncset.done $0x0  }
0x69: {  	[sflag:s22] =	ssyncadd.s32 $0xFFFFFC00  }
0x6a: {  	_ =	swait.ge [sflag:s22], $0x400  }
0x6b: {  	[sflag:s22] =	ssyncset.done $0x0  }
0x6c: {  	[sflag:s22] =	ssyncadd.s32 $0xFFFFFC00  }
0x6d: {  	[tilespmem:s19], [sflag:$0x1] =	stream.indirect.gather [hbm4b:s1+s23], $0x80, s20, s23, $0xb8;
	[tilespmem:$0x1D000] =	vst v63  }
0x6e: {  	s31 =	simm.s32 $0x80  }
0x6f: {  	[tilespmem:s25], [sflag:$0x2] =	stream.indirect.gather [hbm4b:s1+s23], $0x80, s31, s23, $0xb8;
	[tilespmem:$0x1D000] =	vst v63  }
.LBB2_4:
0x70: {  	_ =	swait.ge [sflag:s26], $0x3E80  }
0x71: {  	[sflag:s26] =	ssyncset.done $0x0  }
0x72: {  	s24 =	simm.s32 $0x800;
	[sflag:s26] =	ssyncadd.s32 $0xFFFFC180  }
0x73: {  	[spmem:s2] =	stream.indirect.scatter.add.f32 [tilespmem:s19], [sflag:$0x3], $0x80, s24, s23, $0xb8;
	[tilespmem:$0x1D000] =	vst v63  }
0x74: {  	_ =	swait.ge [sflag:s28], $0x3E80  }
0x75: {  	[sflag:s28] =	ssyncset.done $0x0  }
0x76: {  	s29 =	simm.s32 $0x100;
	[sflag:s28] =	ssyncadd.s32 $0xFFFFC180  }
0x77: {  	[tilespmem:s19], [sflag:$0x1] =	stream.indirect.gather [hbm4b:s1+s23], $0x80, s29, s23, $0xb8;
	[tilespmem:$0x1D000] =	vst v63  }
0x78: {  	_ =	swait.ge [sflag:s30], $0x3E80  }
0x79: {  	[sflag:s30] =	ssyncset.done $0x0  }
0x7a: {  	s31 =	simm.s32 $0x880;
	s29 =	sadd.s32 s20, s17;
	[sflag:s30] =	ssyncadd.s32 $0xFFFFC180  }
0x7b: {  	[spmem:s2] =	stream.indirect.scatter.add.f32 [tilespmem:s25], [sflag:$0x4], $0x80, s31, s23, $0xb8;
	[tilespmem:$0x1D000] =	vst v63  }
0x7c: {  	s24 =	sadd.s32 $0x80, s29;
	s31 =	sadd.s32 s20, s18  }
0x7d: {  	[tilespmem:s0], [sflag:$0x6] =	stream.linear.gather [hbm4b:s24+s4], $0x400, $0x38;
	[tilespmem:$0x1D000] =	vst v63  }
0x7e: {  	s24 =	sadd.s32 $0x80, s31  }
0x7f: {  	[tilespmem:s3], [sflag:$0x6] =	stream.linear.gather [hbm4b:s24+s4], $0x400, $0x38;
	[tilespmem:$0x1D000] =	vst v63  }
0x80: {  	_ =	swait.ge [sflag:s5], $0x3E80  }
0x81: {  	[sflag:s5] =	ssyncset.done $0x0  }
0x82: {  	s29 =	simm.s32 $0x180;
	[sflag:s5] =	ssyncadd.s32 $0xFFFFC180  }
0x83: {  	[tilespmem:s25], [sflag:$0x2] =	stream.indirect.gather [hbm4b:s1+s23], $0x80, s29, s23, $0xb8;
	[tilespmem:$0x1D000] =	vst v63  }
0x84: {  	_ =	swait.ge [sflag:s26], $0x3E80  }
0x85: {  	[sflag:s26] =	ssyncset.done $0x0  }
0x86: {  	s31 =	simm.s32 $0x900;
	[sflag:s26] =	ssyncadd.s32 $0xFFFFC180  }
0x87: {  	[spmem:s2] =	stream.indirect.scatter.add.f32 [tilespmem:s19], [sflag:$0x3], $0x80, s31, s23, $0xb8;
	[tilespmem:$0x1D000] =	vst v63  }
0x88: {  	_ =	swait.ge [sflag:s28], $0x3E80  }
0x89: {  	[sflag:s28] =	ssyncset.done $0x0  }
0x8a: {  	s29 =	simm.s32 $0x200;
	[sflag:s28] =	ssyncadd.s32 $0xFFFFC180  }
0x8b: {  	[tilespmem:s19], [sflag:$0x1] =	stream.indirect.gather [hbm4b:s1+s23], $0x80, s29, s23, $0xb8;
	[tilespmem:$0x1D000] =	vst v63  }
0x8c: {  	_ =	swait.ge [sflag:s30], $0x3E80  }
0x8d: {  	[sflag:s30] =	ssyncset.done $0x0  }
0x8e: {  	s31 =	simm.s32 $0x980;
	[sflag:s30] =	ssyncadd.s32 $0xFFFFC180  }
0x8f: {  	[spmem:s2] =	stream.indirect.scatter.add.f32 [tilespmem:s25], [sflag:$0x4], $0x80, s31, s23, $0xb8;
	[tilespmem:$0x1D000] =	vst v63  }
0x90: {  	_ =	swait.ge [sflag:s5], $0x3E80  }
0x91: {  	[sflag:s5] =	ssyncset.done $0x0  }
0x92: {  	s29 =	simm.s32 $0x280;
	[sflag:s5] =	ssyncadd.s32 $0xFFFFC180  }
0x93: {  	[tilespmem:s25], [sflag:$0x2] =	stream.indirect.gather [hbm4b:s1+s23], $0x80, s29, s23, $0xb8;
	[tilespmem:$0x1D000] =	vst v63  }
0x94: {  	_ =	swait.ge [sflag:s26], $0x3E80  }
0x95: {  	[sflag:s26] =	ssyncset.done $0x0  }
0x96: {  	s31 =	simm.s32 $0xA00;
	[sflag:s26] =	ssyncadd.s32 $0xFFFFC180  }
0x97: {  	[spmem:s2] =	stream.indirect.scatter.add.f32 [tilespmem:s19], [sflag:$0x3], $0x80, s31, s23, $0xb8;
	[tilespmem:$0x1D000] =	vst v63  }
0x98: {  	_ =	swait.ge [sflag:s28], $0x3E80  }
0x99: {  	[sflag:s28] =	ssyncset.done $0x0  }
0x9a: {  	s29 =	simm.s32 $0x300;
	[sflag:s28] =	ssyncadd.s32 $0xFFFFC180  }
0x9b: {  	[tilespmem:s19], [sflag:$0x1] =	stream.indirect.gather [hbm4b:s1+s23], $0x80, s29, s23, $0xb8;
	[tilespmem:$0x1D000] =	vst v63  }
0x9c: {  	_ =	swait.ge [sflag:s30], $0x3E80  }
0x9d: {  	[sflag:s30] =	ssyncset.done $0x0  }
0x9e: {  	s31 =	simm.s32 $0xA80;
	[sflag:s30] =	ssyncadd.s32 $0xFFFFC180  }
0x9f: {  	[spmem:s2] =	stream.indirect.scatter.add.f32 [tilespmem:s25], [sflag:$0x4], $0x80, s31, s23, $0xb8;
	[tilespmem:$0x1D000] =	vst v63  }
0xa0: {  	_ =	swait.ge [sflag:s5], $0x3E80  }
0xa1: {  	[sflag:s5] =	ssyncset.done $0x0  }
0xa2: {  	s29 =	simm.s32 $0x380;
	[sflag:s5] =	ssyncadd.s32 $0xFFFFC180  }
0xa3: {  	[tilespmem:s25], [sflag:$0x2] =	stream.indirect.gather [hbm4b:s1+s23], $0x80, s29, s23, $0xb8;
	[tilespmem:$0x1D000] =	vst v63  }
0xa4: {  	_ =	swait.ge [sflag:s26], $0x3E80  }
0xa5: {  	[sflag:s26] =	ssyncset.done $0x0  }
0xa6: {  	s31 =	simm.s32 $0xB00;
	[sflag:s26] =	ssyncadd.s32 $0xFFFFC180  }
0xa7: {  	[spmem:s2] =	stream.indirect.scatter.add.f32 [tilespmem:s19], [sflag:$0x3], $0x80, s31, s23, $0xb8;
	[tilespmem:$0x1D000] =	vst v63  }
0xa8: {  	_ =	swait.ge [sflag:s7], $0x400  }
0xa9: {  	[sflag:s7] =	ssyncset.done $0x0  }
0xaa: {  	[sflag:s7] =	ssyncadd.s32 $0xFFFFFC00  }
0xab: {  	_ =	swait.ge [sflag:s7], $0x400  }
0xac: {  	[sflag:s7] =	ssyncset.done $0x0  }
0xad: {  	[sflag:s7] =	ssyncadd.s32 $0xFFFFFC00  }
0xae: {  	_ =	swait.ge [sflag:s28], $0x3E80  }
0xaf: {  	[sflag:s28] =	ssyncset.done $0x0  }
0xb0: {  	[sflag:s28] =	ssyncadd.s32 $0xFFFFC180  }
0xb1: {  	[tilespmem:s19], [sflag:$0x1] =	stream.indirect.gather [hbm4b:s1+s23], $0x80, s0, s23, $0xb8;
	[tilespmem:$0x1D000] =	vst v63  }
0xb2: {  	_ =	swait.ge [sflag:s30], $0x3E80  }
0xb3: {  	[sflag:s30] =	ssyncset.done $0x0  }
0xb4: {  	s29 =	simm.s32 $0xB80;
	[sflag:s30] =	ssyncadd.s32 $0xFFFFC180  }
0xb5: {  	[spmem:s2] =	stream.indirect.scatter.add.f32 [tilespmem:s25], [sflag:$0x4], $0x80, s29, s23, $0xb8;
	[tilespmem:$0x1D000] =	vst v63  }
0xb6: {  	_ =	swait.ge [sflag:s5], $0x3E80  }
0xb7: {  	[sflag:s5] =	ssyncset.done $0x0  }
0xb8: {  	s31 =	simm.s32 $0x480;
	[sflag:s5] =	ssyncadd.s32 $0xFFFFC180  }
0xb9: {  	[tilespmem:s25], [sflag:$0x2] =	stream.indirect.gather [hbm4b:s1+s23], $0x80, s31, s23, $0xb8;
	[tilespmem:$0x1D000] =	vst v63  }
0xba: {  	_ =	swait.ge [sflag:s26], $0x3E80  }
0xbb: {  	[sflag:s26] =	ssyncset.done $0x0  }
0xbc: {  	[sflag:s26] =	ssyncadd.s32 $0xFFFFC180  }
0xbd: {  	[spmem:s2] =	stream.indirect.scatter.add.f32 [tilespmem:s19], [sflag:$0x3], $0x80, s3, s23, $0xb8;
	[tilespmem:$0x1D000] =	vst v63  }
0xbe: {  	_ =	swait.ge [sflag:s28], $0x3E80  }
0xbf: {  	[sflag:s28] =	ssyncset.done $0x0  }
0xc0: {  	s29 =	simm.s32 $0x500;
	[sflag:s28] =	ssyncadd.s32 $0xFFFFC180  }
0xc1: {  	[tilespmem:s19], [sflag:$0x1] =	stream.indirect.gather [hbm4b:s1+s23], $0x80, s29, s23, $0xb8;
	[tilespmem:$0x1D000] =	vst v63  }
0xc2: {  	_ =	swait.ge [sflag:s30], $0x3E80  }
0xc3: {  	p0 =	seq.s32 s20, $0x400;
	[sflag:s30] =	ssyncset.done $0x0  }
0xc4: {  	s24 =	sadd.s32 @!p0 s20, s17;
	s31 =	simm.s32 $0xC80;
	[sflag:s30] =	ssyncadd.s32 $0xFFFFC180  }
0xc5: {  	[spmem:s2] =	stream.indirect.scatter.add.f32 [tilespmem:s25], [sflag:$0x4], $0x80, s31, s23, $0xb8;
	[tilespmem:$0x1D000] =	vst v63  }
0xc6: {  	s24 =	sadd.s32 @!p0 $0x100, s24;
	s29 =	simm.s32 @!p0 $0x0  }
0xc7: {  	[tilespmem:s29], [sflag:$0x5] =	stream.linear.gather @!p0 [hbm4b:s24+s29], $0x400, $0x38;
	[tilespmem:$0x1D000] =	vst v63  }
0xc8: {  	s24 =	sadd.s32 @!p0 s20, s18  }
0xc9: {  	s31 =	simm.s32 @!p0 $0x800;
	s24 =	sadd.s32 @!p0 $0x100, s24  }
0xca: {  	[tilespmem:s31], [sflag:$0x5] =	stream.linear.gather @!p0 [hbm4b:s24+s29], $0x400, $0x38;
	[tilespmem:$0x1D000] =	vst v63  }
0xcb: {  	_ =	swait.ge [sflag:s5], $0x3E80  }
0xcc: {  	[sflag:s5] =	ssyncset.done $0x0  }
0xcd: {  	[sflag:s5] =	ssyncadd.s32 $0xFFFFC180  }
0xce: {  	[tilespmem:s25], [sflag:$0x2] =	stream.indirect.gather [hbm4b:s1+s23], $0x80, s21, s23, $0xb8;
	[tilespmem:$0x1D000] =	vst v63  }
0xcf: {  	_ =	swait.ge [sflag:s26], $0x3E80  }
0xd0: {  	[sflag:s26] =	ssyncset.done $0x0  }
0xd1: {  	[sflag:s26] =	ssyncadd.s32 $0xFFFFC180  }
0xd2: {  	[spmem:s2] =	stream.indirect.scatter.add.f32 [tilespmem:s19], [sflag:$0x3], $0x80, s6, s23, $0xb8;
	[tilespmem:$0x1D000] =	vst v63  }
0xd3: {  	_ =	swait.ge [sflag:s28], $0x3E80  }
0xd4: {  	[sflag:s28] =	ssyncset.done $0x0  }
0xd5: {  	[sflag:s28] =	ssyncadd.s32 $0xFFFFC180  }
0xd6: {  	[tilespmem:s19], [sflag:$0x1] =	stream.indirect.gather [hbm4b:s1+s23], $0x80, s8, s23, $0xb8;
	[tilespmem:$0x1D000] =	vst v63  }
0xd7: {  	_ =	swait.ge [sflag:s30], $0x3E80  }
0xd8: {  	[sflag:s30] =	ssyncset.done $0x0  }
0xd9: {  	[sflag:s30] =	ssyncadd.s32 $0xFFFFC180  }
0xda: {  	[spmem:s2] =	stream.indirect.scatter.add.f32 [tilespmem:s25], [sflag:$0x4], $0x80, s9, s23, $0xb8;
	[tilespmem:$0x1D000] =	vst v63  }
0xdb: {  	_ =	swait.ge [sflag:s5], $0x3E80  }
0xdc: {  	[sflag:s5] =	ssyncset.done $0x0  }
0xdd: {  	[sflag:s5] =	ssyncadd.s32 $0xFFFFC180  }
0xde: {  	[tilespmem:s25], [sflag:$0x2] =	stream.indirect.gather [hbm4b:s1+s23], $0x80, s10, s23, $0xb8;
	[tilespmem:$0x1D000] =	vst v63  }
0xdf: {  	_ =	swait.ge [sflag:s26], $0x3E80  }
0xe0: {  	[sflag:s26] =	ssyncset.done $0x0  }
0xe1: {  	[sflag:s26] =	ssyncadd.s32 $0xFFFFC180  }
0xe2: {  	[spmem:s2] =	stream.indirect.scatter.add.f32 [tilespmem:s19], [sflag:$0x3], $0x80, s11, s23, $0xb8;
	[tilespmem:$0x1D000] =	vst v63  }
0xe3: {  	_ =	swait.ge [sflag:s28], $0x3E80  }
0xe4: {  	[sflag:s28] =	ssyncset.done $0x0  }
0xe5: {  	[sflag:s28] =	ssyncadd.s32 $0xFFFFC180  }
0xe6: {  	[tilespmem:s19], [sflag:$0x1] =	stream.indirect.gather [hbm4b:s1+s23], $0x80, s12, s23, $0xb8;
	[tilespmem:$0x1D000] =	vst v63  }
0xe7: {  	_ =	swait.ge [sflag:s30], $0x3E80  }
0xe8: {  	[sflag:s30] =	ssyncset.done $0x0  }
0xe9: {  	[sflag:s30] =	ssyncadd.s32 $0xFFFFC180  }
0xea: {  	[spmem:s2] =	stream.indirect.scatter.add.f32 [tilespmem:s25], [sflag:$0x4], $0x80, s13, s23, $0xb8;
	[tilespmem:$0x1D000] =	vst v63  }
0xeb: {  	_ =	swait.ge [sflag:s5], $0x3E80  }
0xec: {  	[sflag:s5] =	ssyncset.done $0x0  }
0xed: {  	[sflag:s5] =	ssyncadd.s32 $0xFFFFC180  }
0xee: {  	[tilespmem:s25], [sflag:$0x2] =	stream.indirect.gather [hbm4b:s1+s23], $0x80, s14, s23, $0xb8;
	[tilespmem:$0x1D000] =	vst v63  }
0xef: {  	_ =	swait.ge [sflag:s26], $0x3E80  }
0xf0: {  	[sflag:s26] =	ssyncset.done $0x0  }
.Ltmp3:
0xf1: {  	[sflag:s26] =	ssyncadd.s32 $0xFFFFC180;
	(pc) =	sbr.rel @p0 .LBB2_6-.Ltmp3, $4  }
0xf2: {  	[spmem:s2] =	stream.indirect.scatter.add.f32 [tilespmem:s19], [sflag:$0x3], $0x80, s15, s23, $0xb8;
	[tilespmem:$0x1D000] =	vst v63  }
0xf3: {  	_ =	swait.ge [sflag:s28], $0x3E80  }
0xf4: {  	[sflag:s28] =	ssyncset.done $0x0  }
0xf5: {  	[sflag:s28] =	ssyncadd.s32 $0xFFFFC180  }
0xf6: {  	_ =	swait.ge [sflag:s22], $0x400  }
0xf7: {  	[sflag:s22] =	ssyncset.done $0x0  }
0xf8: {  	[sflag:s22] =	ssyncadd.s32 $0xFFFFFC00  }
0xf9: {  	_ =	swait.ge [sflag:s22], $0x400  }
0xfa: {  	[sflag:s22] =	ssyncset.done $0x0  }
0xfb: {  	[sflag:s22] =	ssyncadd.s32 $0xFFFFFC00  }
0xfc: {  	[tilespmem:s19], [sflag:$0x1] =	stream.indirect.gather [hbm4b:s1+s23], $0x80, s4, s23, $0xb8;
	[tilespmem:$0x1D000] =	vst v63  }
0xfd: {  	_ =	swait.ge [sflag:s30], $0x3E80  }
0xfe: {  	[sflag:s30] =	ssyncset.done $0x0  }
0xff: {  	[sflag:s30] =	ssyncadd.s32 $0xFFFFC180  }
0x100: {  	[spmem:s2] =	stream.indirect.scatter.add.f32 [tilespmem:s25], [sflag:$0x4], $0x80, s16, s23, $0xb8;
	[tilespmem:$0x1D000] =	vst v63  }
.Ltmp4:
0x101: {  	_ = 	snop;
	(pc) =	sbr.rel .LBB2_4-.Ltmp4, $4  }
0x102: {  	_ =	swait.ge [sflag:s5], $0x3E80  }
0x103: {  	[sflag:s5] =	ssyncset.done $0x0  }
0x104: {  	s24 =	simm.s32 $0x80;
	s20 =	sadd.s32 $0x100, s20;
	[sflag:s5] =	ssyncadd.s32 $0xFFFFC180  }
0x105: {  	[tilespmem:s25], [sflag:$0x2] =	stream.indirect.gather [hbm4b:s1+s23], $0x80, s24, s23, $0xb8;
	[tilespmem:$0x1D000] =	vst v63  }
.LBB2_7:
0x106: {  	_ =	sfence.sel $0x180000  }
0x107: {  	[bflag:$0x0] =	sbarrier.arrive $0xFFFF  }
0x108: {  	_ =	strace $0x9000004A  }
0x109: {  	s0 =	stileid.u32;
	[bflag:$0x2] =	sbarrier.arrive $0xFFFF  }
0x10a: {  	p0 =	sne.s32 s0, $0x0;
	s0 =	rddreg [dreg:$0x3]  }
0x10b: {  	s0 =	sadd.s32 @!p0 $0x100000, s0  }
0x10c: {  	[sflag:s0] =	ssyncadd.tile.s32 @!p0 $0x1;
	_ =	shalt  }
.Lfunc_end2:
_tile_overlayer_lowered:
.L_overlay_start_2:
0x10d: {  	(tag) =	ssettag $0x2  }
0x10e: {  	s0 =	rddreg [dreg:$0x0];
	s2 =	stileid.u32  }
0x10f: {  	s1 =	rddreg [dreg:$0x1];
	p0 =	sne.s32 s2, $0x0  }
0x110: {  	s3 =	rddreg [dreg:$0x2];
	[bflag:$0x3] =	sbarrier.arrive $0xFFFF;
	s2 =	simm.s32 @!p0 $0x1C07  }
0x111: {  	[timem:s3], [sflag:s2] =	dma.local @!p0 [hbm:s0], s1  }
0x112: {  	s0 =	simm.s32 @!p0 $0x7  }
0x113: {  	_ =	swait.ge @!p0 [sflag:s0], s1  }
0x114: {  	s1 =	ssub.s32 @!p0 $0x0, s1;
	[sflag:s0] =	ssyncset.done @!p0 $0x0  }
0x115: {  	[sflag:s0] =	ssyncadd.s32 @!p0 s1  }
0x116: {  	[bflag:$0x3] =	sbarrier.arrive $0xFFFF  }
0x117: {  	_ =	shalt  }

// kernel: kernel.15.cloned.1.call-start
scs
__scs_entry_jumppad:
0x0: {  	(pc) =	sbr.rel $0x88, $3  }
0x1: {  	(tag) =	ssettag $0x0;
	lr =	simm.s32 $0x1  }
0x2: {  	[smem:$0x3F97] =	sst lr;
	_ =	strace $0xD0000000  }
0x3: {  	_ = 	snop  }
0x4: {  	_ = 	snop  }
0x5: {  	_ = 	snop  }
0x6: {  	_ = 	snop  }
0x7: {  	_ = 	snop  }
__scs_overlays_trampoline_lowered:
0x8: {  	[smem:$0x3FA6] =	sst s0  }
0x9: {  	[smem:$0x3FA7] =	sst s1  }
0xa: {  	[smem:$0x3FA8] =	sst s2  }
0xb: {  	[smem:$0x3FA9] =	sst s3  }
0xc: {  	[smem:$0x3FAA] =	sst s4  }
0xd: {  	[smem:$0x3FAB] =	sst s5  }
0xe: {  	[smem:$0x3FAC] =	sst s6  }
0xf: {  	[smem:$0x3FAD] =	sst s7  }
0x10: {  	[smem:$0x3FAE] =	sst s8  }
0x11: {  	[smem:$0x3FAF] =	sst s9;
	s0 =	simm.s32 @!p0 $0x0  }
0x12: {  	s1 =	sld [smem:$0x3F95];
	s0 =	simm.s32 @p0 $0x1  }
0x13: {  	[smem:$0x3FB0] =	sst s0;
	s0 =	simm.s32 @!p1 $0x0  }
0x14: {  	s2 =	sld [smem:$0x3F94];
	s0 =	simm.s32 @p1 $0x1  }
0x15: {  	[smem:$0x3FB1] =	sst s0;
	s0 =	simm.s32 @!p2 $0x0  }
0x16: {  	s3 =	sld [smem:$0x3FDB];
	s0 =	simm.s32 @p2 $0x1  }
0x17: {  	s4 =	simm.s32 $0x1BF5;
	[smem:$0x3FB3] =	sst s0  }
0x18: {  	s0 =	sld [smem:$0x3F96];
	_ =	swait.ge [sflag:s4], $0x0  }
0x19: {  	s7 =	sld [smem:$0x3F97]  }
0x1a: {  	s8 =	sadd.s32 $0xFFFFE003, lr  }
0x1b: {  	s9 =	sadd.s32 $0xFFFFFEF7, lr;
	s5 =	simm.s32 $0xFFFFFFFF;
	p2 =	slt.u32 s8, $0xFFFFF086  }
0x1c: {  	p1 =	slt.u32 s9, $0xF7A;
	s5 =	simm.s32 @!p2 $0x0  }
0x1d: {  	s5 =	simm.s32 @p1 $0x1;
	p0 =	seq.s32 s7, s2  }
0x1e: {  	s7 =	smul.u32 @!p0 $0xF7A, s2;
	p2 =	seq.s32 @!p0 s5, $0x0  }
0x1f: {  	s9 =	smul.u32 $0xF7A, s1;
	s8 =	simm.s32 @!p0 $0x1BF5;
	p2 =	por !p2, p0  }
0x20: {  	[sflag:s8] =	ssyncset.s32 @!p0 $0xFFFFF086;
	s6 =	sadd.s32 @!p0 s3, s7;
	s7 =	simm.s32 @!p0 $0x108  }
0x21: {  	s3 =	sadd.s32 s3, s9;
	s6 =	sadd.s32 @!p0 $0x88, s6;
	s7 =	simm.s32 @p2 $0x1082  }
0x22: {  	[simem:s7], [sflag:s8] =	dma.local @!p0 [hbm:s6], $0xF7A  }
0x23: {  	s9 =	sor.u32 $0xD0000000, s2;
	s6 =	simm.s32 $0x108;
	_ =	swait.ge @!p0 [sflag:s8], $0x0  }
0x24: {  	s3 =	sadd.s32 $0x88, s3;
	s6 =	simm.s32 @!p1 $0x1082;
	[sflag:s4] =	ssyncset.s32 $0xFFFFF086  }
0x25: {  	[simem:s6], [sflag:s4] =	dma.local [hbm:s3], $0xF7A  }
0x26: {  	[smem:$0x3F97] =	sst s1;
	(tag) =	ssettag s2;
	_ =	strace s9  }
0x27: {  	s1 =	sld [smem:$0x3FA7]  }
0x28: {  	s2 =	sld [smem:$0x3FA8]  }
0x29: {  	s4 =	sld [smem:$0x3FAA]  }
0x2a: {  	p0 =	seq.s32 s5, $0x0;
	s5 =	sld [smem:$0x3FAB]  }
0x2b: {  	s6 =	sld [smem:$0x3FAC]  }
0x2c: {  	s7 =	sld [smem:$0x3FAD]  }
0x2d: {  	s3 =	simm.s32 $0x108;
	s8 =	sld [smem:$0x3FAE]  }
0x2e: {  	s3 =	simm.s32 @!p0 $0x1082;
	s9 =	sld [smem:$0x3FAF]  }
0x2f: {  	lr =	sadd.s32 s0, s3;
	s0 =	sld [smem:$0x3FA6]  }
0x30: {  	s3 =	sld [smem:$0x3FA9]  }
0x31: {  	[smem:$0x3FB2] =	sst s10  }
0x32: {  	s10 =	sld [smem:$0x3FB0];
	_ =	sdelay $0x3  }
0x33: {  	p0 =	seq.s32 s10, $0x1;
	s10 =	sld [smem:$0x3FB2];
	_ =	sdelay $0x3  }
0x34: {  	[smem:$0x3FB2] =	sst s10  }
0x35: {  	s10 =	sld [smem:$0x3FB1];
	_ =	sdelay $0x3  }
0x36: {  	p1 =	seq.s32 s10, $0x1;
	s10 =	sld [smem:$0x3FB2];
	_ =	sdelay $0x3  }
0x37: {  	[smem:$0x3FB2] =	sst s10  }
0x38: {  	s10 =	sld [smem:$0x3FB3]  }
0x39: {  	_ = 	snop;
	(pc) =	sbr.ind lr, $3  }
0x3a: {  	_ = 	snop  }
0x3b: {  	_ = 	snop  }
0x3c: {  	p2 =	seq.s32 s10, $0x1;
	s10 =	sld [smem:$0x3FB2]  }
0x3d: {  	_ =	shalt  }
0x3e: {  	_ =	shalt  }
0x3f: {  	_ =	shalt  }
0x40: {  	_ =	shalt  }
0x41: {  	_ =	shalt  }
0x42: {  	_ =	shalt  }
0x43: {  	_ =	shalt  }
0x44: {  	_ =	shalt  }
0x45: {  	_ =	shalt  }
0x46: {  	_ =	shalt  }
0x47: {  	_ =	shalt  }
0x48: {  	_ =	shalt  }
0x49: {  	_ =	shalt  }
0x4a: {  	_ =	shalt  }
0x4b: {  	_ =	shalt  }
0x4c: {  	_ =	shalt  }
0x4d: {  	_ =	shalt  }
0x4e: {  	_ =	shalt  }
0x4f: {  	_ =	shalt  }
0x50: {  	_ =	shalt  }
0x51: {  	_ =	shalt  }
0x52: {  	_ =	shalt  }
0x53: {  	_ =	shalt  }
0x54: {  	_ =	shalt  }
0x55: {  	_ =	shalt  }
0x56: {  	_ =	shalt  }
0x57: {  	_ =	shalt  }
0x58: {  	_ =	shalt  }
0x59: {  	_ =	shalt  }
0x5a: {  	_ =	shalt  }
0x5b: {  	_ =	shalt  }
0x5c: {  	_ =	shalt  }
0x5d: {  	_ =	shalt  }
0x5e: {  	_ =	shalt  }
0x5f: {  	_ =	shalt  }
0x60: {  	_ =	shalt  }
0x61: {  	_ =	shalt  }
0x62: {  	_ =	shalt  }
0x63: {  	_ =	shalt  }
0x64: {  	_ =	shalt  }
0x65: {  	_ =	shalt  }
0x66: {  	_ =	shalt  }
0x67: {  	_ =	shalt  }
0x68: {  	_ =	shalt  }
0x69: {  	_ =	shalt  }
0x6a: {  	_ =	shalt  }
0x6b: {  	_ =	shalt  }
0x6c: {  	_ =	shalt  }
0x6d: {  	_ =	shalt  }
0x6e: {  	_ =	shalt  }
0x6f: {  	_ =	shalt  }
0x70: {  	_ =	shalt  }
0x71: {  	_ =	shalt  }
0x72: {  	_ =	shalt  }
0x73: {  	_ =	shalt  }
0x74: {  	_ =	shalt  }
0x75: {  	_ =	shalt  }
0x76: {  	_ =	shalt  }
0x77: {  	_ =	shalt  }
0x78: {  	_ =	shalt  }
0x79: {  	_ =	shalt  }
0x7a: {  	_ =	shalt  }
0x7b: {  	_ =	shalt  }
0x7c: {  	_ =	shalt  }
0x7d: {  	_ =	shalt  }
0x7e: {  	_ =	shalt  }
0x7f: {  	_ =	shalt  }
0x80: {  	_ =	shalt  }
0x81: {  	_ =	shalt  }
0x82: {  	_ =	shalt  }
0x83: {  	_ =	shalt  }
0x84: {  	_ =	shalt  }
0x85: {  	_ =	shalt  }
0x86: {  	_ =	shalt  }
0x87: {  	_ =	shalt  }
.Lfunc_end0:
.L_simem_size_0:
called_computation.2_lowered:
.L_overlay_start_0:
0x88: {  	s2 =	sld [smem:$0x3FD9]  }
0x89: {  	s3 =	sld [smem:$0x3FFE];
	_ =	sdelay $0x1  }
0x8a: {  	s1 =	srdreg.scid  }
0x8b: {  	s0 =	sand.u32 $0x1, s1  }
0x8c: {  	s17 =	sshll.u32 s0, $0xA;
	s2 =	sadd.s32 s3, s2  }
0x8d: {  	s2 =	sadd.s32 s2, s17  }
0x8e: {  	[smem:$0x3FBE] =	sst s2  }
0x8f: {  	_ = 	snop  }
0x90: {  	s2 =	sld [smem:$0x3FD0];
	(tm) =	ssettm $0x1  }
0x91: {  	s18 =	sld [smem:$0x3FFB];
	_ =	sdelay $0x3  }
0x92: {  	_ =	strace s18  }
0x93: {  	s3 =	sld [smem:$0x3FFC];
	_ =	sdelay $0x3  }
0x94: {  	_ =	strace s3  }
0x95: {  	s3 =	sld [smem:$0x3FFD];
	_ =	sdelay $0x3  }
0x96: {  	_ =	strace s3  }
0x97: {  	_ =	strace $0x8FFFFFFF  }
0x98: {  	s19 =	sld [smem:$0x3FDB];
	_ =	sdelay $0x1  }
0x99: {  	s4 =	simm.s32 $_scs_section_size  }
0x9a: {  	s5 =	simm.s32 $_size__tile_overlayer_lowered;
	s6 =	simm.s32 $_tile_overlayer_lowered  }
0x9b: {  	s22 =	simm.s32 $0x1BFF;
	s21 =	sshll.u32 s6, $0x1;
	s3 =	sadd.s32 s4, s19  }
0x9c: {  	s7 =	simm.s32 $0x0;
	s20 =	sshll.u32 s5, $0x1;
	s5 =	sadd.s32 s21, s3  }
0x9d: {  	[timem:s7], [sflag:s22] =	dma.local [hbm:s5], s20  }
0x9e: {  	_ =	swait.ge [sflag:s22], s20  }
0x9f: {  	s4 =	ssub.s32 $0x0, s20;
	[sflag:s22] =	ssyncset.done $0x0  }
0xa0: {  	[sflag:s22] =	ssyncadd.s32 s4;
	_ =	sdelay $0x1  }
0xa1: {  	s23 =	simm.s32 $0x1B8B  }
0xa2: {  	_ =	swait.ge [sflag:s23], $0x1  }
0xa3: {  	[sflag:s23] =	ssyncset.done $0x0  }
0xa4: {  	s25 =	simm.s32 $0x1B8E;
	s24 =	sld [smem:$0x3FFE];
	[sflag:s23] =	ssyncadd.s32 $0xFFFFFFFF  }
0xa5: {  	s26 =	simm.s32 $execute0_lowered;
	[smem:$0x3FD2] =	sst s25  }
0xa6: {  	s5 =	sshll.u32 s26, $0x1;
	_ =	strace $0x8000004C;
	[dreg:$0x1] =	wrdreg $0xFFFFFFFF  }
0xa7: {  	s28 =	simm.s32 $_size_execute0_lowered;
	s3 =	sadd.s32 s3, s5;
	[dreg:$0x0] =	wrdreg $0x0  }
0xa8: {  	s5 =	sshll.u32 s28, $0x1;
	[dreg:$0x2] =	wrdreg s3  }
0xa9: {  	[dreg:$0x3] =	wrdreg s5  }
0xaa: {  	[dreg:$0x4] =	wrdreg $0xC0  }
0xab: {  	_ =	task [dreg:s7], $0x5FFFF  }
0xac: {  	[dreg:$0x1] =	wrdreg $0xFFFFFFFF  }
0xad: {  	[dreg:$0x0] =	wrdreg $0x60  }
0xae: {  	[dreg:$0x2] =	wrdreg s2  }
0xaf: {  	[dreg:$0x3] =	wrdreg s24  }
0xb0: {  	[dreg:$0x4] =	wrdreg $0x90000  }
0xb1: {  	[dreg:$0x5] =	wrdreg $0x9  }
0xb2: {  	_ =	task.clear_ibuf [dreg:s7], $0x6FFFF;
	_ =	strace $0x9000004C  }
0xb3: {  	s29 =	simm.s32 $0x9;
	_ =	strace $0x8000004E  }
0xb4: {  	_ =	swait.ge [sflag:s29], $0x1  }
0xb5: {  	[sflag:s29] =	ssyncadd.s32 $0xFFFFFFFF  }
0xb6: {  	_ =	strace $0x9000004E  }
0xb7: {  	_ =	sfence  }
0xb8: {  	s30 =	sld [smem:$0x0];
	_ =	sdelay $0x2  }
0xb9: {  	s31 =	sshll.u32 s1, $0xD;
	s1 =	sshrl.u32 s1, $0x2  }
0xba: {  	s3 =	sand.u32 $0x4000, s31;
	s1 =	sadd.s32 s1, s30  }
0xbb: {  	s0 =	sor.u32 s3, s0;
	s1 =	sshll.u32 s1, $0x11  }
0xbc: {  	s0 =	sor.u32 s1, s0  }
0xbd: {  	s0 =	sadd.s32 $0x8F2B, s0  }
0xbe: {  	[sflag:s0] =	ssyncadd.remote.s32 $0x1  }
0xbf: {  	_ =	sfence.sel $0xFFFF  }
0xc0: {  	[dreg:$0x0] =	wrdreg $0xFFFFFFFF;
	(pc) =	sbr.abs _section_cstart, $3  }
0xc1: {  	[dreg:$0x1] =	wrdreg $0xFFFFFFFF  }
0xc2: {  	_ =	task.clear_ibuf [dreg:s7], $0x2FFFF;
	_ =	strace $0x9FFFFFFF  }
0xc3: {  	(tm) =	ssettm $0x7FFFFFFF  }
tec
execute0_lowered:
.L_overlay_start_1:
0x0: {  	(tag) =	ssettag $0x1  }
0x1: {  	s1 =	rddreg [dreg:$0x0]  }
0x2: {  	s0 =	rddreg [dreg:$0x1]  }
0x3: {  	s2 =	rddreg [dreg:$0x2];
	s3 =	srdreg.scid  }
0x4: {  	s4 =	simm.s32 $0x0;
	s12 =	stileid.u32;
	s31 =	simm.s32 $0x7  }
0x5: {  	s28 =	simm.s32 $0x3;
	s30 =	simm.s32 $0x2;
	s6 =	smul.u32 $0x14000, s12  }
0x6: {  	s3 =	sand.u32 $0x1, s3;
	[smem:$0x7FF] =	sst s4;
	s10 =	smul.u32 $0x50000, s12  }
0x7: {  	s7 =	sadd.s32 $0x5CC00, s0;
	s8 =	sadd.s32 $0x2C00, s0;
	s23 =	smul.u32 $0x500, s12  }
0x8: {  	s5 =	smul.u32 $0x140000, s3;
	_ =	strace $0x8000004D;
	s11 =	sshll.u32 s3, $0x4  }
0x9: {  	s9 =	ssub.s32 $0x2, s3;
	s20 =	smul.u32 $0x5000, s3;
	s3 =	simm.s32 $0xC00  }
0xa: {  	s14 =	sshrl.u32 s10, $0x2;
	s10 =	simm.s32 $0x680;
	s5 =	sadd.s32 s6, s5  }
0xb: {  	s6 =	sor.u32 s12, s11;
	s11 =	sshrl.u32 s9, $0x1;
	s29 =	sadd.s32 s14, s2  }
0xc: {  	s25 =	sadd.s32 s20, s7;
	s12 =	simm.s32 $0x700;
	s14 =	simm.s32 $0x780  }
0xd: {  	s5 =	sshrl.u32 s5, $0x3;
	s17 =	sadd.s32 $0x2800, s29;
	[dreg:$0x6] =	wrdreg s29  }
0xe: {  	s6 =	smul.u32 $0x500, s6;
	s18 =	sadd.s32 $0x5000, s29;
	[dreg:$0x9] =	wrdreg s17  }
0xf: {  	s13 =	ssub.s32 s9, s11;
	s19 =	sadd.s32 $0x7800, s29;
	[dreg:$0xa] =	wrdreg s18  }
0x10: {  	s21 =	sadd.s32 $0xA000, s29;
	s22 =	sadd.s32 $0xC800, s29;
	[dreg:$0xb] =	wrdreg s19  }
0x11: {  	s24 =	sadd.s32 $0xF000, s29;
	s26 =	sadd.s32 $0x11800, s29;
	[dreg:$0xc] =	wrdreg s21  }
0x12: {  	s9 =	simm.s32 $0xD80;
	s11 =	simm.s32 $0xE00;
	[dreg:$0xd] =	wrdreg s22  }
0x13: {  	s0 =	sadd.s32 s5, s0;
	s16 =	smax.u32 s13, $0x1;
	[dreg:$0xe] =	wrdreg s24  }
0x14: {  	[dreg:$0xf] =	wrdreg s26;
	s17 =	sadd.s32 s23, s25;
	s19 =	simm.s32 $0x1000  }
0x15: {  	s22 =	simm.s32 $0x5;
	s25 =	simm.s32 $0x5000;
	s26 =	simm.s32 $0x1  }
0x16: {  	s5 =	simm.s32 $0x4;
	s21 =	simm.s32 $0x580;
	s13 =	simm.s32 $0xE80  }
0x17: {  	s24 =	simm.s32 $0x0;
	s15 =	sadd.s32 s7, s6;
	[dreg:$0x8] =	wrdreg s16  }
.Ltmp0:
0x18: {  	s6 =	sadd.s32 s8, s6;
	[dreg:$0x4] =	wrdreg s15;
	(pc) =	sbr.rel .LBB2_1-.Ltmp0, $4  }
0x19: {  	s0 =	sadd.s32 $0xCC00, s0;
	s7 =	simm.s32 $0x6;
	[dreg:$0x5] =	wrdreg s6  }
0x1a: {  	s16 =	simm.s32 $0xF80;
	[dreg:$0x7] =	wrdreg s0;
	s0 =	sadd.s32 s20, s8  }
0x1b: {  	s6 =	simm.s32 $0xD00;
	s8 =	simm.s32 $0x600;
	s15 =	simm.s32 $0xF00  }
0x1c: {  	v0 =	vimm.f32 $0.0e+00;
	s18 =	sadd.s32 s23, s0;
	s23 =	simm.s32 $0x7D;
	s0 =	simm.s32 $0x400  }
.LBB2_6:
0x1d: {  	_ =	swait.ge [sflag:s30], $0x3E80  }
0x1e: {  	[sflag:s30] =	ssyncset.done $0x0  }
0x1f: {  	[sflag:s30] =	ssyncadd.s32 $0xFFFFC180  }
0x20: {  	[spmem:s2] =	stream.indirect.scatter.add.f32 [tilespmem:s25], [sflag:$0x4], $0x80, s16, s23, $0xb8;
	[tilespmem:$0x1D000] =	vst v63  }
0x21: {  	_ =	swait.ge [sflag:s5], $0x3E80  }
0x22: {  	[sflag:s5] =	ssyncset.done $0x0  }
0x23: {  	[sflag:s5] =	ssyncadd.s32 $0xFFFFC180  }
0x24: {  	s20 =	stileid.u32;
	[bflag:$0x0] =	sbarrier.arrive $0xFFFF  }
0x25: {  	s20 =	sshll.u32 s20, $0x6;
	s29 =	rddreg [dreg:$0x6]  }
0x26: {  	s20 =	sor.u32 $0x1C07, s20;
	s31 =	rddreg [dreg:$0x7];
	s24 =	sshrl.u32 s29, $0x3  }
0x27: {  	[hbm:s31], [sflag:s20] =	dma.local [spmem:s24], $0x2800  }
0x28: {  	s31 =	simm.s32 $0x7  }
0x29: {  	_ =	swait.ge [sflag:s31], $0x2800  }
0x2a: {  	s20 =	rddreg [dreg:$0x10]  }
0x2b: {  	s24 =	sadd.s32 $0x1, s20;
	s20 =	rddreg [dreg:$0x8]  }
0x2c: {  	p0 =	sne.s32 s24, s20  }
.Ltmp1:
0x2d: {  	_ = 	snop;
	(pc) =	sbr.rel @!p0 .LBB2_7-.Ltmp1, $3  }
0x2e: {  	_ =	sdelay $0x1  }
0x2f: {  	[sflag:s31] =	ssyncset.done $0x0  }
0x30: {  	[sflag:s31] =	ssyncadd.s32 $0xFFFFD800  }
.LBB2_1:
0x31: {  	[dreg:$0x10] =	wrdreg s24;
	s20 =	simm.s32 $0x70;
	s24 =	simm.s32 $0x3C0  }
.LBB2_2:
0x32: {  	p0 =	sne.s32 s24, $0x9FC0;
	[tilespmem:s20+$0x1000] =	vst v0  }
0x33: {  	[tilespmem:s20+$0xF90] =	vst v0  }
0x34: {  	[tilespmem:s20+$0xFA0] =	vst v0  }
.Ltmp2:
0x35: {  	[tilespmem:s20+$0xFB0] =	vst v0;
	(pc) =	sbr.rel @p0 .LBB2_2-.Ltmp2, $4  }
0x36: {  	[tilespmem:s20+$0xFC0] =	vst v0  }
0x37: {  	[tilespmem:s20+$0xFD0] =	vst v0  }
0x38: {  	[tilespmem:s20+$0xFE0] =	vst v0  }
0x39: {  	[tilespmem:s20+$0xFF0] =	vst v0;
	s20 =	sshra.s32 s24, $0x2;
	s24 =	sadd.s32 $0x200, s24  }
0x3a: {  	[tilespmem:s20+$0x1000] =	vst v0  }
0x3b: {  	[tilespmem:s20+$0xF90] =	vst v0  }
0x3c: {  	[tilespmem:s20+$0xFA0] =	vst v0  }
0x3d: {  	[tilespmem:s20+$0xFB0] =	vst v0  }
0x3e: {  	[tilespmem:s20+$0xFC0] =	vst v0  }
0x3f: {  	[tilespmem:s20+$0xFD0] =	vst v0  }
0x40: {  	[tilespmem:s20+$0xFE0] =	vst v0  }
0x41: {  	[tilespmem:s20+$0xFF0] =	vst v0  }
0x42: {  	[spmem:s29] =	stream.linear.scatter [tilespmem:s19], [sflag:$0x7], $0x2800, $0x38;
	[tilespmem:$0x1D000] =	vst v63  }
0x43: {  	_ =	swait.ge [sflag:s31], $0x2800  }
0x44: {  	[sflag:s31] =	ssyncset.done $0x0  }
0x45: {  	s29 =	rddreg [dreg:$0x9];
	[sflag:s31] =	ssyncadd.s32 $0xFFFFD800  }
0x46: {  	[spmem:s29] =	stream.linear.scatter [tilespmem:s19], [sflag:$0x7], $0x2800, $0x38;
	[tilespmem:$0x1D000] =	vst v63  }
0x47: {  	_ =	swait.ge [sflag:s31], $0x2800  }
0x48: {  	[sflag:s31] =	ssyncset.done $0x0  }
0x49: {  	s24 =	rddreg [dreg:$0xa];
	[sflag:s31] =	ssyncadd.s32 $0xFFFFD800  }
0x4a: {  	[spmem:s24] =	stream.linear.scatter [tilespmem:s19], [sflag:$0x7], $0x2800, $0x38;
	[tilespmem:$0x1D000] =	vst v63  }
0x4b: {  	_ =	swait.ge [sflag:s31], $0x2800  }
0x4c: {  	[sflag:s31] =	ssyncset.done $0x0  }
0x4d: {  	s29 =	rddreg [dreg:$0xb];
	[sflag:s31] =	ssyncadd.s32 $0xFFFFD800  }
0x4e: {  	[spmem:s29] =	stream.linear.scatter [tilespmem:s19], [sflag:$0x7], $0x2800, $0x38;
	[tilespmem:$0x1D000] =	vst v63  }
0x4f: {  	_ =	swait.ge [sflag:s31], $0x2800  }
0x50: {  	[sflag:s31] =	ssyncset.done $0x0  }
0x51: {  	s24 =	rddreg [dreg:$0xc];
	[sflag:s31] =	ssyncadd.s32 $0xFFFFD800  }
0x52: {  	[spmem:s24] =	stream.linear.scatter [tilespmem:s19], [sflag:$0x7], $0x2800, $0x38;
	[tilespmem:$0x1D000] =	vst v63  }
0x53: {  	_ =	swait.ge [sflag:s31], $0x2800  }
0x54: {  	[sflag:s31] =	ssyncset.done $0x0  }
0x55: {  	s29 =	rddreg [dreg:$0xd];
	[sflag:s31] =	ssyncadd.s32 $0xFFFFD800  }
0x56: {  	[spmem:s29] =	stream.linear.scatter [tilespmem:s19], [sflag:$0x7], $0x2800, $0x38;
	[tilespmem:$0x1D000] =	vst v63  }
0x57: {  	_ =	swait.ge [sflag:s31], $0x2800  }
0x58: {  	[sflag:s31] =	ssyncset.done $0x0  }
0x59: {  	s24 =	rddreg [dreg:$0xe];
	[sflag:s31] =	ssyncadd.s32 $0xFFFFD800  }
0x5a: {  	[spmem:s24] =	stream.linear.scatter [tilespmem:s19], [sflag:$0x7], $0x2800, $0x38;
	[tilespmem:$0x1D000] =	vst v63  }
0x5b: {  	_ =	swait.ge [sflag:s31], $0x2800  }
0x5c: {  	[sflag:s31] =	ssyncset.done $0x0  }
0x5d: {  	s29 =	rddreg [dreg:$0xf];
	[sflag:s31] =	ssyncadd.s32 $0xFFFFD800  }
0x5e: {  	[spmem:s29] =	stream.linear.scatter [tilespmem:s19], [sflag:$0x7], $0x2800, $0x38;
	[tilespmem:$0x1D000] =	vst v63  }
0x5f: {  	_ =	swait.ge [sflag:s31], $0x2800  }
0x60: {  	[sflag:s31] =	ssyncset.done $0x0  }
0x61: {  	[sflag:s31] =	ssyncadd.s32 $0xFFFFD800  }
0x62: {  	[bflag:$0x0] =	sbarrier.arrive $0xFFFF  }
0x63: {  	s20 =	simm.s32 $0x0;
	s24 =	rddreg [dreg:$0x4]  }
0x64: {  	[tilespmem:s20], [sflag:$0x5] =	stream.linear.gather [hbm4b:s24+s20], $0x400, $0x38;
	[tilespmem:$0x1D000] =	vst v63  }
0x65: {  	s31 =	simm.s32 $0x800;
	s24 =	rddreg [dreg:$0x5]  }
0x66: {  	[tilespmem:s31], [sflag:$0x5] =	stream.linear.gather [hbm4b:s24+s20], $0x400, $0x38;
	[tilespmem:$0x1D000] =	vst v63  }
0x67: {  	_ =	swait.ge [sflag:s22], $0x400  }
0x68: {  	[sflag:s22] =	ssyncset.done $0x0  }
0x69: {  	[sflag:s22] =	ssyncadd.s32 $0xFFFFFC00  }
0x6a: {  	_ =	swait.ge [sflag:s22], $0x400  }
0x6b: {  	[sflag:s22] =	ssyncset.done $0x0  }
0x6c: {  	[sflag:s22] =	ssyncadd.s32 $0xFFFFFC00  }
0x6d: {  	[tilespmem:s19], [sflag:$0x1] =	stream.indirect.gather [hbm4b:s1+s23], $0x80, s20, s23, $0xb8;
	[tilespmem:$0x1D000] =	vst v63  }
0x6e: {  	s31 =	simm.s32 $0x80  }
0x6f: {  	[tilespmem:s25], [sflag:$0x2] =	stream.indirect.gather [hbm4b:s1+s23], $0x80, s31, s23, $0xb8;
	[tilespmem:$0x1D000] =	vst v63  }
.LBB2_4:
0x70: {  	_ =	swait.ge [sflag:s26], $0x3E80  }
0x71: {  	[sflag:s26] =	ssyncset.done $0x0  }
0x72: {  	s24 =	simm.s32 $0x800;
	[sflag:s26] =	ssyncadd.s32 $0xFFFFC180  }
0x73: {  	[spmem:s2] =	stream.indirect.scatter.add.f32 [tilespmem:s19], [sflag:$0x3], $0x80, s24, s23, $0xb8;
	[tilespmem:$0x1D000] =	vst v63  }
0x74: {  	_ =	swait.ge [sflag:s28], $0x3E80  }
0x75: {  	[sflag:s28] =	ssyncset.done $0x0  }
0x76: {  	s29 =	simm.s32 $0x100;
	[sflag:s28] =	ssyncadd.s32 $0xFFFFC180  }
0x77: {  	[tilespmem:s19], [sflag:$0x1] =	stream.indirect.gather [hbm4b:s1+s23], $0x80, s29, s23, $0xb8;
	[tilespmem:$0x1D000] =	vst v63  }
0x78: {  	_ =	swait.ge [sflag:s30], $0x3E80  }
0x79: {  	[sflag:s30] =	ssyncset.done $0x0  }
0x7a: {  	s31 =	simm.s32 $0x880;
	s29 =	sadd.s32 s20, s17;
	[sflag:s30] =	ssyncadd.s32 $0xFFFFC180  }
0x7b: {  	[spmem:s2] =	stream.indirect.scatter.add.f32 [tilespmem:s25], [sflag:$0x4], $0x80, s31, s23, $0xb8;
	[tilespmem:$0x1D000] =	vst v63  }
0x7c: {  	s24 =	sadd.s32 $0x80, s29;
	s31 =	sadd.s32 s20, s18  }
0x7d: {  	[tilespmem:s0], [sflag:$0x6] =	stream.linear.gather [hbm4b:s24+s4], $0x400, $0x38;
	[tilespmem:$0x1D000] =	vst v63  }
0x7e: {  	s24 =	sadd.s32 $0x80, s31  }
0x7f: {  	[tilespmem:s3], [sflag:$0x6] =	stream.linear.gather [hbm4b:s24+s4], $0x400, $0x38;
	[tilespmem:$0x1D000] =	vst v63  }
0x80: {  	_ =	swait.ge [sflag:s5], $0x3E80  }
0x81: {  	[sflag:s5] =	ssyncset.done $0x0  }
0x82: {  	s29 =	simm.s32 $0x180;
	[sflag:s5] =	ssyncadd.s32 $0xFFFFC180  }
0x83: {  	[tilespmem:s25], [sflag:$0x2] =	stream.indirect.gather [hbm4b:s1+s23], $0x80, s29, s23, $0xb8;
	[tilespmem:$0x1D000] =	vst v63  }
0x84: {  	_ =	swait.ge [sflag:s26], $0x3E80  }
0x85: {  	[sflag:s26] =	ssyncset.done $0x0  }
0x86: {  	s31 =	simm.s32 $0x900;
	[sflag:s26] =	ssyncadd.s32 $0xFFFFC180  }
0x87: {  	[spmem:s2] =	stream.indirect.scatter.add.f32 [tilespmem:s19], [sflag:$0x3], $0x80, s31, s23, $0xb8;
	[tilespmem:$0x1D000] =	vst v63  }
0x88: {  	_ =	swait.ge [sflag:s28], $0x3E80  }
0x89: {  	[sflag:s28] =	ssyncset.done $0x0  }
0x8a: {  	s29 =	simm.s32 $0x200;
	[sflag:s28] =	ssyncadd.s32 $0xFFFFC180  }
0x8b: {  	[tilespmem:s19], [sflag:$0x1] =	stream.indirect.gather [hbm4b:s1+s23], $0x80, s29, s23, $0xb8;
	[tilespmem:$0x1D000] =	vst v63  }
0x8c: {  	_ =	swait.ge [sflag:s30], $0x3E80  }
0x8d: {  	[sflag:s30] =	ssyncset.done $0x0  }
0x8e: {  	s31 =	simm.s32 $0x980;
	[sflag:s30] =	ssyncadd.s32 $0xFFFFC180  }
0x8f: {  	[spmem:s2] =	stream.indirect.scatter.add.f32 [tilespmem:s25], [sflag:$0x4], $0x80, s31, s23, $0xb8;
	[tilespmem:$0x1D000] =	vst v63  }
0x90: {  	_ =	swait.ge [sflag:s5], $0x3E80  }
0x91: {  	[sflag:s5] =	ssyncset.done $0x0  }
0x92: {  	s29 =	simm.s32 $0x280;
	[sflag:s5] =	ssyncadd.s32 $0xFFFFC180  }
0x93: {  	[tilespmem:s25], [sflag:$0x2] =	stream.indirect.gather [hbm4b:s1+s23], $0x80, s29, s23, $0xb8;
	[tilespmem:$0x1D000] =	vst v63  }
0x94: {  	_ =	swait.ge [sflag:s26], $0x3E80  }
0x95: {  	[sflag:s26] =	ssyncset.done $0x0  }
0x96: {  	s31 =	simm.s32 $0xA00;
	[sflag:s26] =	ssyncadd.s32 $0xFFFFC180  }
0x97: {  	[spmem:s2] =	stream.indirect.scatter.add.f32 [tilespmem:s19], [sflag:$0x3], $0x80, s31, s23, $0xb8;
	[tilespmem:$0x1D000] =	vst v63  }
0x98: {  	_ =	swait.ge [sflag:s28], $0x3E80  }
0x99: {  	[sflag:s28] =	ssyncset.done $0x0  }
0x9a: {  	s29 =	simm.s32 $0x300;
	[sflag:s28] =	ssyncadd.s32 $0xFFFFC180  }
0x9b: {  	[tilespmem:s19], [sflag:$0x1] =	stream.indirect.gather [hbm4b:s1+s23], $0x80, s29, s23, $0xb8;
	[tilespmem:$0x1D000] =	vst v63  }
0x9c: {  	_ =	swait.ge [sflag:s30], $0x3E80  }
0x9d: {  	[sflag:s30] =	ssyncset.done $0x0  }
0x9e: {  	s31 =	simm.s32 $0xA80;
	[sflag:s30] =	ssyncadd.s32 $0xFFFFC180  }
0x9f: {  	[spmem:s2] =	stream.indirect.scatter.add.f32 [tilespmem:s25], [sflag:$0x4], $0x80, s31, s23, $0xb8;
	[tilespmem:$0x1D000] =	vst v63  }
0xa0: {  	_ =	swait.ge [sflag:s5], $0x3E80  }
0xa1: {  	[sflag:s5] =	ssyncset.done $0x0  }
0xa2: {  	s29 =	simm.s32 $0x380;
	[sflag:s5] =	ssyncadd.s32 $0xFFFFC180  }
0xa3: {  	[tilespmem:s25], [sflag:$0x2] =	stream.indirect.gather [hbm4b:s1+s23], $0x80, s29, s23, $0xb8;
	[tilespmem:$0x1D000] =	vst v63  }
0xa4: {  	_ =	swait.ge [sflag:s26], $0x3E80  }
0xa5: {  	[sflag:s26] =	ssyncset.done $0x0  }
0xa6: {  	s31 =	simm.s32 $0xB00;
	[sflag:s26] =	ssyncadd.s32 $0xFFFFC180  }
0xa7: {  	[spmem:s2] =	stream.indirect.scatter.add.f32 [tilespmem:s19], [sflag:$0x3], $0x80, s31, s23, $0xb8;
	[tilespmem:$0x1D000] =	vst v63  }
0xa8: {  	_ =	swait.ge [sflag:s7], $0x400  }
0xa9: {  	[sflag:s7] =	ssyncset.done $0x0  }
0xaa: {  	[sflag:s7] =	ssyncadd.s32 $0xFFFFFC00  }
0xab: {  	_ =	swait.ge [sflag:s7], $0x400  }
0xac: {  	[sflag:s7] =	ssyncset.done $0x0  }
0xad: {  	[sflag:s7] =	ssyncadd.s32 $0xFFFFFC00  }
0xae: {  	_ =	swait.ge [sflag:s28], $0x3E80  }
0xaf: {  	[sflag:s28] =	ssyncset.done $0x0  }
0xb0: {  	[sflag:s28] =	ssyncadd.s32 $0xFFFFC180  }
0xb1: {  	[tilespmem:s19], [sflag:$0x1] =	stream.indirect.gather [hbm4b:s1+s23], $0x80, s0, s23, $0xb8;
	[tilespmem:$0x1D000] =	vst v63  }
0xb2: {  	_ =	swait.ge [sflag:s30], $0x3E80  }
0xb3: {  	[sflag:s30] =	ssyncset.done $0x0  }
0xb4: {  	s29 =	simm.s32 $0xB80;
	[sflag:s30] =	ssyncadd.s32 $0xFFFFC180  }
0xb5: {  	[spmem:s2] =	stream.indirect.scatter.add.f32 [tilespmem:s25], [sflag:$0x4], $0x80, s29, s23, $0xb8;
	[tilespmem:$0x1D000] =	vst v63  }
0xb6: {  	_ =	swait.ge [sflag:s5], $0x3E80  }
0xb7: {  	[sflag:s5] =	ssyncset.done $0x0  }
0xb8: {  	s31 =	simm.s32 $0x480;
	[sflag:s5] =	ssyncadd.s32 $0xFFFFC180  }
0xb9: {  	[tilespmem:s25], [sflag:$0x2] =	stream.indirect.gather [hbm4b:s1+s23], $0x80, s31, s23, $0xb8;
	[tilespmem:$0x1D000] =	vst v63  }
0xba: {  	_ =	swait.ge [sflag:s26], $0x3E80  }
0xbb: {  	[sflag:s26] =	ssyncset.done $0x0  }
0xbc: {  	[sflag:s26] =	ssyncadd.s32 $0xFFFFC180  }
0xbd: {  	[spmem:s2] =	stream.indirect.scatter.add.f32 [tilespmem:s19], [sflag:$0x3], $0x80, s3, s23, $0xb8;
	[tilespmem:$0x1D000] =	vst v63  }
0xbe: {  	_ =	swait.ge [sflag:s28], $0x3E80  }
0xbf: {  	[sflag:s28] =	ssyncset.done $0x0  }
0xc0: {  	s29 =	simm.s32 $0x500;
	[sflag:s28] =	ssyncadd.s32 $0xFFFFC180  }
0xc1: {  	[tilespmem:s19], [sflag:$0x1] =	stream.indirect.gather [hbm4b:s1+s23], $0x80, s29, s23, $0xb8;
	[tilespmem:$0x1D000] =	vst v63  }
0xc2: {  	_ =	swait.ge [sflag:s30], $0x3E80  }
0xc3: {  	p0 =	seq.s32 s20, $0x400;
	[sflag:s30] =	ssyncset.done $0x0  }
0xc4: {  	s24 =	sadd.s32 @!p0 s20, s17;
	s31 =	simm.s32 $0xC80;
	[sflag:s30] =	ssyncadd.s32 $0xFFFFC180  }
0xc5: {  	[spmem:s2] =	stream.indirect.scatter.add.f32 [tilespmem:s25], [sflag:$0x4], $0x80, s31, s23, $0xb8;
	[tilespmem:$0x1D000] =	vst v63  }
0xc6: {  	s24 =	sadd.s32 @!p0 $0x100, s24;
	s29 =	simm.s32 @!p0 $0x0  }
0xc7: {  	[tilespmem:s29], [sflag:$0x5] =	stream.linear.gather @!p0 [hbm4b:s24+s29], $0x400, $0x38;
	[tilespmem:$0x1D000] =	vst v63  }
0xc8: {  	s24 =	sadd.s32 @!p0 s20, s18  }
0xc9: {  	s31 =	simm.s32 @!p0 $0x800;
	s24 =	sadd.s32 @!p0 $0x100, s24  }
0xca: {  	[tilespmem:s31], [sflag:$0x5] =	stream.linear.gather @!p0 [hbm4b:s24+s29], $0x400, $0x38;
	[tilespmem:$0x1D000] =	vst v63  }
0xcb: {  	_ =	swait.ge [sflag:s5], $0x3E80  }
0xcc: {  	[sflag:s5] =	ssyncset.done $0x0  }
0xcd: {  	[sflag:s5] =	ssyncadd.s32 $0xFFFFC180  }
0xce: {  	[tilespmem:s25], [sflag:$0x2] =	stream.indirect.gather [hbm4b:s1+s23], $0x80, s21, s23, $0xb8;
	[tilespmem:$0x1D000] =	vst v63  }
0xcf: {  	_ =	swait.ge [sflag:s26], $0x3E80  }
0xd0: {  	[sflag:s26] =	ssyncset.done $0x0  }
0xd1: {  	[sflag:s26] =	ssyncadd.s32 $0xFFFFC180  }
0xd2: {  	[spmem:s2] =	stream.indirect.scatter.add.f32 [tilespmem:s19], [sflag:$0x3], $0x80, s6, s23, $0xb8;
	[tilespmem:$0x1D000] =	vst v63  }
0xd3: {  	_ =	swait.ge [sflag:s28], $0x3E80  }
0xd4: {  	[sflag:s28] =	ssyncset.done $0x0  }
0xd5: {  	[sflag:s28] =	ssyncadd.s32 $0xFFFFC180  }
0xd6: {  	[tilespmem:s19], [sflag:$0x1] =	stream.indirect.gather [hbm4b:s1+s23], $0x80, s8, s23, $0xb8;
	[tilespmem:$0x1D000] =	vst v63  }
0xd7: {  	_ =	swait.ge [sflag:s30], $0x3E80  }
0xd8: {  	[sflag:s30] =	ssyncset.done $0x0  }
0xd9: {  	[sflag:s30] =	ssyncadd.s32 $0xFFFFC180  }
0xda: {  	[spmem:s2] =	stream.indirect.scatter.add.f32 [tilespmem:s25], [sflag:$0x4], $0x80, s9, s23, $0xb8;
	[tilespmem:$0x1D000] =	vst v63  }
0xdb: {  	_ =	swait.ge [sflag:s5], $0x3E80  }
0xdc: {  	[sflag:s5] =	ssyncset.done $0x0  }
0xdd: {  	[sflag:s5] =	ssyncadd.s32 $0xFFFFC180  }
0xde: {  	[tilespmem:s25], [sflag:$0x2] =	stream.indirect.gather [hbm4b:s1+s23], $0x80, s10, s23, $0xb8;
	[tilespmem:$0x1D000] =	vst v63  }
0xdf: {  	_ =	swait.ge [sflag:s26], $0x3E80  }
0xe0: {  	[sflag:s26] =	ssyncset.done $0x0  }
0xe1: {  	[sflag:s26] =	ssyncadd.s32 $0xFFFFC180  }
0xe2: {  	[spmem:s2] =	stream.indirect.scatter.add.f32 [tilespmem:s19], [sflag:$0x3], $0x80, s11, s23, $0xb8;
	[tilespmem:$0x1D000] =	vst v63  }
0xe3: {  	_ =	swait.ge [sflag:s28], $0x3E80  }
0xe4: {  	[sflag:s28] =	ssyncset.done $0x0  }
0xe5: {  	[sflag:s28] =	ssyncadd.s32 $0xFFFFC180  }
0xe6: {  	[tilespmem:s19], [sflag:$0x1] =	stream.indirect.gather [hbm4b:s1+s23], $0x80, s12, s23, $0xb8;
	[tilespmem:$0x1D000] =	vst v63  }
0xe7: {  	_ =	swait.ge [sflag:s30], $0x3E80  }
0xe8: {  	[sflag:s30] =	ssyncset.done $0x0  }
0xe9: {  	[sflag:s30] =	ssyncadd.s32 $0xFFFFC180  }
0xea: {  	[spmem:s2] =	stream.indirect.scatter.add.f32 [tilespmem:s25], [sflag:$0x4], $0x80, s13, s23, $0xb8;
	[tilespmem:$0x1D000] =	vst v63  }
0xeb: {  	_ =	swait.ge [sflag:s5], $0x3E80  }
0xec: {  	[sflag:s5] =	ssyncset.done $0x0  }
0xed: {  	[sflag:s5] =	ssyncadd.s32 $0xFFFFC180  }
0xee: {  	[tilespmem:s25], [sflag:$0x2] =	stream.indirect.gather [hbm4b:s1+s23], $0x80, s14, s23, $0xb8;
	[tilespmem:$0x1D000] =	vst v63  }
0xef: {  	_ =	swait.ge [sflag:s26], $0x3E80  }
0xf0: {  	[sflag:s26] =	ssyncset.done $0x0  }
.Ltmp3:
0xf1: {  	[sflag:s26] =	ssyncadd.s32 $0xFFFFC180;
	(pc) =	sbr.rel @p0 .LBB2_6-.Ltmp3, $4  }
0xf2: {  	[spmem:s2] =	stream.indirect.scatter.add.f32 [tilespmem:s19], [sflag:$0x3], $0x80, s15, s23, $0xb8;
	[tilespmem:$0x1D000] =	vst v63  }
0xf3: {  	_ =	swait.ge [sflag:s28], $0x3E80  }
0xf4: {  	[sflag:s28] =	ssyncset.done $0x0  }
0xf5: {  	[sflag:s28] =	ssyncadd.s32 $0xFFFFC180  }
0xf6: {  	_ =	swait.ge [sflag:s22], $0x400  }
0xf7: {  	[sflag:s22] =	ssyncset.done $0x0  }
0xf8: {  	[sflag:s22] =	ssyncadd.s32 $0xFFFFFC00  }
0xf9: {  	_ =	swait.ge [sflag:s22], $0x400  }
0xfa: {  	[sflag:s22] =	ssyncset.done $0x0  }
0xfb: {  	[sflag:s22] =	ssyncadd.s32 $0xFFFFFC00  }
0xfc: {  	[tilespmem:s19], [sflag:$0x1] =	stream.indirect.gather [hbm4b:s1+s23], $0x80, s4, s23, $0xb8;
	[tilespmem:$0x1D000] =	vst v63  }
0xfd: {  	_ =	swait.ge [sflag:s30], $0x3E80  }
0xfe: {  	[sflag:s30] =	ssyncset.done $0x0  }
0xff: {  	[sflag:s30] =	ssyncadd.s32 $0xFFFFC180  }
0x100: {  	[spmem:s2] =	stream.indirect.scatter.add.f32 [tilespmem:s25], [sflag:$0x4], $0x80, s16, s23, $0xb8;
	[tilespmem:$0x1D000] =	vst v63  }
.Ltmp4:
0x101: {  	_ = 	snop;
	(pc) =	sbr.rel .LBB2_4-.Ltmp4, $4  }
0x102: {  	_ =	swait.ge [sflag:s5], $0x3E80  }
0x103: {  	[sflag:s5] =	ssyncset.done $0x0  }
0x104: {  	s24 =	simm.s32 $0x80;
	s20 =	sadd.s32 $0x100, s20;
	[sflag:s5] =	ssyncadd.s32 $0xFFFFC180  }
0x105: {  	[tilespmem:s25], [sflag:$0x2] =	stream.indirect.gather [hbm4b:s1+s23], $0x80, s24, s23, $0xb8;
	[tilespmem:$0x1D000] =	vst v63  }
.LBB2_7:
0x106: {  	_ =	sfence.sel $0x180000  }
0x107: {  	[bflag:$0x0] =	sbarrier.arrive $0xFFFF  }
0x108: {  	_ =	strace $0x9000004D  }
0x109: {  	s0 =	stileid.u32;
	[bflag:$0x2] =	sbarrier.arrive $0xFFFF  }
0x10a: {  	p0 =	sne.s32 s0, $0x0;
	s0 =	rddreg [dreg:$0x3]  }
0x10b: {  	s0 =	sadd.s32 @!p0 $0x100000, s0  }
0x10c: {  	[sflag:s0] =	ssyncadd.tile.s32 @!p0 $0x1;
	_ =	shalt  }
.Lfunc_end2:
_tile_overlayer_lowered:
.L_overlay_start_2:
0x10d: {  	(tag) =	ssettag $0x2  }
0x10e: {  	s0 =	rddreg [dreg:$0x0];
	s2 =	stileid.u32  }
0x10f: {  	s1 =	rddreg [dreg:$0x1];
	p0 =	sne.s32 s2, $0x0  }
0x110: {  	s3 =	rddreg [dreg:$0x2];
	[bflag:$0x3] =	sbarrier.arrive $0xFFFF;
	s2 =	simm.s32 @!p0 $0x1C07  }
0x111: {  	[timem:s3], [sflag:s2] =	dma.local @!p0 [hbm:s0], s1  }
0x112: {  	s0 =	simm.s32 @!p0 $0x7  }
0x113: {  	_ =	swait.ge @!p0 [sflag:s0], s1  }
0x114: {  	s1 =	ssub.s32 @!p0 $0x0, s1;
	[sflag:s0] =	ssyncset.done @!p0 $0x0  }
0x115: {  	[sflag:s0] =	ssyncadd.s32 @!p0 s1  }
0x116: {  	[bflag:$0x3] =	sbarrier.arrive $0xFFFF  }
0x117: {  	_ =	shalt  }

// kernel: kernel.9.cloned.1.call-start
scs
__scs_entry_jumppad:
0x0: {  	(pc) =	sbr.rel $0x88, $3  }
0x1: {  	(tag) =	ssettag $0x0;
	lr =	simm.s32 $0x1  }
0x2: {  	[smem:$0x3F97] =	sst lr;
	_ =	strace $0xD0000000  }
0x3: {  	_ = 	snop  }
0x4: {  	_ = 	snop  }
0x5: {  	_ = 	snop  }
0x6: {  	_ = 	snop  }
0x7: {  	_ = 	snop  }
__scs_overlays_trampoline_lowered:
0x8: {  	[smem:$0x3FA6] =	sst s0  }
0x9: {  	[smem:$0x3FA7] =	sst s1  }
0xa: {  	[smem:$0x3FA8] =	sst s2  }
0xb: {  	[smem:$0x3FA9] =	sst s3  }
0xc: {  	[smem:$0x3FAA] =	sst s4  }
0xd: {  	[smem:$0x3FAB] =	sst s5  }
0xe: {  	[smem:$0x3FAC] =	sst s6  }
0xf: {  	[smem:$0x3FAD] =	sst s7  }
0x10: {  	[smem:$0x3FAE] =	sst s8  }
0x11: {  	[smem:$0x3FAF] =	sst s9;
	s0 =	simm.s32 @!p0 $0x0  }
0x12: {  	s1 =	sld [smem:$0x3F95];
	s0 =	simm.s32 @p0 $0x1  }
0x13: {  	[smem:$0x3FB0] =	sst s0;
	s0 =	simm.s32 @!p1 $0x0  }
0x14: {  	s2 =	sld [smem:$0x3F94];
	s0 =	simm.s32 @p1 $0x1  }
0x15: {  	[smem:$0x3FB1] =	sst s0;
	s0 =	simm.s32 @!p2 $0x0  }
0x16: {  	s3 =	sld [smem:$0x3FDB];
	s0 =	simm.s32 @p2 $0x1  }
0x17: {  	s4 =	simm.s32 $0x1BF5;
	[smem:$0x3FB3] =	sst s0  }
0x18: {  	s0 =	sld [smem:$0x3F96];
	_ =	swait.ge [sflag:s4], $0x0  }
0x19: {  	s7 =	sld [smem:$0x3F97]  }
0x1a: {  	s8 =	sadd.s32 $0xFFFFE003, lr  }
0x1b: {  	s9 =	sadd.s32 $0xFFFFFEF7, lr;
	s5 =	simm.s32 $0xFFFFFFFF;
	p2 =	slt.u32 s8, $0xFFFFF086  }
0x1c: {  	p1 =	slt.u32 s9, $0xF7A;
	s5 =	simm.s32 @!p2 $0x0  }
0x1d: {  	s5 =	simm.s32 @p1 $0x1;
	p0 =	seq.s32 s7, s2  }
0x1e: {  	s7 =	smul.u32 @!p0 $0xF7A, s2;
	p2 =	seq.s32 @!p0 s5, $0x0  }
0x1f: {  	s9 =	smul.u32 $0xF7A, s1;
	s8 =	simm.s32 @!p0 $0x1BF5;
	p2 =	por !p2, p0  }
0x20: {  	[sflag:s8] =	ssyncset.s32 @!p0 $0xFFFFF086;
	s6 =	sadd.s32 @!p0 s3, s7;
	s7 =	simm.s32 @!p0 $0x108  }
0x21: {  	s3 =	sadd.s32 s3, s9;
	s6 =	sadd.s32 @!p0 $0x88, s6;
	s7 =	simm.s32 @p2 $0x1082  }
0x22: {  	[simem:s7], [sflag:s8] =	dma.local @!p0 [hbm:s6], $0xF7A  }
0x23: {  	s9 =	sor.u32 $0xD0000000, s2;
	s6 =	simm.s32 $0x108;
	_ =	swait.ge @!p0 [sflag:s8], $0x0  }
0x24: {  	s3 =	sadd.s32 $0x88, s3;
	s6 =	simm.s32 @!p1 $0x1082;
	[sflag:s4] =	ssyncset.s32 $0xFFFFF086  }
0x25: {  	[simem:s6], [sflag:s4] =	dma.local [hbm:s3], $0xF7A  }
0x26: {  	[smem:$0x3F97] =	sst s1;
	(tag) =	ssettag s2;
	_ =	strace s9  }
0x27: {  	s1 =	sld [smem:$0x3FA7]  }
0x28: {  	s2 =	sld [smem:$0x3FA8]  }
0x29: {  	s4 =	sld [smem:$0x3FAA]  }
0x2a: {  	p0 =	seq.s32 s5, $0x0;
	s5 =	sld [smem:$0x3FAB]  }
0x2b: {  	s6 =	sld [smem:$0x3FAC]  }
0x2c: {  	s7 =	sld [smem:$0x3FAD]  }
0x2d: {  	s3 =	simm.s32 $0x108;
	s8 =	sld [smem:$0x3FAE]  }
0x2e: {  	s3 =	simm.s32 @!p0 $0x1082;
	s9 =	sld [smem:$0x3FAF]  }
0x2f: {  	lr =	sadd.s32 s0, s3;
	s0 =	sld [smem:$0x3FA6]  }
0x30: {  	s3 =	sld [smem:$0x3FA9]  }
0x31: {  	[smem:$0x3FB2] =	sst s10  }
0x32: {  	s10 =	sld [smem:$0x3FB0];
	_ =	sdelay $0x3  }
0x33: {  	p0 =	seq.s32 s10, $0x1;
	s10 =	sld [smem:$0x3FB2];
	_ =	sdelay $0x3  }
0x34: {  	[smem:$0x3FB2] =	sst s10  }
0x35: {  	s10 =	sld [smem:$0x3FB1];
	_ =	sdelay $0x3  }
0x36: {  	p1 =	seq.s32 s10, $0x1;
	s10 =	sld [smem:$0x3FB2];
	_ =	sdelay $0x3  }
0x37: {  	[smem:$0x3FB2] =	sst s10  }
0x38: {  	s10 =	sld [smem:$0x3FB3]  }
0x39: {  	_ = 	snop;
	(pc) =	sbr.ind lr, $3  }
0x3a: {  	_ = 	snop  }
0x3b: {  	_ = 	snop  }
0x3c: {  	p2 =	seq.s32 s10, $0x1;
	s10 =	sld [smem:$0x3FB2]  }
0x3d: {  	_ =	shalt  }
0x3e: {  	_ =	shalt  }
0x3f: {  	_ =	shalt  }
0x40: {  	_ =	shalt  }
0x41: {  	_ =	shalt  }
0x42: {  	_ =	shalt  }
0x43: {  	_ =	shalt  }
0x44: {  	_ =	shalt  }
0x45: {  	_ =	shalt  }
0x46: {  	_ =	shalt  }
0x47: {  	_ =	shalt  }
0x48: {  	_ =	shalt  }
0x49: {  	_ =	shalt  }
0x4a: {  	_ =	shalt  }
0x4b: {  	_ =	shalt  }
0x4c: {  	_ =	shalt  }
0x4d: {  	_ =	shalt  }
0x4e: {  	_ =	shalt  }
0x4f: {  	_ =	shalt  }
0x50: {  	_ =	shalt  }
0x51: {  	_ =	shalt  }
0x52: {  	_ =	shalt  }
0x53: {  	_ =	shalt  }
0x54: {  	_ =	shalt  }
0x55: {  	_ =	shalt  }
0x56: {  	_ =	shalt  }
0x57: {  	_ =	shalt  }
0x58: {  	_ =	shalt  }
0x59: {  	_ =	shalt  }
0x5a: {  	_ =	shalt  }
0x5b: {  	_ =	shalt  }
0x5c: {  	_ =	shalt  }
0x5d: {  	_ =	shalt  }
0x5e: {  	_ =	shalt  }
0x5f: {  	_ =	shalt  }
0x60: {  	_ =	shalt  }
0x61: {  	_ =	shalt  }
0x62: {  	_ =	shalt  }
0x63: {  	_ =	shalt  }
0x64: {  	_ =	shalt  }
0x65: {  	_ =	shalt  }
0x66: {  	_ =	shalt  }
0x67: {  	_ =	shalt  }
0x68: {  	_ =	shalt  }
0x69: {  	_ =	shalt  }
0x6a: {  	_ =	shalt  }
0x6b: {  	_ =	shalt  }
0x6c: {  	_ =	shalt  }
0x6d: {  	_ =	shalt  }
0x6e: {  	_ =	shalt  }
0x6f: {  	_ =	shalt  }
0x70: {  	_ =	shalt  }
0x71: {  	_ =	shalt  }
0x72: {  	_ =	shalt  }
0x73: {  	_ =	shalt  }
0x74: {  	_ =	shalt  }
0x75: {  	_ =	shalt  }
0x76: {  	_ =	shalt  }
0x77: {  	_ =	shalt  }
0x78: {  	_ =	shalt  }
0x79: {  	_ =	shalt  }
0x7a: {  	_ =	shalt  }
0x7b: {  	_ =	shalt  }
0x7c: {  	_ =	shalt  }
0x7d: {  	_ =	shalt  }
0x7e: {  	_ =	shalt  }
0x7f: {  	_ =	shalt  }
0x80: {  	_ =	shalt  }
0x81: {  	_ =	shalt  }
0x82: {  	_ =	shalt  }
0x83: {  	_ =	shalt  }
0x84: {  	_ =	shalt  }
0x85: {  	_ =	shalt  }
0x86: {  	_ =	shalt  }
0x87: {  	_ =	shalt  }
.Lfunc_end0:
.L_simem_size_0:
called_computation_lowered:
.L_overlay_start_0:
0x88: {  	s2 =	sld [smem:$0x3FD9]  }
0x89: {  	s3 =	sld [smem:$0x3FFE];
	_ =	sdelay $0x1  }
0x8a: {  	s1 =	srdreg.scid  }
0x8b: {  	s0 =	sand.u32 $0x1, s1  }
0x8c: {  	s16 =	sshll.u32 s0, $0xA;
	s2 =	sadd.s32 s3, s2  }
0x8d: {  	s2 =	sadd.s32 s2, s16  }
0x8e: {  	[smem:$0x3FBE] =	sst s2  }
0x8f: {  	_ = 	snop  }
0x90: {  	(tm) =	ssettm $0x1  }
0x91: {  	s17 =	sld [smem:$0x3FFB];
	_ =	sdelay $0x3  }
0x92: {  	_ =	strace s17  }
0x93: {  	s2 =	sld [smem:$0x3FFC];
	_ =	sdelay $0x3  }
0x94: {  	_ =	strace s2  }
0x95: {  	s2 =	sld [smem:$0x3FFD];
	_ =	sdelay $0x3  }
0x96: {  	_ =	strace s2  }
0x97: {  	_ =	strace $0x8FFFFFFF  }
0x98: {  	s18 =	sld [smem:$0x3FDB];
	_ =	sdelay $0x1  }
0x99: {  	s19 =	simm.s32 $_scs_section_size  }
0x9a: {  	s4 =	simm.s32 $_size__tile_overlayer_lowered;
	s5 =	simm.s32 $_tile_overlayer_lowered  }
0x9b: {  	s22 =	simm.s32 $0x1BFF;
	s21 =	sshll.u32 s5, $0x1;
	s2 =	sadd.s32 s19, s18  }
0x9c: {  	s6 =	simm.s32 $0x0;
	s20 =	sshll.u32 s4, $0x1;
	s4 =	sadd.s32 s21, s2  }
0x9d: {  	[timem:s6], [sflag:s22] =	dma.local [hbm:s4], s20  }
0x9e: {  	_ =	swait.ge [sflag:s22], s20  }
0x9f: {  	s3 =	ssub.s32 $0x0, s20;
	[sflag:s22] =	ssyncset.done $0x0  }
0xa0: {  	[sflag:s22] =	ssyncadd.s32 s3;
	_ =	sdelay $0x1  }
0xa1: {  	s23 =	simm.s32 $0x1B8B  }
0xa2: {  	_ =	swait.ge [sflag:s23], $0x1  }
0xa3: {  	[sflag:s23] =	ssyncset.done $0x0  }
0xa4: {  	s25 =	simm.s32 $0x1B8E;
	s24 =	sld [smem:$0x3FFE];
	[sflag:s23] =	ssyncadd.s32 $0xFFFFFFFF  }
0xa5: {  	s26 =	simm.s32 $execute0_lowered;
	[smem:$0x3FD2] =	sst s25  }
0xa6: {  	s4 =	sshll.u32 s26, $0x1;
	_ =	strace $0x80000046;
	[dreg:$0x1] =	wrdreg $0xFFFFFFFF  }
0xa7: {  	s28 =	simm.s32 $_size_execute0_lowered;
	s2 =	sadd.s32 s2, s4;
	[dreg:$0x0] =	wrdreg $0x0  }
0xa8: {  	s4 =	sshll.u32 s28, $0x1;
	[dreg:$0x2] =	wrdreg s2  }
0xa9: {  	[dreg:$0x3] =	wrdreg s4  }
0xaa: {  	[dreg:$0x4] =	wrdreg $0xC0  }
0xab: {  	_ =	task [dreg:s6], $0x5FFFF  }
0xac: {  	[dreg:$0x1] =	wrdreg $0xFFFFFFFF  }
0xad: {  	[dreg:$0x0] =	wrdreg $0x60  }
0xae: {  	[dreg:$0x2] =	wrdreg s24  }
0xaf: {  	[dreg:$0x3] =	wrdreg $0x68000  }
0xb0: {  	[dreg:$0x4] =	wrdreg $0x9  }
0xb1: {  	_ =	task.clear_ibuf [dreg:s6], $0x5FFFF;
	_ =	strace $0x90000046  }
0xb2: {  	s29 =	simm.s32 $0x9;
	_ =	strace $0x80000048  }
0xb3: {  	_ =	swait.ge [sflag:s29], $0x1  }
0xb4: {  	[sflag:s29] =	ssyncadd.s32 $0xFFFFFFFF  }
0xb5: {  	_ =	strace $0x90000048  }
0xb6: {  	_ =	sfence  }
0xb7: {  	s30 =	sld [smem:$0x0];
	_ =	sdelay $0x2  }
0xb8: {  	s31 =	sshll.u32 s1, $0xD;
	s1 =	sshrl.u32 s1, $0x2  }
0xb9: {  	s3 =	sand.u32 $0x4000, s31;
	s1 =	sadd.s32 s1, s30  }
0xba: {  	s0 =	sor.u32 s3, s0;
	s1 =	sshll.u32 s1, $0x11  }
0xbb: {  	s0 =	sor.u32 s1, s0  }
0xbc: {  	s0 =	sadd.s32 $0x8F2B, s0  }
0xbd: {  	[sflag:s0] =	ssyncadd.remote.s32 $0x1  }
0xbe: {  	_ =	sfence.sel $0xFFFF  }
0xbf: {  	[dreg:$0x0] =	wrdreg $0xFFFFFFFF;
	(pc) =	sbr.abs _section_cstart, $3  }
0xc0: {  	[dreg:$0x1] =	wrdreg $0xFFFFFFFF  }
0xc1: {  	_ =	task.clear_ibuf [dreg:s6], $0x2FFFF;
	_ =	strace $0x9FFFFFFF  }
0xc2: {  	(tm) =	ssettm $0x7FFFFFFF  }
0xc3: {  	_ =	shalt  }
tec
execute0_lowered:
.L_overlay_start_1:
0x0: {  	(tag) =	ssettag $0x1  }
0x1: {  	s4 =	rddreg [dreg:$0x0]  }
0x2: {  	s2 =	rddreg [dreg:$0x1];
	s1 =	srdreg.scid  }
0x3: {  	s0 =	rddreg [dreg:$0x2];
	s3 =	simm.s32 $0x0;
	s15 =	simm.s32 $0x2  }
0x4: {  	s16 =	simm.s32 $0x2800;
	s17 =	simm.s32 $0x7D;
	s18 =	simm.s32 $0x1  }
0x5: {  	s21 =	simm.s32 $0x0;
	s5 =	sand.u32 $0x1, s1;
	s1 =	stileid.u32  }
0x6: {  	[smem:$0x7FF] =	sst s3;
	s6 =	smul.u32 $0x140000, s5;
	s7 =	sshll.u32 s5, $0x4  }
0x7: {  	s8 =	smul.u32 $0x14000, s1;
	_ =	strace $0x80000047;
	s5 =	ssub.s32 $0x2, s5  }
0x8: {  	s29 =	smul.u32 $0x50000, s1;
	s19 =	sshll.u32 s1, $0x6;
	s7 =	sor.u32 s1, s7  }
0x9: {  	s30 =	sshrl.u32 s5, $0x1;
	s7 =	smul.u32 $0x500, s7;
	s6 =	sadd.s32 s8, s6  }
0xa: {  	s19 =	sor.u32 $0x1C02, s19;
	s9 =	ssub.s32 s5, s30;
	s6 =	sshrl.u32 s6, $0x3  }
0xb: {  	s31 =	sshrl.u32 s29, $0x2;
	s7 =	sadd.s32 s7, s4;
	s6 =	sadd.s32 s6, s4  }
0xc: {  	s4 =	sadd.s32 $0x2C00, s7;
	s5 =	sadd.s32 $0xCC00, s6;
	s6 =	sadd.s32 s31, s2  }
0xd: {  	s7 =	smax.u32 s9, $0x1;
	s8 =	sadd.s32 $0x2800, s6;
	s9 =	sadd.s32 $0x5000, s6  }
0xe: {  	s10 =	sadd.s32 $0x7800, s6;
	s11 =	sadd.s32 $0xA000, s6;
	s12 =	sadd.s32 $0xC800, s6  }
0xf: {  	v0 =	vimm.f32 $0.0e+00;
	v1 =	vimm.f32 $1.000000000e+00;
	s13 =	sadd.s32 $0xF000, s6;
	s14 =	sadd.s32 $0x11800, s6;
	s20 =	sshrl.u32 s6, $0x3  }
.LBB2_1:
0x10: {  	[tilespmem:s3], [sflag:$0x2] =	stream.linear.gather [hbm4b:s4+s3], $0x2800, $0x38;
	[tilespmem:$0x1A800] =	vst v63  }
0x11: {  	_ =	swait.ge [sflag:s15], $0x2800  }
0x12: {  	[sflag:s15] =	ssyncset.done $0x0  }
0x13: {  	s22 =	simm.s32 $0x70;
	s23 =	simm.s32 $0x3C0;
	[sflag:s15] =	ssyncadd.s32 $0xFFFFD800  }
.LBB2_2:
0x14: {  	p0 =	sne.s32 s23, $0xF9C0;
	[tilespmem:s22+$0x2800] =	vst v0  }
0x15: {  	[tilespmem:s22+$0x2790] =	vst v0  }
0x16: {  	[tilespmem:s22+$0x27A0] =	vst v0  }
.Ltmp0:
0x17: {  	[tilespmem:s22+$0x27B0] =	vst v0;
	(pc) =	sbr.rel @p0 .LBB2_2-.Ltmp0, $4  }
0x18: {  	[tilespmem:s22+$0x27C0] =	vst v0  }
0x19: {  	[tilespmem:s22+$0x27D0] =	vst v0  }
0x1a: {  	[tilespmem:s22+$0x27E0] =	vst v0  }
0x1b: {  	[tilespmem:s22+$0x27F0] =	vst v0;
	s22 =	sshra.s32 s23, $0x2;
	s23 =	sadd.s32 $0x200, s23  }
0x1c: {  	[tilespmem:s22+$0x2800] =	vst v0  }
0x1d: {  	[tilespmem:s22+$0x2790] =	vst v0  }
0x1e: {  	[tilespmem:s22+$0x27A0] =	vst v0  }
0x1f: {  	[tilespmem:s22+$0x27B0] =	vst v0  }
0x20: {  	[tilespmem:s22+$0x27C0] =	vst v0  }
0x21: {  	[tilespmem:s22+$0x27D0] =	vst v0  }
0x22: {  	[tilespmem:s22+$0x27E0] =	vst v0  }
0x23: {  	[tilespmem:s22+$0x27F0] =	vst v0  }
0x24: {  	[spmem:s6] =	stream.linear.scatter [tilespmem:s16], [sflag:$0x2], $0x2800, $0x38;
	[tilespmem:$0x1A800] =	vst v63  }
0x25: {  	_ =	swait.ge [sflag:s15], $0x2800  }
0x26: {  	[sflag:s15] =	ssyncset.done $0x0  }
0x27: {  	[sflag:s15] =	ssyncadd.s32 $0xFFFFD800  }
0x28: {  	[spmem:s8] =	stream.linear.scatter [tilespmem:s16], [sflag:$0x2], $0x2800, $0x38;
	[tilespmem:$0x1A800] =	vst v63  }
0x29: {  	_ =	swait.ge [sflag:s15], $0x2800  }
0x2a: {  	[sflag:s15] =	ssyncset.done $0x0  }
0x2b: {  	[sflag:s15] =	ssyncadd.s32 $0xFFFFD800  }
0x2c: {  	[spmem:s9] =	stream.linear.scatter [tilespmem:s16], [sflag:$0x2], $0x2800, $0x38;
	[tilespmem:$0x1A800] =	vst v63  }
0x2d: {  	_ =	swait.ge [sflag:s15], $0x2800  }
0x2e: {  	[sflag:s15] =	ssyncset.done $0x0  }
0x2f: {  	[sflag:s15] =	ssyncadd.s32 $0xFFFFD800  }
0x30: {  	[spmem:s10] =	stream.linear.scatter [tilespmem:s16], [sflag:$0x2], $0x2800, $0x38;
	[tilespmem:$0x1A800] =	vst v63  }
0x31: {  	_ =	swait.ge [sflag:s15], $0x2800  }
0x32: {  	[sflag:s15] =	ssyncset.done $0x0  }
0x33: {  	[sflag:s15] =	ssyncadd.s32 $0xFFFFD800  }
0x34: {  	[spmem:s11] =	stream.linear.scatter [tilespmem:s16], [sflag:$0x2], $0x2800, $0x38;
	[tilespmem:$0x1A800] =	vst v63  }
0x35: {  	_ =	swait.ge [sflag:s15], $0x2800  }
0x36: {  	[sflag:s15] =	ssyncset.done $0x0  }
0x37: {  	[sflag:s15] =	ssyncadd.s32 $0xFFFFD800  }
0x38: {  	[spmem:s12] =	stream.linear.scatter [tilespmem:s16], [sflag:$0x2], $0x2800, $0x38;
	[tilespmem:$0x1A800] =	vst v63  }
0x39: {  	_ =	swait.ge [sflag:s15], $0x2800  }
0x3a: {  	[sflag:s15] =	ssyncset.done $0x0  }
0x3b: {  	[sflag:s15] =	ssyncadd.s32 $0xFFFFD800  }
0x3c: {  	[spmem:s13] =	stream.linear.scatter [tilespmem:s16], [sflag:$0x2], $0x2800, $0x38;
	[tilespmem:$0x1A800] =	vst v63  }
0x3d: {  	_ =	swait.ge [sflag:s15], $0x2800  }
0x3e: {  	[sflag:s15] =	ssyncset.done $0x0  }
0x3f: {  	[sflag:s15] =	ssyncadd.s32 $0xFFFFD800  }
0x40: {  	[spmem:s14] =	stream.linear.scatter [tilespmem:s16], [sflag:$0x2], $0x2800, $0x38;
	[tilespmem:$0x1A800] =	vst v63  }
0x41: {  	_ =	swait.ge [sflag:s15], $0x2800  }
0x42: {  	[sflag:s15] =	ssyncset.done $0x0  }
0x43: {  	s22 =	simm.s32 $0x70;
	s23 =	simm.s32 $0x3C0;
	[sflag:s15] =	ssyncadd.s32 $0xFFFFD800  }
.LBB2_4:
0x44: {  	p0 =	sne.s32 s23, $0xF9C0;
	[tilespmem:s22+$0x2800] =	vst v1  }
0x45: {  	[tilespmem:s22+$0x2790] =	vst v1  }
0x46: {  	[tilespmem:s22+$0x27A0] =	vst v1  }
.Ltmp1:
0x47: {  	[tilespmem:s22+$0x27B0] =	vst v1;
	(pc) =	sbr.rel @p0 .LBB2_4-.Ltmp1, $4  }
0x48: {  	[tilespmem:s22+$0x27C0] =	vst v1  }
0x49: {  	[tilespmem:s22+$0x27D0] =	vst v1  }
0x4a: {  	[tilespmem:s22+$0x27E0] =	vst v1  }
0x4b: {  	[tilespmem:s22+$0x27F0] =	vst v1;
	s22 =	sshra.s32 s23, $0x2;
	s23 =	sadd.s32 $0x200, s23  }
0x4c: {  	[tilespmem:s22+$0x2800] =	vst v1  }
0x4d: {  	[tilespmem:s22+$0x2790] =	vst v1  }
0x4e: {  	[tilespmem:s22+$0x27A0] =	vst v1  }
0x4f: {  	[tilespmem:s22+$0x27B0] =	vst v1  }
0x50: {  	[tilespmem:s22+$0x27C0] =	vst v1  }
0x51: {  	[tilespmem:s22+$0x27D0] =	vst v1  }
0x52: {  	[tilespmem:s22+$0x27E0] =	vst v1  }
0x53: {  	[tilespmem:s22+$0x27F0] =	vst v1  }
0x54: {  	s22 =	simm.s32 $0x0;
	[bflag:$0x0] =	sbarrier.arrive $0xFFFF  }
.LBB2_6:
0x55: {  	p0 =	sne.s32 s22, $0x9E00  }
.Ltmp2:
0x56: {  	_ = 	snop;
	(pc) =	sbr.rel @p0 .LBB2_6-.Ltmp2, $3  }
0x57: {  	_ =	sdelay $0x1  }
0x58: {  	s23 =	sshra.s32 s22, $0x2;
	s22 =	sadd.s32 $0x200, s22  }
0x59: {  	[spmem:s2] =	stream.indirect.scatter.add.f32 [tilespmem:s16], [sflag:$0x1], $0x80, s23, s17, $0xb8;
	[tilespmem:$0x1A800] =	vst v63  }
0x5a: {  	_ =	swait.ge [sflag:s18], $0x3E80  }
0x5b: {  	s22 =	simm.s32 $0x4F;
	[sflag:s18] =	ssyncset.done $0x0  }
.LBB2_8:
0x5c: {  	p0 =	sne.s32 s22, $0x1;
	s22 =	sadd.s32 $0xFFFFFFFF, s22;
	[sflag:s18] =	ssyncadd.s32 $0xFFFFC180  }
.Ltmp3:
0x5d: {  	(pc) =	sbr.rel @p0 .LBB2_8-.Ltmp3, $3  }
0x5e: {  	_ =	sdelay $0x1  }
0x5f: {  	_ =	swait.ge [sflag:s18], $0x3E80  }
0x60: {  	[sflag:s18] =	ssyncset.done $0x0  }
0x61: {  	s21 =	sadd.s32 $0x1, s21  }
0x62: {  	[sflag:s18] =	ssyncadd.s32 $0xFFFFC180;
	p0 =	sne.s32 s21, s7  }
.Ltmp4:
0x63: {  	[bflag:$0x0] =	sbarrier.arrive $0xFFFF;
	(pc) =	sbr.rel @p0 .LBB2_1-.Ltmp4, $4  }
0x64: {  	[hbm:s5], [sflag:s19] =	dma.local [spmem:s20], $0x2800  }
0x65: {  	_ =	swait.ge [sflag:s15], $0x2800  }
0x66: {  	[sflag:s15] =	ssyncset.done $0x0  }
0x67: {  	[sflag:s15] =	ssyncadd.s32 $0xFFFFD800  }
0x68: {  	_ =	sfence.sel $0x180000  }
0x69: {  	[bflag:$0x0] =	sbarrier.arrive $0xFFFF  }
0x6a: {  	p0 =	sne.s32 s1, $0x0;
	_ =	strace $0x90000047  }
0x6b: {  	s0 =	sadd.s32 @!p0 $0x100000, s0;
	[bflag:$0x2] =	sbarrier.arrive $0xFFFF  }
0x6c: {  	[sflag:s0] =	ssyncadd.tile.s32 @!p0 $0x1;
	_ =	shalt  }
.Lfunc_end2:
_tile_overlayer_lowered:
.L_overlay_start_2:
0x6d: {  	(tag) =	ssettag $0x2  }
0x6e: {  	s0 =	rddreg [dreg:$0x0];
	s2 =	stileid.u32  }
0x6f: {  	s1 =	rddreg [dreg:$0x1];
	p0 =	sne.s32 s2, $0x0  }
0x70: {  	s3 =	rddreg [dreg:$0x2];
	[bflag:$0x3] =	sbarrier.arrive $0xFFFF;
	s2 =	simm.s32 @!p0 $0x1C02  }
0x71: {  	[timem:s3], [sflag:s2] =	dma.local @!p0 [hbm:s0], s1  }
0x72: {  	s0 =	simm.s32 @!p0 $0x2  }
0x73: {  	_ =	swait.ge @!p0 [sflag:s0], s1  }
0x74: {  	s1 =	ssub.s32 @!p0 $0x0, s1;
	[sflag:s0] =	ssyncset.done @!p0 $0x0  }
0x75: {  	[sflag:s0] =	ssyncadd.s32 @!p0 s1  }
0x76: {  	[bflag:$0x3] =	sbarrier.arrive $0xFFFF  }
0x77: {  	_ =	shalt  }

</sc_bundles>
